<compile_context>
chip_gen: v7x
topology: tpu7x:2x2x1
jax: 0.10.2.dev20260603
libtpu: 0.0.44.dev20260713+nightly
codegen_flags: <defaults>
</compile_context>

<pallas_src>
import functools

import jax
import jax.numpy as jnp
from jax import lax
from jax.experimental import pallas as pl
from jax.experimental.pallas import tpu as pltpu
from jax.experimental.pallas import tpu_sc as plsc

HIDDEN = 1024
LANES = 16
HC = HIDDEN // LANES
EPS = 1e-12
INV_H = 1.0 / HIDDEN
C = 16


_GATHER_DNUMS = lax.GatherDimensionNumbers(
    offset_dims=(), collapsed_slice_dims=(0,), start_index_map=(0,))


def _take16(v, idx):
    return lax.gather(v, idx[:, None], _GATHER_DNUMS, (1,),
                      mode=lax.GatherScatterMode.PROMISE_IN_BOUNDS)


def _lane_sum(v):
    lane = lax.iota(jnp.int32, LANES)
    for sh in (8, 4, 2, 1):
        v = v + _take16(v, lane ^ sh)
    return v


def _rsqrt_vec(x):
    i = lax.bitcast_convert_type(x, jnp.int32)
    i = jnp.int32(0x5F3759DF) - lax.shift_right_logical(i, 1)
    y = lax.bitcast_convert_type(i, jnp.float32)
    for _ in range(4):
        y = y * (1.5 - 0.5 * x * y * y)
    return y


@functools.lru_cache(maxsize=None)
def _make_sc_kernel(num_tokens):
    info = plsc.get_sparse_core_info()
    nc, ns = info.num_cores, info.num_subcores
    nw = nc * ns
    tpw = num_tokens // nw
    nch = tpw // C
    mesh = plsc.VectorSubcoreMesh(core_axis_name="c", subcore_axis_name="s")

    @functools.partial(
        pl.kernel,
        mesh=mesh,
        out_type=jax.ShapeDtypeStruct((num_tokens, HIDDEN), jnp.float32),
        scratch_types=[
            pltpu.VMEM((4, nch, C), jnp.int32),
            pltpu.VMEM((2, C, HIDDEN), jnp.float32),
            pltpu.VMEM((2, C, HIDDEN), jnp.float32),
            pltpu.VMEM((2, C, HIDDEN), jnp.float32),
            pltpu.VMEM((2, HIDDEN), jnp.float32),
            pltpu.VMEM((2, HIDDEN), jnp.float32),
            pltpu.VMEM((HIDDEN,), jnp.float32),
            pltpu.SemaphoreType.DMA,
            pltpu.SemaphoreType.DMA,
            pltpu.SemaphoreType.DMA,
            pltpu.SemaphoreType.DMA,
            pltpu.SemaphoreType.DMA,
            pltpu.SemaphoreType.DMA,
        ],
    )
    def sc_kernel(ids_hbm, word_hbm, pos_hbm, type_hbm, ln_hbm, out_hbm,
                  idv, wbuf, pbuf, obuf, ttv, lnv, dbuf,
                  sem_w0, sem_w1, sem_p0, sem_p1, sem_o0, sem_o1):
        wid = lax.axis_index("s") * nc + lax.axis_index("c")
        base = wid * tpw
        pltpu.sync_copy(ids_hbm.at[wid], idv)
        pltpu.sync_copy(type_hbm, ttv)
        pltpu.sync_copy(ln_hbm, lnv)

        @plsc.parallel_loop(0, HC, unroll=8)
        def _dinit(j):
            o = pl.ds(j * LANES, LANES)
            dbuf[o] = ttv[1, o] - ttv[0, o]

        sem_ws = (sem_w0, sem_w1)
        sem_ps = (sem_p0, sem_p1)
        sem_os = (sem_o0, sem_o1)

        def w_copy(c, slot):
            return pltpu.make_async_copy(
                word_hbm.at[idv.at[0, c]], wbuf.at[slot], sem_ws[slot])

        def p_copy(c, slot):
            return pltpu.make_async_copy(
                pos_hbm.at[idv.at[1, c]], pbuf.at[slot], sem_ps[slot])

        def o_copy(c, slot):
            return pltpu.make_async_copy(
                obuf.at[slot], out_hbm.at[pl.ds(base + c * C, C)], sem_os[slot])

        zv = jnp.zeros((LANES,), jnp.float32)

        def _stats(vs, vq):
            mean = _lane_sum(vs) * INV_H
            var = _lane_sum(vq) * INV_H - mean * mean
            rv = _rsqrt_vec(var + EPS)
            return rv, mean * rv

        def compute_chunk(c, slot):
            tidv = idv[2, c, :].astype(jnp.float32)

            lane = lax.iota(jnp.int32, LANES)

            def fast_chunk():
                @plsc.parallel_loop(0, C, carry=(zv, zv))
                def phase_a(t, acc):
                    Sv, Qv = acc

                    @plsc.parallel_loop(0, HC, carry=(zv, zv), unroll=8)
                    def p1(j, carry):
                        vs, vq = carry
                        o = pl.ds(j * LANES, LANES)
                        x = wbuf[slot, t, o] + pbuf[slot, t, o]
                        wbuf[slot, t, o] = x
                        return vs + x, vq + x * x

                    vs, vq = p1
                    lanef = lane.astype(jnp.float32)
                    tf = t.astype(jnp.float32)
                    maskf = jnp.maximum(0.0, 1.0 - jnp.abs(lanef - tf))
                    return (Sv + _lane_sum(vs) * maskf,
                            Qv + _lane_sum(vq) * maskf)

                Sv, Qv = phase_a
                meanv = Sv * INV_H
                varv = Qv * INV_H - meanv * meanv
                rvv = _rsqrt_vec(varv + EPS)
                bvv = meanv * rvv

                def p2_tok(t):
                    ti = jnp.full((LANES,), t, jnp.int32)
                    rv = _take16(rvv, ti)
                    bv = _take16(bvv, ti)

                    @plsc.parallel_loop(0, HC, unroll=8)
                    def p2(j):
                        o = pl.ds(j * LANES, LANES)
                        obuf[slot, t, o] = wbuf[slot, t, o] * rv - bv

                plsc.parallel_loop(0, C)(p2_tok)

            def token_body(t):
                tid = _take16(tidv, jnp.full((LANES,), t, jnp.int32))

                @plsc.parallel_loop(0, HC, carry=(zv, zv), unroll=8)
                def p1(j, carry):
                    vs, vq = carry
                    o = pl.ds(j * LANES, LANES)
                    x = (wbuf[slot, t, o] + pbuf[slot, t, o]
                         + tid * dbuf[o])
                    wbuf[slot, t, o] = x
                    return vs + x, vq + x * x

                rv, bv = _stats(*p1)

                @plsc.parallel_loop(0, HC, unroll=8)
                def p2(j):
                    o = pl.ds(j * LANES, LANES)
                    x = wbuf[slot, t, o]
                    obuf[slot, t, o] = (x * rv - bv) * lnv[0, o] + lnv[1, o]

            lax.cond(idv[3, c, :][0] != 0,
                     fast_chunk,
                     lambda: plsc.parallel_loop(0, C)(token_body))

        for slot in range(2):
            w_copy(slot, slot).start()
            p_copy(slot, slot).start()

        half = nch // 2

        def outer(g, _):
            for slot in range(2):
                c = g * 2 + slot
                w_copy(c, slot).wait()
                p_copy(c, slot).wait()

                @pl.when(g >= 1)
                def _():
                    o_copy(c - 2, slot).wait()

                compute_chunk(c, slot)
                o_copy(c, slot).start()

                @pl.when(g < half - 1)
                def _():
                    w_copy(c + 2, slot).start()
                    p_copy(c + 2, slot).start()

            return 0

        lax.fori_loop(0, half, outer, 0)
        for slot in range(2):
            o_copy(nch - 2 + slot, slot).wait()

    return sc_kernel, nw, nch


def kernel(input_ids, position_ids, token_type_ids, word_table, pos_table,
           type_table, ln_weight, ln_bias):
    num_tokens = input_ids.shape[0]
    fn, nw, nch = _make_sc_kernel(num_tokens)
    tid3 = token_type_ids.astype(jnp.int32).reshape(nw, nch, C)
    ln_trivial = jnp.all(ln_weight == 1.0) & jnp.all(ln_bias == 0.0)
    flag = (jnp.all(tid3 == 0, axis=2) & ln_trivial).astype(jnp.int32)
    flag3 = jnp.broadcast_to(flag[:, :, None], (nw, nch, C))
    ids = jnp.stack(
        [
            input_ids.astype(jnp.int32).reshape(nw, nch, C),
            position_ids.astype(jnp.int32).reshape(nw, nch, C),
            tid3,
            flag3,
        ],
        axis=1,
    )
    ln = jnp.stack([ln_weight, ln_bias])
    pos2 = pos_table + type_table[0][None, :]
    return fn(ids, word_table, pos2, type_table, ln)

# --- scband reference (transcript-rebuilt; emitter-appended) ---
"""Pipeline reference for scband-bert-embedding-29386166239847 (READ-ONLY COPY).

The authoritative reference and input builder live on the scoring server;
editing this copy changes nothing except your own understanding.
"""

import jax, jax.numpy as jnp
import numpy as np

VOCAB = 30522
HIDDEN = 1024
MAX_POS = 2048
TYPE_VOCAB = 2
NUM_TOKENS = 8192
EPS = 1e-12


def setup_inputs(seed: int = 0) -> dict:
    key = jax.random.key(seed)
    k1, k2, k3, k4, k5, k6 = jax.random.split(key, 6)
    input_ids = jax.random.randint(k1, (NUM_TOKENS,), 0, VOCAB, dtype=jnp.int64 if jax.config.jax_enable_x64 else jnp.int32)
    position_ids = jax.random.randint(k2, (NUM_TOKENS,), 0, MAX_POS, dtype=jnp.int64 if jax.config.jax_enable_x64 else jnp.int32)
    token_type_ids = jnp.zeros((NUM_TOKENS,), dtype=jnp.int64 if jax.config.jax_enable_x64 else jnp.int32)
    word_table = jax.random.normal(k3, (VOCAB, HIDDEN), dtype=jnp.float32) * 0.02
    pos_table = jax.random.normal(k4, (MAX_POS, HIDDEN), dtype=jnp.float32) * 0.02
    type_table = jax.random.normal(k5, (TYPE_VOCAB, HIDDEN), dtype=jnp.float32) * 0.02
    ln_weight = jnp.ones((HIDDEN,), dtype=jnp.float32)
    ln_bias = jnp.zeros((HIDDEN,), dtype=jnp.float32)
    return {
        "input_ids": input_ids,
        "position_ids": position_ids,
        "token_type_ids": token_type_ids,
        "word_table": word_table,
        "pos_table": pos_table,
        "type_table": type_table,
        "ln_weight": ln_weight,
        "ln_bias": ln_bias,
    }


def _layernorm(x, w, b, eps):
    mean = jnp.mean(x, axis=-1, keepdims=True)
    var = jnp.mean(jnp.square(x - mean), axis=-1, keepdims=True)
    return (x - mean) * jax.lax.rsqrt(var + eps) * w + b


def reference(input_ids, position_ids, token_type_ids, word_table, pos_table, type_table, ln_weight, ln_bias):
    inputs_embeds = jnp.take(word_table, input_ids, axis=0)
    position_embeddings = jnp.take(pos_table, position_ids, axis=0)
    token_type_embeddings = jnp.take(type_table, token_type_ids, axis=0)
    embeddings = inputs_embeds + token_type_embeddings
    embeddings = embeddings + position_embeddings
    embeddings = _layernorm(embeddings, ln_weight, ln_bias, EPS)
    return embeddings

if __name__ == "__main__":
    import jax
    _d = setup_inputs()
    print(jax.jit(kernel)(*tuple(_d.values())))

</pallas_src>

<mosaic_0001>
#map = affine_map<(d0, d1) -> (0, 0, 0, 0)>
#map1 = affine_map<(d0, d1) -> (0, 0)>
module attributes {stable_mosaic.version = 14 : i64} {
  func.func @sc_kernel(%arg0: i32, %arg1: i32, %arg2: memref<32x4x16x16xi32, #tpu.memory_space<hbm>>, %arg3: memref<30522x1024xf32, #tpu.memory_space<hbm>>, %arg4: memref<2048x1024xf32, #tpu.memory_space<hbm>>, %arg5: memref<2x1024xf32, #tpu.memory_space<hbm>>, %arg6: memref<2x1024xf32, #tpu.memory_space<hbm>>, %arg7: memref<8192x1024xf32, #tpu.memory_space<hbm>>, %arg8: memref<4x16x16xi32, #tpu.memory_space<vmem>>, %arg9: memref<2x16x1024xf32, #tpu.memory_space<vmem>>, %arg10: memref<2x16x1024xf32, #tpu.memory_space<vmem>>, %arg11: memref<2x16x1024xf32, #tpu.memory_space<vmem>>, %arg12: memref<2x1024xf32, #tpu.memory_space<vmem>>, %arg13: memref<2x1024xf32, #tpu.memory_space<vmem>>, %arg14: memref<1024xf32, #tpu.memory_space<vmem>>, %arg15: memref<!tpu.dma_semaphore, #tpu.memory_space<semaphore_mem>>, %arg16: memref<!tpu.dma_semaphore, #tpu.memory_space<semaphore_mem>>, %arg17: memref<!tpu.dma_semaphore, #tpu.memory_space<semaphore_mem>>, %arg18: memref<!tpu.dma_semaphore, #tpu.memory_space<semaphore_mem>>, %arg19: memref<!tpu.dma_semaphore, #tpu.memory_space<semaphore_mem>>, %arg20: memref<!tpu.dma_semaphore, #tpu.memory_space<semaphore_mem>>) attributes {dimension_semantics = [#tpu.dimension_semantics<core_parallel>, #tpu.dimension_semantics<subcore_parallel>], iteration_bounds = array<i64: 2, 16>, scalar_prefetch = 0 : i64, scratch_operands = 13 : i64, tpu.core_type = #tpu.core_type<sc_vector_subcore>, window_params = [{transform_indices = #map}, {transform_indices = #map1}, {transform_indices = #map1}, {transform_indices = #map1}, {transform_indices = #map1}, {transform_indices = #map1}]} {
    %mul3A = arith.constant 2 : i32
    %mul3A_0 = arith.muli %arg1, %mul3A : i32
    %add3A = arith.addi %mul3A_0, %arg0 : i32
    %mul3A_1 = arith.constant 256 : i32
    %mul3A_2 = arith.muli %add3A, %mul3A_1 : i32
    "tpu.region"() ({
      %run_scoped3A = tpu.sem_alloc : memref<!tpu.dma_semaphore, #tpu.memory_space<semaphore_mem>>
      %dma_start3A_92 = arith.constant 0 : i32
      %dma_start3A_93 = arith.constant 0 : i32
      %dma_start3A_94 = arith.constant 0 : i32
      %dma_start3A_95 = tpu.memref_slice %arg2[%add3A, %dma_start3A_92, %dma_start3A_93, %dma_start3A_94] : memref<32x4x16x16xi32, #tpu.memory_space<hbm>> -> memref<1x4x16x16xi32, #tpu.memory_space<hbm>>
      %dma_start3A_96 = tpu.memref_squeeze %dma_start3A_95 : memref<1x4x16x16xi32, #tpu.memory_space<hbm>> -> memref<4x16x16xi32, #tpu.memory_space<hbm>>
      %dma_start3A_97 = arith.constant 0 : i32
      %dma_start3A_98 = arith.constant 0 : i32
      %dma_start3A_99 = arith.constant 0 : i32
      %dma_start3A_100 = tpu.memref_slice %arg2[%add3A, %dma_start3A_97, %dma_start3A_98, %dma_start3A_99] : memref<32x4x16x16xi32, #tpu.memory_space<hbm>> -> memref<1x4x16x16xi32, #tpu.memory_space<hbm>>
      %dma_start3A_101 = tpu.memref_squeeze %dma_start3A_100 : memref<1x4x16x16xi32, #tpu.memory_space<hbm>> -> memref<4x16x16xi32, #tpu.memory_space<hbm>>
      tpu.enqueue_dma source(%dma_start3A_101 : memref<4x16x16xi32, #tpu.memory_space<hbm>>) target(%arg8 : memref<4x16x16xi32, #tpu.memory_space<vmem>>) target_semaphore(%run_scoped3A : memref<!tpu.dma_semaphore, #tpu.memory_space<semaphore_mem>>)
      %dma_wait3A_102 = arith.constant 0 : i32
      %dma_wait3A_103 = arith.constant 0 : i32
      %dma_wait3A_104 = arith.constant 0 : i32
      %dma_wait3A_105 = tpu.memref_slice %arg2[%add3A, %dma_wait3A_102, %dma_wait3A_103, %dma_wait3A_104] : memref<32x4x16x16xi32, #tpu.memory_space<hbm>> -> memref<1x4x16x16xi32, #tpu.memory_space<hbm>>
      %dma_wait3A_106 = tpu.memref_squeeze %dma_wait3A_105 : memref<1x4x16x16xi32, #tpu.memory_space<hbm>> -> memref<4x16x16xi32, #tpu.memory_space<hbm>>
      %dma_wait3A_107 = arith.constant 0 : i32
      %dma_wait3A_108 = arith.constant 0 : i32
      %dma_wait3A_109 = arith.constant 0 : i32
      %dma_wait3A_110 = tpu.memref_slice %arg2[%add3A, %dma_wait3A_107, %dma_wait3A_108, %dma_wait3A_109] : memref<32x4x16x16xi32, #tpu.memory_space<hbm>> -> memref<1x4x16x16xi32, #tpu.memory_space<hbm>>
      %dma_wait3A_111 = tpu.memref_squeeze %dma_wait3A_110 : memref<1x4x16x16xi32, #tpu.memory_space<hbm>> -> memref<4x16x16xi32, #tpu.memory_space<hbm>>
      tpu.wait_dma2 semaphore(%run_scoped3A : memref<!tpu.dma_semaphore, #tpu.memory_space<semaphore_mem>>) src(%dma_wait3A_111 : memref<4x16x16xi32, #tpu.memory_space<hbm>>) dst(%arg8 : memref<4x16x16xi32, #tpu.memory_space<vmem>>)
      tpu.yield
    }) : () -> ()
    "tpu.region"() ({
      %run_scoped3A = tpu.sem_alloc : memref<!tpu.dma_semaphore, #tpu.memory_space<semaphore_mem>>
      tpu.enqueue_dma source(%arg5 : memref<2x1024xf32, #tpu.memory_space<hbm>>) target(%arg12 : memref<2x1024xf32, #tpu.memory_space<vmem>>) target_semaphore(%run_scoped3A : memref<!tpu.dma_semaphore, #tpu.memory_space<semaphore_mem>>)
      tpu.wait_dma2 semaphore(%run_scoped3A : memref<!tpu.dma_semaphore, #tpu.memory_space<semaphore_mem>>) src(%arg5 : memref<2x1024xf32, #tpu.memory_space<hbm>>) dst(%arg12 : memref<2x1024xf32, #tpu.memory_space<vmem>>)
      tpu.yield
    }) : () -> ()
    "tpu.region"() ({
      %run_scoped3A = tpu.sem_alloc : memref<!tpu.dma_semaphore, #tpu.memory_space<semaphore_mem>>
      tpu.enqueue_dma source(%arg6 : memref<2x1024xf32, #tpu.memory_space<hbm>>) target(%arg13 : memref<2x1024xf32, #tpu.memory_space<vmem>>) target_semaphore(%run_scoped3A : memref<!tpu.dma_semaphore, #tpu.memory_space<semaphore_mem>>)
      tpu.wait_dma2 semaphore(%run_scoped3A : memref<!tpu.dma_semaphore, #tpu.memory_space<semaphore_mem>>) src(%arg6 : memref<2x1024xf32, #tpu.memory_space<hbm>>) dst(%arg13 : memref<2x1024xf32, #tpu.memory_space<vmem>>)
      tpu.yield
    }) : () -> ()
    %parallel_loop3A = arith.constant 0 : i32
    %parallel_loop3A_3 = arith.constant 64 : i32
    %parallel_loop3A_4 = arith.constant 1 : i32
    scf.for %parallel_loop3A_92 = %parallel_loop3A to %parallel_loop3A_3 step %parallel_loop3A_4  : i32 {
      %parallel_loop3A_93 = arith.constant 16 : i32
      %parallel_loop3A_94 = arith.muli %parallel_loop3A_92, %parallel_loop3A_93 : i32
      %parallel_loop3A_95 = arith.constant 1 : i32
      %parallel_loop3A_96 = arith.index_cast %parallel_loop3A_95 : i32 to index
      %parallel_loop3A_97 = arith.index_cast %parallel_loop3A_94 : i32 to index
      %parallel_loop3A_98 = tpu.vector_load %arg12[%parallel_loop3A_96, %parallel_loop3A_97] {strides = array<i32>} : memref<2x1024xf32, #tpu.memory_space<vmem>>, vector<1x16xf32>,
      %parallel_loop3A_99 = vector.shape_cast %parallel_loop3A_98 : vector<1x16xf32> to vector<16xf32>
      %parallel_loop3A_100 = arith.constant 0 : i32
      %parallel_loop3A_101 = arith.index_cast %parallel_loop3A_100 : i32 to index
      %parallel_loop3A_102 = arith.index_cast %parallel_loop3A_94 : i32 to index
      %parallel_loop3A_103 = tpu.vector_load %arg12[%parallel_loop3A_101, %parallel_loop3A_102] {strides = array<i32>} : memref<2x1024xf32, #tpu.memory_space<vmem>>, vector<1x16xf32>,
      %parallel_loop3A_104 = vector.shape_cast %parallel_loop3A_103 : vector<1x16xf32> to vector<16xf32>
      %parallel_loop3A_105 = arith.subf %parallel_loop3A_99, %parallel_loop3A_104 : vector<16xf32>
      %parallel_loop3A_106 = arith.index_cast %parallel_loop3A_94 : i32 to index
      %parallel_loop3A_107 = tpu.vector_load %arg14[%parallel_loop3A_106] {strides = array<i32>} : memref<1024xf32, #tpu.memory_space<vmem>>, vector<16xf32>,
      %parallel_loop3A_108 = vector.shape_cast %parallel_loop3A_107 : vector<16xf32> to vector<16xf32>
      %parallel_loop3A_109 = vector.shape_cast %parallel_loop3A_105 : vector<16xf32> to vector<16xf32>
      tpu.vector_store %arg14[%parallel_loop3A_106], %parallel_loop3A_109 {strides = array<i32>} : memref<1024xf32, #tpu.memory_space<vmem>>, vector<16xf32>,
    } {sc.loop_unroll_factor = 8 : i64, sc.parallel_access}
    %broadcast_in_dim3A = arith.constant 0.000000e+00 : f32
    %broadcast_in_dim3A_5 = vector.broadcast %broadcast_in_dim3A : f32 to vector<16xf32>
    %dma_start3A = arith.constant 0 : i32
    %dma_start3A_6 = arith.constant 0 : i32
    %dma_start3A_7 = arith.constant 0 : i32
    %dma_start3A_8 = arith.constant 0 : i32
    %dma_start3A_9 = arith.constant 0 : i32
    %dma_start3A_10 = tpu.memref_slice %arg9[%dma_start3A_7, %dma_start3A_8, %dma_start3A_9] : memref<2x16x1024xf32, #tpu.memory_space<vmem>> -> memref<1x16x1024xf32, #tpu.memory_space<vmem>>
    %dma_start3A_11 = tpu.memref_squeeze %dma_start3A_10 : memref<1x16x1024xf32, #tpu.memory_space<vmem>> -> memref<16x1024xf32, #tpu.memory_space<vmem>>
    %dma_start3A_12 = arith.constant 0 : i32
    %dma_start3A_13 = tpu.memref_slice %arg8[%dma_start3A, %dma_start3A_6, %dma_start3A_12] : memref<4x16x16xi32, #tpu.memory_space<vmem>> -> memref<1x1x16xi32, #tpu.memory_space<vmem>>
    %dma_start3A_14 = tpu.memref_squeeze %dma_start3A_13 : memref<1x1x16xi32, #tpu.memory_space<vmem>> -> memref<16xi32, #tpu.memory_space<vmem>>
    %dma_start3A_15 = arith.constant 0 : i32
    %dma_start3A_16 = arith.constant 0 : i32
    %dma_start3A_17 = tpu.memref_slice %arg3[%dma_start3A_15, %dma_start3A_16] : memref<30522x1024xf32, #tpu.memory_space<hbm>> -> memref<30522x1024xf32, #tpu.memory_space<hbm>>
    tpu.enqueue_indirect_dma source(%dma_start3A_17 : memref<30522x1024xf32, #tpu.memory_space<hbm>>) target(%dma_start3A_11 : memref<16x1024xf32, #tpu.memory_space<vmem>>) offsets(%dma_start3A_14 : memref<16xi32, #tpu.memory_space<vmem>>) semaphore(%arg15 : memref<!tpu.dma_semaphore, #tpu.memory_space<semaphore_mem>>)
    %dma_start3A_18 = arith.constant 1 : i32
    %dma_start3A_19 = arith.constant 0 : i32
    %dma_start3A_20 = arith.constant 0 : i32
    %dma_start3A_21 = arith.constant 0 : i32
    %dma_start3A_22 = arith.constant 0 : i32
    %dma_start3A_23 = tpu.memref_slice %arg10[%dma_start3A_20, %dma_start3A_21, %dma_start3A_22] : memref<2x16x1024xf32, #tpu.memory_space<vmem>> -> memref<1x16x1024xf32, #tpu.memory_space<vmem>>
    %dma_start3A_24 = tpu.memref_squeeze %dma_start3A_23 : memref<1x16x1024xf32, #tpu.memory_space<vmem>> -> memref<16x1024xf32, #tpu.memory_space<vmem>>
    %dma_start3A_25 = arith.constant 0 : i32
    %dma_start3A_26 = tpu.memref_slice %arg8[%dma_start3A_18, %dma_start3A_19, %dma_start3A_25] : memref<4x16x16xi32, #tpu.memory_space<vmem>> -> memref<1x1x16xi32, #tpu.memory_space<vmem>>
    %dma_start3A_27 = tpu.memref_squeeze %dma_start3A_26 : memref<1x1x16xi32, #tpu.memory_space<vmem>> -> memref<16xi32, #tpu.memory_space<vmem>>
    %dma_start3A_28 = arith.constant 0 : i32
    %dma_start3A_29 = arith.constant 0 : i32
    %dma_start3A_30 = tpu.memref_slice %arg4[%dma_start3A_28, %dma_start3A_29] : memref<2048x1024xf32, #tpu.memory_space<hbm>> -> memref<2048x1024xf32, #tpu.memory_space<hbm>>
    tpu.enqueue_indirect_dma source(%dma_start3A_30 : memref<2048x1024xf32, #tpu.memory_space<hbm>>) target(%dma_start3A_24 : memref<16x1024xf32, #tpu.memory_space<vmem>>) offsets(%dma_start3A_27 : memref<16xi32, #tpu.memory_space<vmem>>) semaphore(%arg17 : memref<!tpu.dma_semaphore, #tpu.memory_space<semaphore_mem>>)
    %dma_start3A_31 = arith.constant 0 : i32
    %dma_start3A_32 = arith.constant 1 : i32
    %dma_start3A_33 = arith.constant 1 : i32
    %dma_start3A_34 = arith.constant 0 : i32
    %dma_start3A_35 = arith.constant 0 : i32
    %dma_start3A_36 = tpu.memref_slice %arg9[%dma_start3A_33, %dma_start3A_34, %dma_start3A_35] : memref<2x16x1024xf32, #tpu.memory_space<vmem>> -> memref<1x16x1024xf32, #tpu.memory_space<vmem>>
    %dma_start3A_37 = tpu.memref_squeeze %dma_start3A_36 : memref<1x16x1024xf32, #tpu.memory_space<vmem>> -> memref<16x1024xf32, #tpu.memory_space<vmem>>
    %dma_start3A_38 = arith.constant 0 : i32
    %dma_start3A_39 = tpu.memref_slice %arg8[%dma_start3A_31, %dma_start3A_32, %dma_start3A_38] : memref<4x16x16xi32, #tpu.memory_space<vmem>> -> memref<1x1x16xi32, #tpu.memory_space<vmem>>
    %dma_start3A_40 = tpu.memref_squeeze %dma_start3A_39 : memref<1x1x16xi32, #tpu.memory_space<vmem>> -> memref<16xi32, #tpu.memory_space<vmem>>
    %dma_start3A_41 = arith.constant 0 : i32
    %dma_start3A_42 = arith.constant 0 : i32
    %dma_start3A_43 = tpu.memref_slice %arg3[%dma_start3A_41, %dma_start3A_42] : memref<30522x1024xf32, #tpu.memory_space<hbm>> -> memref<30522x1024xf32, #tpu.memory_space<hbm>>
    tpu.enqueue_indirect_dma source(%dma_start3A_43 : memref<30522x1024xf32, #tpu.memory_space<hbm>>) target(%dma_start3A_37 : memref<16x1024xf32, #tpu.memory_space<vmem>>) offsets(%dma_start3A_40 : memref<16xi32, #tpu.memory_space<vmem>>) semaphore(%arg16 : memref<!tpu.dma_semaphore, #tpu.memory_space<semaphore_mem>>)
    %dma_start3A_44 = arith.constant 1 : i32
    %dma_start3A_45 = arith.constant 1 : i32
    %dma_start3A_46 = arith.constant 1 : i32
    %dma_start3A_47 = arith.constant 0 : i32
    %dma_start3A_48 = arith.constant 0 : i32
    %dma_start3A_49 = tpu.memref_slice %arg10[%dma_start3A_46, %dma_start3A_47, %dma_start3A_48] : memref<2x16x1024xf32, #tpu.memory_space<vmem>> -> memref<1x16x1024xf32, #tpu.memory_space<vmem>>
    %dma_start3A_50 = tpu.memref_squeeze %dma_start3A_49 : memref<1x16x1024xf32, #tpu.memory_space<vmem>> -> memref<16x1024xf32, #tpu.memory_space<vmem>>
    %dma_start3A_51 = arith.constant 0 : i32
    %dma_start3A_52 = tpu.memref_slice %arg8[%dma_start3A_44, %dma_start3A_45, %dma_start3A_51] : memref<4x16x16xi32, #tpu.memory_space<vmem>> -> memref<1x1x16xi32, #tpu.memory_space<vmem>>
    %dma_start3A_53 = tpu.memref_squeeze %dma_start3A_52 : memref<1x1x16xi32, #tpu.memory_space<vmem>> -> memref<16xi32, #tpu.memory_space<vmem>>
    %dma_start3A_54 = arith.constant 0 : i32
    %dma_start3A_55 = arith.constant 0 : i32
    %dma_start3A_56 = tpu.memref_slice %arg4[%dma_start3A_54, %dma_start3A_55] : memref<2048x1024xf32, #tpu.memory_space<hbm>> -> memref<2048x1024xf32, #tpu.memory_space<hbm>>
    tpu.enqueue_indirect_dma source(%dma_start3A_56 : memref<2048x1024xf32, #tpu.memory_space<hbm>>) target(%dma_start3A_50 : memref<16x1024xf32, #tpu.memory_space<vmem>>) offsets(%dma_start3A_53 : memref<16xi32, #tpu.memory_space<vmem>>) semaphore(%arg18 : memref<!tpu.dma_semaphore, #tpu.memory_space<semaphore_mem>>)
    %scan3A = arith.constant 0 : i32
    %scan3A_57 = arith.constant 0 : i32
    %scan3A_58 = arith.constant 8 : i32
    %scan3A_59 = arith.addi %scan3A_57, %scan3A_58 : i32
    %scan3A_60 = arith.constant 1 : i32
    %scan3A_61 = scf.for %scan3A_92 = %scan3A_57 to %scan3A_59 step %scan3A_60 iter_args(%scan3A_93 = %scan3A) -> (i32)  : i32 {
      %mul3A_94 = arith.constant 2 : i32
      %mul3A_95 = arith.muli %scan3A_92, %mul3A_94 : i32
      %add3A_96 = arith.constant 0 : i32
      %add3A_97 = arith.addi %mul3A_95, %add3A_96 : i32
      %dma_wait3A_98 = arith.constant 0 : i32
      %dma_wait3A_99 = arith.constant 0 : i32
      %dma_wait3A_100 = arith.constant 0 : i32
      %dma_wait3A_101 = arith.constant 0 : i32
      %dma_wait3A_102 = tpu.memref_slice %arg9[%dma_wait3A_99, %dma_wait3A_100, %dma_wait3A_101] : memref<2x16x1024xf32, #tpu.memory_space<vmem>> -> memref<1x16x1024xf32, #tpu.memory_space<vmem>>
      %dma_wait3A_103 = tpu.memref_squeeze %dma_wait3A_102 : memref<1x16x1024xf32, #tpu.memory_space<vmem>> -> memref<16x1024xf32, #tpu.memory_space<vmem>>
      %dma_wait3A_104 = arith.constant 0 : i32
      %dma_wait3A_105 = tpu.memref_slice %arg8[%dma_wait3A_98, %add3A_97, %dma_wait3A_104] : memref<4x16x16xi32, #tpu.memory_space<vmem>> -> memref<1x1x16xi32, #tpu.memory_space<vmem>>
      %dma_wait3A_106 = tpu.memref_squeeze %dma_wait3A_105 : memref<1x1x16xi32, #tpu.memory_space<vmem>> -> memref<16xi32, #tpu.memory_space<vmem>>
      %dma_wait3A_107 = arith.constant 0 : i32
      %dma_wait3A_108 = arith.constant 0 : i32
      %dma_wait3A_109 = tpu.memref_slice %arg3[%dma_wait3A_107, %dma_wait3A_108] : memref<30522x1024xf32, #tpu.memory_space<hbm>> -> memref<30522x1024xf32, #tpu.memory_space<hbm>>
      tpu.wait_indirect_dma semaphore(%arg15 : memref<!tpu.dma_semaphore, #tpu.memory_space<semaphore_mem>>) src(%dma_wait3A_109 : memref<30522x1024xf32, #tpu.memory_space<hbm>>) dst(%dma_wait3A_103 : memref<16x1024xf32, #tpu.memory_space<vmem>>)
      %dma_wait3A_110 = arith.constant 1 : i32
      %dma_wait3A_111 = arith.constant 0 : i32
      %dma_wait3A_112 = arith.constant 0 : i32
      %dma_wait3A_113 = arith.constant 0 : i32
      %dma_wait3A_114 = tpu.memref_slice %arg10[%dma_wait3A_111, %dma_wait3A_112, %dma_wait3A_113] : memref<2x16x1024xf32, #tpu.memory_space<vmem>> -> memref<1x16x1024xf32, #tpu.memory_space<vmem>>
      %dma_wait3A_115 = tpu.memref_squeeze %dma_wait3A_114 : memref<1x16x1024xf32, #tpu.memory_space<vmem>> -> memref<16x1024xf32, #tpu.memory_space<vmem>>
      %dma_wait3A_116 = arith.constant 0 : i32
      %dma_wait3A_117 = tpu.memref_slice %arg8[%dma_wait3A_110, %add3A_97, %dma_wait3A_116] : memref<4x16x16xi32, #tpu.memory_space<vmem>> -> memref<1x1x16xi32, #tpu.memory_space<vmem>>
      %dma_wait3A_118 = tpu.memref_squeeze %dma_wait3A_117 : memref<1x1x16xi32, #tpu.memory_space<vmem>> -> memref<16xi32, #tpu.memory_space<vmem>>
      %dma_wait3A_119 = arith.constant 0 : i32
      %dma_wait3A_120 = arith.constant 0 : i32
      %dma_wait3A_121 = tpu.memref_slice %arg4[%dma_wait3A_119, %dma_wait3A_120] : memref<2048x1024xf32, #tpu.memory_space<hbm>> -> memref<2048x1024xf32, #tpu.memory_space<hbm>>
      tpu.wait_indirect_dma semaphore(%arg17 : memref<!tpu.dma_semaphore, #tpu.memory_space<semaphore_mem>>) src(%dma_wait3A_121 : memref<2048x1024xf32, #tpu.memory_space<hbm>>) dst(%dma_wait3A_115 : memref<16x1024xf32, #tpu.memory_space<vmem>>)
      %ge3A = arith.constant 1 : i32
      %ge3A_122 = arith.cmpi sge, %scan3A_92, %ge3A : i32
      %convert_element_type3A = arith.extui %ge3A_122 : i1 to i32
      %cond3A = arith.constant 0 : i32
      %cond3A_123 = arith.cmpi ne, %convert_element_type3A, %cond3A : i32
      scf.if %cond3A_123 {
        %sub3A = arith.constant 2 : i32
        %sub3A_236 = arith.subi %add3A_97, %sub3A : i32
        %mul3A_237 = arith.constant 16 : i32
        %mul3A_238 = arith.muli %sub3A_236, %mul3A_237 : i32
        %add3A_239 = arith.addi %mul3A_2, %mul3A_238 : i32
        %dma_wait3A_240 = arith.constant 0 : i32
        %dma_wait3A_241 = arith.constant 0 : i32
        %dma_wait3A_242 = arith.constant 0 : i32
        %dma_wait3A_243 = tpu.memref_slice %arg11[%dma_wait3A_240, %dma_wait3A_241, %dma_wait3A_242] : memref<2x16x1024xf32, #tpu.memory_space<vmem>> -> memref<1x16x1024xf32, #tpu.memory_space<vmem>>
        %dma_wait3A_244 = tpu.memref_squeeze %dma_wait3A_243 : memref<1x16x1024xf32, #tpu.memory_space<vmem>> -> memref<16x1024xf32, #tpu.memory_space<vmem>>
        %dma_wait3A_245 = arith.constant 0 : i32
        %dma_wait3A_246 = tpu.memref_slice %arg7[%add3A_239, %dma_wait3A_245] : memref<8192x1024xf32, #tpu.memory_space<hbm>> -> memref<16x1024xf32, #tpu.memory_space<hbm>>
        %dma_wait3A_247 = arith.constant 0 : i32
        %dma_wait3A_248 = tpu.memref_slice %arg7[%add3A_239, %dma_wait3A_247] : memref<8192x1024xf32, #tpu.memory_space<hbm>> -> memref<16x1024xf32, #tpu.memory_space<hbm>>
        %dma_wait3A_249 = arith.constant 0 : i32
        %dma_wait3A_250 = arith.constant 0 : i32
        %dma_wait3A_251 = tpu.memref_slice %arg11[%dma_wait3A_240, %dma_wait3A_249, %dma_wait3A_250] : memref<2x16x1024xf32, #tpu.memory_space<vmem>> -> memref<1x16x1024xf32, #tpu.memory_space<vmem>>
        %dma_wait3A_252 = tpu.memref_squeeze %dma_wait3A_251 : memref<1x16x1024xf32, #tpu.memory_space<vmem>> -> memref<16x1024xf32, #tpu.memory_space<vmem>>
        tpu.wait_dma2 semaphore(%arg19 : memref<!tpu.dma_semaphore, #tpu.memory_space<semaphore_mem>>) src(%dma_wait3A_252 : memref<16x1024xf32, #tpu.memory_space<vmem>>) dst(%dma_wait3A_248 : memref<16x1024xf32, #tpu.memory_space<hbm>>)
      } else {
      }
      %get3A = arith.constant 2 : i32
      %get3A_124 = arith.index_cast %get3A : i32 to index
      %get3A_125 = arith.index_cast %add3A_97 : i32 to index
      %get3A_126 = arith.constant 0 : index
      %get3A_127 = tpu.vector_load %arg8[%get3A_124, %get3A_125, %get3A_126] {strides = array<i32>} : memref<4x16x16xi32, #tpu.memory_space<vmem>>, vector<1x1x16xi32>,
      %get3A_128 = vector.shape_cast %get3A_127 : vector<1x1x16xi32> to vector<16xi32>
      %convert_element_type3A_129 = arith.sitofp %get3A_128 : vector<16xi32> to vector<16xf32>
      %iota3A = tpu.iota {dimensions = array<i32: 0>} : vector<16xi32>
      %get3A_130 = arith.constant 3 : i32
      %get3A_131 = arith.index_cast %get3A_130 : i32 to index
      %get3A_132 = arith.index_cast %add3A_97 : i32 to index
      %get3A_133 = arith.constant 0 : index
      %get3A_134 = tpu.vector_load %arg8[%get3A_131, %get3A_132, %get3A_133] {strides = array<i32>} : memref<4x16x16xi32, #tpu.memory_space<vmem>>, vector<1x1x16xi32>,
      %get3A_135 = vector.shape_cast %get3A_134 : vector<1x1x16xi32> to vector<16xi32>
      %slice3A = vector.extract_strided_slice %get3A_135 {offsets = [0], sizes = [1], strides = [1]} : vector<16xi32> to vector<1xi32>
      %squeeze3A = vector.extract %slice3A[0] : i32 from vector<1xi32>
      %ne3A = arith.constant 0 : i32
      %ne3A_136 = arith.cmpi ne, %squeeze3A, %ne3A : i32
      %convert_element_type3A_137 = arith.extui %ne3A_136 : i1 to i32
      %cond3A_138 = arith.constant 0 : i32
      %cond3A_139 = arith.cmpi ne, %convert_element_type3A_137, %cond3A_138 : i32
      scf.if %cond3A_139 {
        %parallel_loop3A_236 = arith.constant 0 : i32
        %parallel_loop3A_237 = arith.constant 16 : i32
        %parallel_loop3A_238 = arith.constant 1 : i32
        %parallel_loop3A_239:2 = scf.for %parallel_loop3A_296 = %parallel_loop3A_236 to %parallel_loop3A_237 step %parallel_loop3A_238 iter_args(%parallel_loop3A_297 = %broadcast_in_dim3A_5, %parallel_loop3A_298 = %broadcast_in_dim3A_5) -> (vector<16xf32>, vector<16xf32>)  : i32 {
          %parallel_loop3A_299 = arith.constant 0 : i32
          %parallel_loop3A_300 = arith.constant 64 : i32
          %parallel_loop3A_301 = arith.constant 1 : i32
          %parallel_loop3A_302:2 = scf.for %parallel_loop3A_376 = %parallel_loop3A_299 to %parallel_loop3A_300 step %parallel_loop3A_301 iter_args(%parallel_loop3A_377 = %broadcast_in_dim3A_5, %parallel_loop3A_378 = %broadcast_in_dim3A_5) -> (vector<16xf32>, vector<16xf32>)  : i32 {
            %parallel_loop3A_379 = arith.constant 16 : i32
            %parallel_loop3A_380 = arith.muli %parallel_loop3A_376, %parallel_loop3A_379 : i32
            %parallel_loop3A_381 = arith.constant 0 : i32
            %parallel_loop3A_382 = arith.index_cast %parallel_loop3A_381 : i32 to index
            %parallel_loop3A_383 = arith.index_cast %parallel_loop3A_296 : i32 to index
            %parallel_loop3A_384 = arith.index_cast %parallel_loop3A_380 : i32 to index
            %parallel_loop3A_385 = tpu.vector_load %arg9[%parallel_loop3A_382, %parallel_loop3A_383, %parallel_loop3A_384] {strides = array<i32>} : memref<2x16x1024xf32, #tpu.memory_space<vmem>>, vector<1x1x16xf32>,
            %parallel_loop3A_386 = vector.shape_cast %parallel_loop3A_385 : vector<1x1x16xf32> to vector<16xf32>
            %parallel_loop3A_387 = arith.constant 0 : i32
            %parallel_loop3A_388 = arith.index_cast %parallel_loop3A_387 : i32 to index
            %parallel_loop3A_389 = arith.index_cast %parallel_loop3A_296 : i32 to index
            %parallel_loop3A_390 = arith.index_cast %parallel_loop3A_380 : i32 to index
            %parallel_loop3A_391 = tpu.vector_load %arg10[%parallel_loop3A_388, %parallel_loop3A_389, %parallel_loop3A_390] {strides = array<i32>} : memref<2x16x1024xf32, #tpu.memory_space<vmem>>, vector<1x1x16xf32>,
            %parallel_loop3A_392 = vector.shape_cast %parallel_loop3A_391 : vector<1x1x16xf32> to vector<16xf32>
            %parallel_loop3A_393 = arith.addf %parallel_loop3A_386, %parallel_loop3A_392 : vector<16xf32>
            %parallel_loop3A_394 = arith.constant 0 : i32
            %parallel_loop3A_395 = arith.index_cast %parallel_loop3A_394 : i32 to index
            %parallel_loop3A_396 = arith.index_cast %parallel_loop3A_296 : i32 to index
            %parallel_loop3A_397 = arith.index_cast %parallel_loop3A_380 : i32 to index
            %parallel_loop3A_398 = tpu.vector_load %arg9[%parallel_loop3A_395, %parallel_loop3A_396, %parallel_loop3A_397] {strides = array<i32>} : memref<2x16x1024xf32, #tpu.memory_space<vmem>>, vector<1x1x16xf32>,
            %parallel_loop3A_399 = vector.shape_cast %parallel_loop3A_398 : vector<1x1x16xf32> to vector<16xf32>
            %parallel_loop3A_400 = vector.shape_cast %parallel_loop3A_393 : vector<16xf32> to vector<1x1x16xf32>
            tpu.vector_store %arg9[%parallel_loop3A_395, %parallel_loop3A_396, %parallel_loop3A_397], %parallel_loop3A_400 {strides = array<i32>} : memref<2x16x1024xf32, #tpu.memory_space<vmem>>, vector<1x1x16xf32>,
            %parallel_loop3A_401 = arith.addf %parallel_loop3A_377, %parallel_loop3A_393 : vector<16xf32>
            %parallel_loop3A_402 = arith.mulf %parallel_loop3A_393, %parallel_loop3A_393 : vector<16xf32>
            %parallel_loop3A_403 = arith.addf %parallel_loop3A_378, %parallel_loop3A_402 : vector<16xf32>
            scf.yield %parallel_loop3A_401, %parallel_loop3A_403 : vector<16xf32>, vector<16xf32>
          } {sc.loop_unroll_factor = 8 : i64, sc.parallel_access}
          %parallel_loop3A_303 = arith.sitofp %iota3A : vector<16xi32> to vector<16xf32>
          %parallel_loop3A_304 = arith.sitofp %parallel_loop3A_296 : i32 to f32
          %parallel_loop3A_305 = vector.broadcast %parallel_loop3A_304 : f32 to vector<16xf32>
          %parallel_loop3A_306 = arith.subf %parallel_loop3A_303, %parallel_loop3A_305 : vector<16xf32>
          %parallel_loop3A_307 = math.absf %parallel_loop3A_306 : vector<16xf32>
          %parallel_loop3A_308 = arith.constant 1.000000e+00 : f32
          %parallel_loop3A_309 = vector.broadcast %parallel_loop3A_308 : f32 to vector<16xf32>
          %parallel_loop3A_310 = arith.subf %parallel_loop3A_309, %parallel_loop3A_307 : vector<16xf32>
          %parallel_loop3A_311 = arith.constant 0.000000e+00 : f32
          %parallel_loop3A_312 = vector.broadcast %parallel_loop3A_311 : f32 to vector<16xf32>
          %parallel_loop3A_313 = arith.maximumf %parallel_loop3A_312, %parallel_loop3A_310 : vector<16xf32>
          %parallel_loop3A_314 = tpu.iota {dimensions = array<i32: 0>} : vector<16xi32>
          %parallel_loop3A_315 = arith.constant 8 : i32
          %parallel_loop3A_316 = vector.broadcast %parallel_loop3A_315 : i32 to vector<16xi32>
          %parallel_loop3A_317 = arith.xori %parallel_loop3A_314, %parallel_loop3A_316 : vector<16xi32>
          %parallel_loop3A_318 = vector.shape_cast %parallel_loop3A_317 : vector<16xi32> to vector<16x1xi32>
          %parallel_loop3A_319 = vector.shape_cast %parallel_loop3A_318 : vector<16x1xi32> to vector<16xi32>
          %parallel_loop3A_320 = tpu.dynamic_gather %parallel_loop3A_302#0[%parallel_loop3A_319] in [0] : vector<16xf32>, vector<16xi32> -> vector<16xf32>
          %parallel_loop3A_321 = arith.addf %parallel_loop3A_302#0, %parallel_loop3A_320 : vector<16xf32>
          %parallel_loop3A_322 = arith.constant 4 : i32
          %parallel_loop3A_323 = vector.broadcast %parallel_loop3A_322 : i32 to vector<16xi32>
          %parallel_loop3A_324 = arith.xori %parallel_loop3A_314, %parallel_loop3A_323 : vector<16xi32>
          %parallel_loop3A_325 = vector.shape_cast %parallel_loop3A_324 : vector<16xi32> to vector<16x1xi32>
          %parallel_loop3A_326 = vector.shape_cast %parallel_loop3A_325 : vector<16x1xi32> to vector<16xi32>
          %parallel_loop3A_327 = tpu.dynamic_gather %parallel_loop3A_321[%parallel_loop3A_326] in [0] : vector<16xf32>, vector<16xi32> -> vector<16xf32>
          %parallel_loop3A_328 = arith.addf %parallel_loop3A_321, %parallel_loop3A_327 : vector<16xf32>
          %parallel_loop3A_329 = arith.constant 2 : i32
          %parallel_loop3A_330 = vector.broadcast %parallel_loop3A_329 : i32 to vector<16xi32>
          %parallel_loop3A_331 = arith.xori %parallel_loop3A_314, %parallel_loop3A_330 : vector<16xi32>
          %parallel_loop3A_332 = vector.shape_cast %parallel_loop3A_331 : vector<16xi32> to vector<16x1xi32>
          %parallel_loop3A_333 = vector.shape_cast %parallel_loop3A_332 : vector<16x1xi32> to vector<16xi32>
          %parallel_loop3A_334 = tpu.dynamic_gather %parallel_loop3A_328[%parallel_loop3A_333] in [0] : vector<16xf32>, vector<16xi32> -> vector<16xf32>
          %parallel_loop3A_335 = arith.addf %parallel_loop3A_328, %parallel_loop3A_334 : vector<16xf32>
          %parallel_loop3A_336 = arith.constant 1 : i32
          %parallel_loop3A_337 = vector.broadcast %parallel_loop3A_336 : i32 to vector<16xi32>
          %parallel_loop3A_338 = arith.xori %parallel_loop3A_314, %parallel_loop3A_337 : vector<16xi32>
          %parallel_loop3A_339 = vector.shape_cast %parallel_loop3A_338 : vector<16xi32> to vector<16x1xi32>
          %parallel_loop3A_340 = vector.shape_cast %parallel_loop3A_339 : vector<16x1xi32> to vector<16xi32>
          %parallel_loop3A_341 = tpu.dynamic_gather %parallel_loop3A_335[%parallel_loop3A_340] in [0] : vector<16xf32>, vector<16xi32> -> vector<16xf32>
          %parallel_loop3A_342 = arith.addf %parallel_loop3A_335, %parallel_loop3A_341 : vector<16xf32>
          %parallel_loop3A_343 = arith.mulf %parallel_loop3A_342, %parallel_loop3A_313 : vector<16xf32>
          %parallel_loop3A_344 = arith.addf %parallel_loop3A_297, %parallel_loop3A_343 : vector<16xf32>
          %parallel_loop3A_345 = tpu.iota {dimensions = array<i32: 0>} : vector<16xi32>
          %parallel_loop3A_346 = arith.constant 8 : i32
          %parallel_loop3A_347 = vector.broadcast %parallel_loop3A_346 : i32 to vector<16xi32>
          %parallel_loop3A_348 = arith.xori %parallel_loop3A_345, %parallel_loop3A_347 : vector<16xi32>
          %parallel_loop3A_349 = vector.shape_cast %parallel_loop3A_348 : vector<16xi32> to vector<16x1xi32>
          %parallel_loop3A_350 = vector.shape_cast %parallel_loop3A_349 : vector<16x1xi32> to vector<16xi32>
          %parallel_loop3A_351 = tpu.dynamic_gather %parallel_loop3A_302#1[%parallel_loop3A_350] in [0] : vector<16xf32>, vector<16xi32> -> vector<16xf32>
          %parallel_loop3A_352 = arith.addf %parallel_loop3A_302#1, %parallel_loop3A_351 : vector<16xf32>
          %parallel_loop3A_353 = arith.constant 4 : i32
          %parallel_loop3A_354 = vector.broadcast %parallel_loop3A_353 : i32 to vector<16xi32>
          %parallel_loop3A_355 = arith.xori %parallel_loop3A_345, %parallel_loop3A_354 : vector<16xi32>
          %parallel_loop3A_356 = vector.shape_cast %parallel_loop3A_355 : vector<16xi32> to vector<16x1xi32>
          %parallel_loop3A_357 = vector.shape_cast %parallel_loop3A_356 : vector<16x1xi32> to vector<16xi32>
          %parallel_loop3A_358 = tpu.dynamic_gather %parallel_loop3A_352[%parallel_loop3A_357] in [0] : vector<16xf32>, vector<16xi32> -> vector<16xf32>
          %parallel_loop3A_359 = arith.addf %parallel_loop3A_352, %parallel_loop3A_358 : vector<16xf32>
          %parallel_loop3A_360 = arith.constant 2 : i32
          %parallel_loop3A_361 = vector.broadcast %parallel_loop3A_360 : i32 to vector<16xi32>
          %parallel_loop3A_362 = arith.xori %parallel_loop3A_345, %parallel_loop3A_361 : vector<16xi32>
          %parallel_loop3A_363 = vector.shape_cast %parallel_loop3A_362 : vector<16xi32> to vector<16x1xi32>
          %parallel_loop3A_364 = vector.shape_cast %parallel_loop3A_363 : vector<16x1xi32> to vector<16xi32>
          %parallel_loop3A_365 = tpu.dynamic_gather %parallel_loop3A_359[%parallel_loop3A_364] in [0] : vector<16xf32>, vector<16xi32> -> vector<16xf32>
          %parallel_loop3A_366 = arith.addf %parallel_loop3A_359, %parallel_loop3A_365 : vector<16xf32>
          %parallel_loop3A_367 = arith.constant 1 : i32
          %parallel_loop3A_368 = vector.broadcast %parallel_loop3A_367 : i32 to vector<16xi32>
          %parallel_loop3A_369 = arith.xori %parallel_loop3A_345, %parallel_loop3A_368 : vector<16xi32>
          %parallel_loop3A_370 = vector.shape_cast %parallel_loop3A_369 : vector<16xi32> to vector<16x1xi32>
          %parallel_loop3A_371 = vector.shape_cast %parallel_loop3A_370 : vector<16x1xi32> to vector<16xi32>
          %parallel_loop3A_372 = tpu.dynamic_gather %parallel_loop3A_366[%parallel_loop3A_371] in [0] : vector<16xf32>, vector<16xi32> -> vector<16xf32>
          %parallel_loop3A_373 = arith.addf %parallel_loop3A_366, %parallel_loop3A_372 : vector<16xf32>
          %parallel_loop3A_374 = arith.mulf %parallel_loop3A_373, %parallel_loop3A_313 : vector<16xf32>
          %parallel_loop3A_375 = arith.addf %parallel_loop3A_298, %parallel_loop3A_374 : vector<16xf32>
          scf.yield %parallel_loop3A_344, %parallel_loop3A_375 : vector<16xf32>, vector<16xf32>
        } {sc.loop_unroll_factor = 1 : i64, sc.parallel_access}
        %mul3A_240 = arith.constant 9.765625E-4 : f32
        %mul3A_241 = vector.broadcast %mul3A_240 : f32 to vector<16xf32>
        %mul3A_242 = arith.mulf %parallel_loop3A_239#0, %mul3A_241 : vector<16xf32>
        %mul3A_243 = arith.constant 9.765625E-4 : f32
        %mul3A_244 = vector.broadcast %mul3A_243 : f32 to vector<16xf32>
        %mul3A_245 = arith.mulf %parallel_loop3A_239#1, %mul3A_244 : vector<16xf32>
        %mul3A_246 = arith.mulf %mul3A_242, %mul3A_242 : vector<16xf32>
        %sub3A = arith.subf %mul3A_245, %mul3A_246 : vector<16xf32>
        %add3A_247 = arith.constant 9.99999996E-13 : f32
        %add3A_248 = vector.broadcast %add3A_247 : f32 to vector<16xf32>
        %add3A_249 = arith.addf %sub3A, %add3A_248 : vector<16xf32>
        %bitcast_convert_type3A = tpu.bitcast %add3A_249 : vector<16xf32> -> vector<16xi32>
        %shift_right_logical3A = arith.constant 1 : i32
        %shift_right_logical3A_250 = vector.broadcast %shift_right_logical3A : i32 to vector<16xi32>
        %shift_right_logical3A_251 = arith.shrui %bitcast_convert_type3A, %shift_right_logical3A_250 : vector<16xi32>
        %sub3A_252 = arith.constant 1597463007 : i32
        %sub3A_253 = vector.broadcast %sub3A_252 : i32 to vector<16xi32>
        %sub3A_254 = arith.subi %sub3A_253, %shift_right_logical3A_251 : vector<16xi32>
        %bitcast_convert_type3A_255 = tpu.bitcast %sub3A_254 : vector<16xi32> -> vector<16xf32>
        %mul3A_256 = arith.constant 5.000000e-01 : f32
        %mul3A_257 = vector.broadcast %mul3A_256 : f32 to vector<16xf32>
        %mul3A_258 = arith.mulf %mul3A_257, %add3A_249 : vector<16xf32>
        %mul3A_259 = arith.mulf %mul3A_258, %bitcast_convert_type3A_255 : vector<16xf32>
        %mul3A_260 = arith.mulf %mul3A_259, %bitcast_convert_type3A_255 : vector<16xf32>
        %sub3A_261 = arith.constant 1.500000e+00 : f32
        %sub3A_262 = vector.broadcast %sub3A_261 : f32 to vector<16xf32>
        %sub3A_263 = arith.subf %sub3A_262, %mul3A_260 : vector<16xf32>
        %mul3A_264 = arith.mulf %bitcast_convert_type3A_255, %sub3A_263 : vector<16xf32>
        %mul3A_265 = arith.constant 5.000000e-01 : f32
        %mul3A_266 = vector.broadcast %mul3A_265 : f32 to vector<16xf32>
        %mul3A_267 = arith.mulf %mul3A_266, %add3A_249 : vector<16xf32>
        %mul3A_268 = arith.mulf %mul3A_267, %mul3A_264 : vector<16xf32>
        %mul3A_269 = arith.mulf %mul3A_268, %mul3A_264 : vector<16xf32>
        %sub3A_270 = arith.constant 1.500000e+00 : f32
        %sub3A_271 = vector.broadcast %sub3A_270 : f32 to vector<16xf32>
        %sub3A_272 = arith.subf %sub3A_271, %mul3A_269 : vector<16xf32>
        %mul3A_273 = arith.mulf %mul3A_264, %sub3A_272 : vector<16xf32>
        %mul3A_274 = arith.constant 5.000000e-01 : f32
        %mul3A_275 = vector.broadcast %mul3A_274 : f32 to vector<16xf32>
        %mul3A_276 = arith.mulf %mul3A_275, %add3A_249 : vector<16xf32>
        %mul3A_277 = arith.mulf %mul3A_276, %mul3A_273 : vector<16xf32>
        %mul3A_278 = arith.mulf %mul3A_277, %mul3A_273 : vector<16xf32>
        %sub3A_279 = arith.constant 1.500000e+00 : f32
        %sub3A_280 = vector.broadcast %sub3A_279 : f32 to vector<16xf32>
        %sub3A_281 = arith.subf %sub3A_280, %mul3A_278 : vector<16xf32>
        %mul3A_282 = arith.mulf %mul3A_273, %sub3A_281 : vector<16xf32>
        %mul3A_283 = arith.constant 5.000000e-01 : f32
        %mul3A_284 = vector.broadcast %mul3A_283 : f32 to vector<16xf32>
        %mul3A_285 = arith.mulf %mul3A_284, %add3A_249 : vector<16xf32>
        %mul3A_286 = arith.mulf %mul3A_285, %mul3A_282 : vector<16xf32>
        %mul3A_287 = arith.mulf %mul3A_286, %mul3A_282 : vector<16xf32>
        %sub3A_288 = arith.constant 1.500000e+00 : f32
        %sub3A_289 = vector.broadcast %sub3A_288 : f32 to vector<16xf32>
        %sub3A_290 = arith.subf %sub3A_289, %mul3A_287 : vector<16xf32>
        %mul3A_291 = arith.mulf %mul3A_282, %sub3A_290 : vector<16xf32>
        %mul3A_292 = arith.mulf %mul3A_242, %mul3A_291 : vector<16xf32>
        %parallel_loop3A_293 = arith.constant 0 : i32
        %parallel_loop3A_294 = arith.constant 16 : i32
        %parallel_loop3A_295 = arith.constant 1 : i32
        scf.for %parallel_loop3A_296 = %parallel_loop3A_293 to %parallel_loop3A_294 step %parallel_loop3A_295  : i32 {
          %parallel_loop3A_297 = vector.broadcast %parallel_loop3A_296 : i32 to vector<16xi32>
          %parallel_loop3A_298 = vector.shape_cast %parallel_loop3A_297 : vector<16xi32> to vector<16x1xi32>
          %parallel_loop3A_299 = vector.shape_cast %parallel_loop3A_298 : vector<16x1xi32> to vector<16xi32>
          %parallel_loop3A_300 = tpu.dynamic_gather %mul3A_291[%parallel_loop3A_299] in [0] : vector<16xf32>, vector<16xi32> -> vector<16xf32>
          %parallel_loop3A_301 = vector.shape_cast %parallel_loop3A_297 : vector<16xi32> to vector<16x1xi32>
          %parallel_loop3A_302 = vector.shape_cast %parallel_loop3A_301 : vector<16x1xi32> to vector<16xi32>
          %parallel_loop3A_303 = tpu.dynamic_gather %mul3A_292[%parallel_loop3A_302] in [0] : vector<16xf32>, vector<16xi32> -> vector<16xf32>
          %parallel_loop3A_304 = arith.constant 0 : i32
          %parallel_loop3A_305 = arith.constant 64 : i32
          %parallel_loop3A_306 = arith.constant 1 : i32
          scf.for %parallel_loop3A_307 = %parallel_loop3A_304 to %parallel_loop3A_305 step %parallel_loop3A_306  : i32 {
            %parallel_loop3A_308 = arith.constant 16 : i32
            %parallel_loop3A_309 = arith.muli %parallel_loop3A_307, %parallel_loop3A_308 : i32
            %parallel_loop3A_310 = arith.constant 0 : i32
            %parallel_loop3A_311 = arith.index_cast %parallel_loop3A_310 : i32 to index
            %parallel_loop3A_312 = arith.index_cast %parallel_loop3A_296 : i32 to index
            %parallel_loop3A_313 = arith.index_cast %parallel_loop3A_309 : i32 to index
            %parallel_loop3A_314 = tpu.vector_load %arg9[%parallel_loop3A_311, %parallel_loop3A_312, %parallel_loop3A_313] {strides = array<i32>} : memref<2x16x1024xf32, #tpu.memory_space<vmem>>, vector<1x1x16xf32>,
            %parallel_loop3A_315 = vector.shape_cast %parallel_loop3A_314 : vector<1x1x16xf32> to vector<16xf32>
            %parallel_loop3A_316 = arith.mulf %parallel_loop3A_315, %parallel_loop3A_300 : vector<16xf32>
            %parallel_loop3A_317 = arith.subf %parallel_loop3A_316, %parallel_loop3A_303 : vector<16xf32>
            %parallel_loop3A_318 = arith.constant 0 : i32
            %parallel_loop3A_319 = arith.index_cast %parallel_loop3A_318 : i32 to index
            %parallel_loop3A_320 = arith.index_cast %parallel_loop3A_296 : i32 to index
            %parallel_loop3A_321 = arith.index_cast %parallel_loop3A_309 : i32 to index
            %parallel_loop3A_322 = tpu.vector_load %arg11[%parallel_loop3A_319, %parallel_loop3A_320, %parallel_loop3A_321] {strides = array<i32>} : memref<2x16x1024xf32, #tpu.memory_space<vmem>>, vector<1x1x16xf32>,
            %parallel_loop3A_323 = vector.shape_cast %parallel_loop3A_322 : vector<1x1x16xf32> to vector<16xf32>
            %parallel_loop3A_324 = vector.shape_cast %parallel_loop3A_317 : vector<16xf32> to vector<1x1x16xf32>
            tpu.vector_store %arg11[%parallel_loop3A_319, %parallel_loop3A_320, %parallel_loop3A_321], %parallel_loop3A_324 {strides = array<i32>} : memref<2x16x1024xf32, #tpu.memory_space<vmem>>, vector<1x1x16xf32>,
          } {sc.loop_unroll_factor = 8 : i64, sc.parallel_access}
        } {sc.loop_unroll_factor = 1 : i64, sc.parallel_access}
      } else {
        %parallel_loop3A_236 = arith.constant 0 : i32
        %parallel_loop3A_237 = arith.constant 16 : i32
        %parallel_loop3A_238 = arith.constant 1 : i32
        scf.for %parallel_loop3A_239 = %parallel_loop3A_236 to %parallel_loop3A_237 step %parallel_loop3A_238  : i32 {
          %parallel_loop3A_240 = vector.broadcast %parallel_loop3A_239 : i32 to vector<16xi32>
          %parallel_loop3A_241 = vector.shape_cast %parallel_loop3A_240 : vector<16xi32> to vector<16x1xi32>
          %parallel_loop3A_242 = vector.shape_cast %parallel_loop3A_241 : vector<16x1xi32> to vector<16xi32>
          %parallel_loop3A_243 = tpu.dynamic_gather %convert_element_type3A_129[%parallel_loop3A_242] in [0] : vector<16xf32>, vector<16xi32> -> vector<16xf32>
          %parallel_loop3A_244 = arith.constant 0 : i32
          %parallel_loop3A_245 = arith.constant 64 : i32
          %parallel_loop3A_246 = arith.constant 1 : i32
          %parallel_loop3A_247:2 = scf.for %parallel_loop3A_365 = %parallel_loop3A_244 to %parallel_loop3A_245 step %parallel_loop3A_246 iter_args(%parallel_loop3A_366 = %broadcast_in_dim3A_5, %parallel_loop3A_367 = %broadcast_in_dim3A_5) -> (vector<16xf32>, vector<16xf32>)  : i32 {
            %parallel_loop3A_368 = arith.constant 16 : i32
            %parallel_loop3A_369 = arith.muli %parallel_loop3A_365, %parallel_loop3A_368 : i32
            %parallel_loop3A_370 = arith.constant 0 : i32
            %parallel_loop3A_371 = arith.index_cast %parallel_loop3A_370 : i32 to index
            %parallel_loop3A_372 = arith.index_cast %parallel_loop3A_239 : i32 to index
            %parallel_loop3A_373 = arith.index_cast %parallel_loop3A_369 : i32 to index
            %parallel_loop3A_374 = tpu.vector_load %arg9[%parallel_loop3A_371, %parallel_loop3A_372, %parallel_loop3A_373] {strides = array<i32>} : memref<2x16x1024xf32, #tpu.memory_space<vmem>>, vector<1x1x16xf32>,
            %parallel_loop3A_375 = vector.shape_cast %parallel_loop3A_374 : vector<1x1x16xf32> to vector<16xf32>
            %parallel_loop3A_376 = arith.constant 0 : i32
            %parallel_loop3A_377 = arith.index_cast %parallel_loop3A_376 : i32 to index
            %parallel_loop3A_378 = arith.index_cast %parallel_loop3A_239 : i32 to index
            %parallel_loop3A_379 = arith.index_cast %parallel_loop3A_369 : i32 to index
            %parallel_loop3A_380 = tpu.vector_load %arg10[%parallel_loop3A_377, %parallel_loop3A_378, %parallel_loop3A_379] {strides = array<i32>} : memref<2x16x1024xf32, #tpu.memory_space<vmem>>, vector<1x1x16xf32>,
            %parallel_loop3A_381 = vector.shape_cast %parallel_loop3A_380 : vector<1x1x16xf32> to vector<16xf32>
            %parallel_loop3A_382 = arith.addf %parallel_loop3A_375, %parallel_loop3A_381 : vector<16xf32>
            %parallel_loop3A_383 = arith.index_cast %parallel_loop3A_369 : i32 to index
            %parallel_loop3A_384 = tpu.vector_load %arg14[%parallel_loop3A_383] {strides = array<i32>} : memref<1024xf32, #tpu.memory_space<vmem>>, vector<16xf32>,
            %parallel_loop3A_385 = vector.shape_cast %parallel_loop3A_384 : vector<16xf32> to vector<16xf32>
            %parallel_loop3A_386 = arith.mulf %parallel_loop3A_243, %parallel_loop3A_385 : vector<16xf32>
            %parallel_loop3A_387 = arith.addf %parallel_loop3A_382, %parallel_loop3A_386 : vector<16xf32>
            %parallel_loop3A_388 = arith.constant 0 : i32
            %parallel_loop3A_389 = arith.index_cast %parallel_loop3A_388 : i32 to index
            %parallel_loop3A_390 = arith.index_cast %parallel_loop3A_239 : i32 to index
            %parallel_loop3A_391 = arith.index_cast %parallel_loop3A_369 : i32 to index
            %parallel_loop3A_392 = tpu.vector_load %arg9[%parallel_loop3A_389, %parallel_loop3A_390, %parallel_loop3A_391] {strides = array<i32>} : memref<2x16x1024xf32, #tpu.memory_space<vmem>>, vector<1x1x16xf32>,
            %parallel_loop3A_393 = vector.shape_cast %parallel_loop3A_392 : vector<1x1x16xf32> to vector<16xf32>
            %parallel_loop3A_394 = vector.shape_cast %parallel_loop3A_387 : vector<16xf32> to vector<1x1x16xf32>
            tpu.vector_store %arg9[%parallel_loop3A_389, %parallel_loop3A_390, %parallel_loop3A_391], %parallel_loop3A_394 {strides = array<i32>} : memref<2x16x1024xf32, #tpu.memory_space<vmem>>, vector<1x1x16xf32>,
            %parallel_loop3A_395 = arith.addf %parallel_loop3A_366, %parallel_loop3A_387 : vector<16xf32>
            %parallel_loop3A_396 = arith.mulf %parallel_loop3A_387, %parallel_loop3A_387 : vector<16xf32>
            %parallel_loop3A_397 = arith.addf %parallel_loop3A_367, %parallel_loop3A_396 : vector<16xf32>
            scf.yield %parallel_loop3A_395, %parallel_loop3A_397 : vector<16xf32>, vector<16xf32>
          } {sc.loop_unroll_factor = 8 : i64, sc.parallel_access}
          %parallel_loop3A_248 = tpu.iota {dimensions = array<i32: 0>} : vector<16xi32>
          %parallel_loop3A_249 = arith.constant 8 : i32
          %parallel_loop3A_250 = vector.broadcast %parallel_loop3A_249 : i32 to vector<16xi32>
          %parallel_loop3A_251 = arith.xori %parallel_loop3A_248, %parallel_loop3A_250 : vector<16xi32>
          %parallel_loop3A_252 = vector.shape_cast %parallel_loop3A_251 : vector<16xi32> to vector<16x1xi32>
          %parallel_loop3A_253 = vector.shape_cast %parallel_loop3A_252 : vector<16x1xi32> to vector<16xi32>
          %parallel_loop3A_254 = tpu.dynamic_gather %parallel_loop3A_247#0[%parallel_loop3A_253] in [0] : vector<16xf32>, vector<16xi32> -> vector<16xf32>
          %parallel_loop3A_255 = arith.addf %parallel_loop3A_247#0, %parallel_loop3A_254 : vector<16xf32>
          %parallel_loop3A_256 = arith.constant 4 : i32
          %parallel_loop3A_257 = vector.broadcast %parallel_loop3A_256 : i32 to vector<16xi32>
          %parallel_loop3A_258 = arith.xori %parallel_loop3A_248, %parallel_loop3A_257 : vector<16xi32>
          %parallel_loop3A_259 = vector.shape_cast %parallel_loop3A_258 : vector<16xi32> to vector<16x1xi32>
          %parallel_loop3A_260 = vector.shape_cast %parallel_loop3A_259 : vector<16x1xi32> to vector<16xi32>
          %parallel_loop3A_261 = tpu.dynamic_gather %parallel_loop3A_255[%parallel_loop3A_260] in [0] : vector<16xf32>, vector<16xi32> -> vector<16xf32>
          %parallel_loop3A_262 = arith.addf %parallel_loop3A_255, %parallel_loop3A_261 : vector<16xf32>
          %parallel_loop3A_263 = arith.constant 2 : i32
          %parallel_loop3A_264 = vector.broadcast %parallel_loop3A_263 : i32 to vector<16xi32>
          %parallel_loop3A_265 = arith.xori %parallel_loop3A_248, %parallel_loop3A_264 : vector<16xi32>
          %parallel_loop3A_266 = vector.shape_cast %parallel_loop3A_265 : vector<16xi32> to vector<16x1xi32>
          %parallel_loop3A_267 = vector.shape_cast %parallel_loop3A_266 : vector<16x1xi32> to vector<16xi32>
          %parallel_loop3A_268 = tpu.dynamic_gather %parallel_loop3A_262[%parallel_loop3A_267] in [0] : vector<16xf32>, vector<16xi32> -> vector<16xf32>
          %parallel_loop3A_269 = arith.addf %parallel_loop3A_262, %parallel_loop3A_268 : vector<16xf32>
          %parallel_loop3A_270 = arith.constant 1 : i32
          %parallel_loop3A_271 = vector.broadcast %parallel_loop3A_270 : i32 to vector<16xi32>
          %parallel_loop3A_272 = arith.xori %parallel_loop3A_248, %parallel_loop3A_271 : vector<16xi32>
          %parallel_loop3A_273 = vector.shape_cast %parallel_loop3A_272 : vector<16xi32> to vector<16x1xi32>
          %parallel_loop3A_274 = vector.shape_cast %parallel_loop3A_273 : vector<16x1xi32> to vector<16xi32>
          %parallel_loop3A_275 = tpu.dynamic_gather %parallel_loop3A_269[%parallel_loop3A_274] in [0] : vector<16xf32>, vector<16xi32> -> vector<16xf32>
          %parallel_loop3A_276 = arith.addf %parallel_loop3A_269, %parallel_loop3A_275 : vector<16xf32>
          %parallel_loop3A_277 = arith.constant 9.765625E-4 : f32
          %parallel_loop3A_278 = vector.broadcast %parallel_loop3A_277 : f32 to vector<16xf32>
          %parallel_loop3A_279 = arith.mulf %parallel_loop3A_276, %parallel_loop3A_278 : vector<16xf32>
          %parallel_loop3A_280 = tpu.iota {dimensions = array<i32: 0>} : vector<16xi32>
          %parallel_loop3A_281 = arith.constant 8 : i32
          %parallel_loop3A_282 = vector.broadcast %parallel_loop3A_281 : i32 to vector<16xi32>
          %parallel_loop3A_283 = arith.xori %parallel_loop3A_280, %parallel_loop3A_282 : vector<16xi32>
          %parallel_loop3A_284 = vector.shape_cast %parallel_loop3A_283 : vector<16xi32> to vector<16x1xi32>
          %parallel_loop3A_285 = vector.shape_cast %parallel_loop3A_284 : vector<16x1xi32> to vector<16xi32>
          %parallel_loop3A_286 = tpu.dynamic_gather %parallel_loop3A_247#1[%parallel_loop3A_285] in [0] : vector<16xf32>, vector<16xi32> -> vector<16xf32>
          %parallel_loop3A_287 = arith.addf %parallel_loop3A_247#1, %parallel_loop3A_286 : vector<16xf32>
          %parallel_loop3A_288 = arith.constant 4 : i32
          %parallel_loop3A_289 = vector.broadcast %parallel_loop3A_288 : i32 to vector<16xi32>
          %parallel_loop3A_290 = arith.xori %parallel_loop3A_280, %parallel_loop3A_289 : vector<16xi32>
          %parallel_loop3A_291 = vector.shape_cast %parallel_loop3A_290 : vector<16xi32> to vector<16x1xi32>
          %parallel_loop3A_292 = vector.shape_cast %parallel_loop3A_291 : vector<16x1xi32> to vector<16xi32>
          %parallel_loop3A_293 = tpu.dynamic_gather %parallel_loop3A_287[%parallel_loop3A_292] in [0] : vector<16xf32>, vector<16xi32> -> vector<16xf32>
          %parallel_loop3A_294 = arith.addf %parallel_loop3A_287, %parallel_loop3A_293 : vector<16xf32>
          %parallel_loop3A_295 = arith.constant 2 : i32
          %parallel_loop3A_296 = vector.broadcast %parallel_loop3A_295 : i32 to vector<16xi32>
          %parallel_loop3A_297 = arith.xori %parallel_loop3A_280, %parallel_loop3A_296 : vector<16xi32>
          %parallel_loop3A_298 = vector.shape_cast %parallel_loop3A_297 : vector<16xi32> to vector<16x1xi32>
          %parallel_loop3A_299 = vector.shape_cast %parallel_loop3A_298 : vector<16x1xi32> to vector<16xi32>
          %parallel_loop3A_300 = tpu.dynamic_gather %parallel_loop3A_294[%parallel_loop3A_299] in [0] : vector<16xf32>, vector<16xi32> -> vector<16xf32>
          %parallel_loop3A_301 = arith.addf %parallel_loop3A_294, %parallel_loop3A_300 : vector<16xf32>
          %parallel_loop3A_302 = arith.constant 1 : i32
          %parallel_loop3A_303 = vector.broadcast %parallel_loop3A_302 : i32 to vector<16xi32>
          %parallel_loop3A_304 = arith.xori %parallel_loop3A_280, %parallel_loop3A_303 : vector<16xi32>
          %parallel_loop3A_305 = vector.shape_cast %parallel_loop3A_304 : vector<16xi32> to vector<16x1xi32>
          %parallel_loop3A_306 = vector.shape_cast %parallel_loop3A_305 : vector<16x1xi32> to vector<16xi32>
          %parallel_loop3A_307 = tpu.dynamic_gather %parallel_loop3A_301[%parallel_loop3A_306] in [0] : vector<16xf32>, vector<16xi32> -> vector<16xf32>
          %parallel_loop3A_308 = arith.addf %parallel_loop3A_301, %parallel_loop3A_307 : vector<16xf32>
          %parallel_loop3A_309 = arith.constant 9.765625E-4 : f32
          %parallel_loop3A_310 = vector.broadcast %parallel_loop3A_309 : f32 to vector<16xf32>
          %parallel_loop3A_311 = arith.mulf %parallel_loop3A_308, %parallel_loop3A_310 : vector<16xf32>
          %parallel_loop3A_312 = arith.mulf %parallel_loop3A_279, %parallel_loop3A_279 : vector<16xf32>
          %parallel_loop3A_313 = arith.subf %parallel_loop3A_311, %parallel_loop3A_312 : vector<16xf32>
          %parallel_loop3A_314 = arith.constant 9.99999996E-13 : f32
          %parallel_loop3A_315 = vector.broadcast %parallel_loop3A_314 : f32 to vector<16xf32>
          %parallel_loop3A_316 = arith.addf %parallel_loop3A_313, %parallel_loop3A_315 : vector<16xf32>
          %parallel_loop3A_317 = tpu.bitcast %parallel_loop3A_316 : vector<16xf32> -> vector<16xi32>
          %parallel_loop3A_318 = arith.constant 1 : i32
          %parallel_loop3A_319 = vector.broadcast %parallel_loop3A_318 : i32 to vector<16xi32>
          %parallel_loop3A_320 = arith.shrui %parallel_loop3A_317, %parallel_loop3A_319 : vector<16xi32>
          %parallel_loop3A_321 = arith.constant 1597463007 : i32
          %parallel_loop3A_322 = vector.broadcast %parallel_loop3A_321 : i32 to vector<16xi32>
          %parallel_loop3A_323 = arith.subi %parallel_loop3A_322, %parallel_loop3A_320 : vector<16xi32>
          %parallel_loop3A_324 = tpu.bitcast %parallel_loop3A_323 : vector<16xi32> -> vector<16xf32>
          %parallel_loop3A_325 = arith.constant 5.000000e-01 : f32
          %parallel_loop3A_326 = vector.broadcast %parallel_loop3A_325 : f32 to vector<16xf32>
          %parallel_loop3A_327 = arith.mulf %parallel_loop3A_326, %parallel_loop3A_316 : vector<16xf32>
          %parallel_loop3A_328 = arith.mulf %parallel_loop3A_327, %parallel_loop3A_324 : vector<16xf32>
          %parallel_loop3A_329 = arith.mulf %parallel_loop3A_328, %parallel_loop3A_324 : vector<16xf32>
          %parallel_loop3A_330 = arith.constant 1.500000e+00 : f32
          %parallel_loop3A_331 = vector.broadcast %parallel_loop3A_330 : f32 to vector<16xf32>
          %parallel_loop3A_332 = arith.subf %parallel_loop3A_331, %parallel_loop3A_329 : vector<16xf32>
          %parallel_loop3A_333 = arith.mulf %parallel_loop3A_324, %parallel_loop3A_332 : vector<16xf32>
          %parallel_loop3A_334 = arith.constant 5.000000e-01 : f32
          %parallel_loop3A_335 = vector.broadcast %parallel_loop3A_334 : f32 to vector<16xf32>
          %parallel_loop3A_336 = arith.mulf %parallel_loop3A_335, %parallel_loop3A_316 : vector<16xf32>
          %parallel_loop3A_337 = arith.mulf %parallel_loop3A_336, %parallel_loop3A_333 : vector<16xf32>
          %parallel_loop3A_338 = arith.mulf %parallel_loop3A_337, %parallel_loop3A_333 : vector<16xf32>
          %parallel_loop3A_339 = arith.constant 1.500000e+00 : f32
          %parallel_loop3A_340 = vector.broadcast %parallel_loop3A_339 : f32 to vector<16xf32>
          %parallel_loop3A_341 = arith.subf %parallel_loop3A_340, %parallel_loop3A_338 : vector<16xf32>
          %parallel_loop3A_342 = arith.mulf %parallel_loop3A_333, %parallel_loop3A_341 : vector<16xf32>
          %parallel_loop3A_343 = arith.constant 5.000000e-01 : f32
          %parallel_loop3A_344 = vector.broadcast %parallel_loop3A_343 : f32 to vector<16xf32>
          %parallel_loop3A_345 = arith.mulf %parallel_loop3A_344, %parallel_loop3A_316 : vector<16xf32>
          %parallel_loop3A_346 = arith.mulf %parallel_loop3A_345, %parallel_loop3A_342 : vector<16xf32>
          %parallel_loop3A_347 = arith.mulf %parallel_loop3A_346, %parallel_loop3A_342 : vector<16xf32>
          %parallel_loop3A_348 = arith.constant 1.500000e+00 : f32
          %parallel_loop3A_349 = vector.broadcast %parallel_loop3A_348 : f32 to vector<16xf32>
          %parallel_loop3A_350 = arith.subf %parallel_loop3A_349, %parallel_loop3A_347 : vector<16xf32>
          %parallel_loop3A_351 = arith.mulf %parallel_loop3A_342, %parallel_loop3A_350 : vector<16xf32>
          %parallel_loop3A_352 = arith.constant 5.000000e-01 : f32
          %parallel_loop3A_353 = vector.broadcast %parallel_loop3A_352 : f32 to vector<16xf32>
          %parallel_loop3A_354 = arith.mulf %parallel_loop3A_353, %parallel_loop3A_316 : vector<16xf32>
          %parallel_loop3A_355 = arith.mulf %parallel_loop3A_354, %parallel_loop3A_351 : vector<16xf32>
          %parallel_loop3A_356 = arith.mulf %parallel_loop3A_355, %parallel_loop3A_351 : vector<16xf32>
          %parallel_loop3A_357 = arith.constant 1.500000e+00 : f32
          %parallel_loop3A_358 = vector.broadcast %parallel_loop3A_357 : f32 to vector<16xf32>
          %parallel_loop3A_359 = arith.subf %parallel_loop3A_358, %parallel_loop3A_356 : vector<16xf32>
          %parallel_loop3A_360 = arith.mulf %parallel_loop3A_351, %parallel_loop3A_359 : vector<16xf32>
          %parallel_loop3A_361 = arith.mulf %parallel_loop3A_279, %parallel_loop3A_360 : vector<16xf32>
          %parallel_loop3A_362 = arith.constant 0 : i32
          %parallel_loop3A_363 = arith.constant 64 : i32
          %parallel_loop3A_364 = arith.constant 1 : i32
          scf.for %parallel_loop3A_365 = %parallel_loop3A_362 to %parallel_loop3A_363 step %parallel_loop3A_364  : i32 {
            %parallel_loop3A_366 = arith.constant 16 : i32
            %parallel_loop3A_367 = arith.muli %parallel_loop3A_365, %parallel_loop3A_366 : i32
            %parallel_loop3A_368 = arith.constant 0 : i32
            %parallel_loop3A_369 = arith.index_cast %parallel_loop3A_368 : i32 to index
            %parallel_loop3A_370 = arith.index_cast %parallel_loop3A_239 : i32 to index
            %parallel_loop3A_371 = arith.index_cast %parallel_loop3A_367 : i32 to index
            %parallel_loop3A_372 = tpu.vector_load %arg9[%parallel_loop3A_369, %parallel_loop3A_370, %parallel_loop3A_371] {strides = array<i32>} : memref<2x16x1024xf32, #tpu.memory_space<vmem>>, vector<1x1x16xf32>,
            %parallel_loop3A_373 = vector.shape_cast %parallel_loop3A_372 : vector<1x1x16xf32> to vector<16xf32>
            %parallel_loop3A_374 = arith.mulf %parallel_loop3A_373, %parallel_loop3A_360 : vector<16xf32>
            %parallel_loop3A_375 = arith.subf %parallel_loop3A_374, %parallel_loop3A_361 : vector<16xf32>
            %parallel_loop3A_376 = arith.constant 0 : i32
            %parallel_loop3A_377 = arith.index_cast %parallel_loop3A_376 : i32 to index
            %parallel_loop3A_378 = arith.index_cast %parallel_loop3A_367 : i32 to index
            %parallel_loop3A_379 = tpu.vector_load %arg13[%parallel_loop3A_377, %parallel_loop3A_378] {strides = array<i32>} : memref<2x1024xf32, #tpu.memory_space<vmem>>, vector<1x16xf32>,
            %parallel_loop3A_380 = vector.shape_cast %parallel_loop3A_379 : vector<1x16xf32> to vector<16xf32>
            %parallel_loop3A_381 = arith.mulf %parallel_loop3A_375, %parallel_loop3A_380 : vector<16xf32>
            %parallel_loop3A_382 = arith.constant 1 : i32
            %parallel_loop3A_383 = arith.index_cast %parallel_loop3A_382 : i32 to index
            %parallel_loop3A_384 = arith.index_cast %parallel_loop3A_367 : i32 to index
            %parallel_loop3A_385 = tpu.vector_load %arg13[%parallel_loop3A_383, %parallel_loop3A_384] {strides = array<i32>} : memref<2x1024xf32, #tpu.memory_space<vmem>>, vector<1x16xf32>,
            %parallel_loop3A_386 = vector.shape_cast %parallel_loop3A_385 : vector<1x16xf32> to vector<16xf32>
            %parallel_loop3A_387 = arith.addf %parallel_loop3A_381, %parallel_loop3A_386 : vector<16xf32>
            %parallel_loop3A_388 = arith.constant 0 : i32
            %parallel_loop3A_389 = arith.index_cast %parallel_loop3A_388 : i32 to index
            %parallel_loop3A_390 = arith.index_cast %parallel_loop3A_239 : i32 to index
            %parallel_loop3A_391 = arith.index_cast %parallel_loop3A_367 : i32 to index
            %parallel_loop3A_392 = tpu.vector_load %arg11[%parallel_loop3A_389, %parallel_loop3A_390, %parallel_loop3A_391] {strides = array<i32>} : memref<2x16x1024xf32, #tpu.memory_space<vmem>>, vector<1x1x16xf32>,
            %parallel_loop3A_393 = vector.shape_cast %parallel_loop3A_392 : vector<1x1x16xf32> to vector<16xf32>
            %parallel_loop3A_394 = vector.shape_cast %parallel_loop3A_387 : vector<16xf32> to vector<1x1x16xf32>
            tpu.vector_store %arg11[%parallel_loop3A_389, %parallel_loop3A_390, %parallel_loop3A_391], %parallel_loop3A_394 {strides = array<i32>} : memref<2x16x1024xf32, #tpu.memory_space<vmem>>, vector<1x1x16xf32>,
          } {sc.loop_unroll_factor = 8 : i64, sc.parallel_access}
        } {sc.loop_unroll_factor = 1 : i64, sc.parallel_access}
      }
      %mul3A_140 = arith.constant 16 : i32
      %mul3A_141 = arith.muli %add3A_97, %mul3A_140 : i32
      %add3A_142 = arith.addi %mul3A_2, %mul3A_141 : i32
      %dma_start3A_143 = arith.constant 0 : i32
      %dma_start3A_144 = arith.constant 0 : i32
      %dma_start3A_145 = arith.constant 0 : i32
      %dma_start3A_146 = tpu.memref_slice %arg11[%dma_start3A_143, %dma_start3A_144, %dma_start3A_145] : memref<2x16x1024xf32, #tpu.memory_space<vmem>> -> memref<1x16x1024xf32, #tpu.memory_space<vmem>>
      %dma_start3A_147 = tpu.memref_squeeze %dma_start3A_146 : memref<1x16x1024xf32, #tpu.memory_space<vmem>> -> memref<16x1024xf32, #tpu.memory_space<vmem>>
      %dma_start3A_148 = arith.constant 0 : i32
      %dma_start3A_149 = tpu.memref_slice %arg7[%add3A_142, %dma_start3A_148] : memref<8192x1024xf32, #tpu.memory_space<hbm>> -> memref<16x1024xf32, #tpu.memory_space<hbm>>
      %dma_start3A_150 = arith.constant 0 : i32
      %dma_start3A_151 = tpu.memref_slice %arg7[%add3A_142, %dma_start3A_150] : memref<8192x1024xf32, #tpu.memory_space<hbm>> -> memref<16x1024xf32, #tpu.memory_space<hbm>>
      %dma_start3A_152 = arith.constant 0 : i32
      %dma_start3A_153 = arith.constant 0 : i32
      %dma_start3A_154 = tpu.memref_slice %arg11[%dma_start3A_143, %dma_start3A_152, %dma_start3A_153] : memref<2x16x1024xf32, #tpu.memory_space<vmem>> -> memref<1x16x1024xf32, #tpu.memory_space<vmem>>
      %dma_start3A_155 = tpu.memref_squeeze %dma_start3A_154 : memref<1x16x1024xf32, #tpu.memory_space<vmem>> -> memref<16x1024xf32, #tpu.memory_space<vmem>>
      tpu.enqueue_dma source(%dma_start3A_155 : memref<16x1024xf32, #tpu.memory_space<vmem>>) target(%dma_start3A_151 : memref<16x1024xf32, #tpu.memory_space<hbm>>) target_semaphore(%arg19 : memref<!tpu.dma_semaphore, #tpu.memory_space<semaphore_mem>>)
      %lt3A = arith.constant 7 : i32
      %lt3A_156 = arith.cmpi slt, %scan3A_92, %lt3A : i32
      %convert_element_type3A_157 = arith.extui %lt3A_156 : i1 to i32
      %cond3A_158 = arith.constant 0 : i32
      %cond3A_159 = arith.cmpi ne, %convert_element_type3A_157, %cond3A_158 : i32
      scf.if %cond3A_159 {
        %add3A_236 = arith.constant 2 : i32
        %add3A_237 = arith.addi %add3A_97, %add3A_236 : i32
        %dma_start3A_238 = arith.constant 0 : i32
        %dma_start3A_239 = arith.constant 0 : i32
        %dma_start3A_240 = arith.constant 0 : i32
        %dma_start3A_241 = arith.constant 0 : i32
        %dma_start3A_242 = tpu.memref_slice %arg9[%dma_start3A_239, %dma_start3A_240, %dma_start3A_241] : memref<2x16x1024xf32, #tpu.memory_space<vmem>> -> memref<1x16x1024xf32, #tpu.memory_space<vmem>>
        %dma_start3A_243 = tpu.memref_squeeze %dma_start3A_242 : memref<1x16x1024xf32, #tpu.memory_space<vmem>> -> memref<16x1024xf32, #tpu.memory_space<vmem>>
        %dma_start3A_244 = arith.constant 0 : i32
        %dma_start3A_245 = tpu.memref_slice %arg8[%dma_start3A_238, %add3A_237, %dma_start3A_244] : memref<4x16x16xi32, #tpu.memory_space<vmem>> -> memref<1x1x16xi32, #tpu.memory_space<vmem>>
        %dma_start3A_246 = tpu.memref_squeeze %dma_start3A_245 : memref<1x1x16xi32, #tpu.memory_space<vmem>> -> memref<16xi32, #tpu.memory_space<vmem>>
        %dma_start3A_247 = arith.constant 0 : i32
        %dma_start3A_248 = arith.constant 0 : i32
        %dma_start3A_249 = tpu.memref_slice %arg3[%dma_start3A_247, %dma_start3A_248] : memref<30522x1024xf32, #tpu.memory_space<hbm>> -> memref<30522x1024xf32, #tpu.memory_space<hbm>>
        tpu.enqueue_indirect_dma source(%dma_start3A_249 : memref<30522x1024xf32, #tpu.memory_space<hbm>>) target(%dma_start3A_243 : memref<16x1024xf32, #tpu.memory_space<vmem>>) offsets(%dma_start3A_246 : memref<16xi32, #tpu.memory_space<vmem>>) semaphore(%arg15 : memref<!tpu.dma_semaphore, #tpu.memory_space<semaphore_mem>>)
        %add3A_250 = arith.constant 2 : i32
        %add3A_251 = arith.addi %add3A_97, %add3A_250 : i32
        %dma_start3A_252 = arith.constant 1 : i32
        %dma_start3A_253 = arith.constant 0 : i32
        %dma_start3A_254 = arith.constant 0 : i32
        %dma_start3A_255 = arith.constant 0 : i32
        %dma_start3A_256 = tpu.memref_slice %arg10[%dma_start3A_253, %dma_start3A_254, %dma_start3A_255] : memref<2x16x1024xf32, #tpu.memory_space<vmem>> -> memref<1x16x1024xf32, #tpu.memory_space<vmem>>
        %dma_start3A_257 = tpu.memref_squeeze %dma_start3A_256 : memref<1x16x1024xf32, #tpu.memory_space<vmem>> -> memref<16x1024xf32, #tpu.memory_space<vmem>>
        %dma_start3A_258 = arith.constant 0 : i32
        %dma_start3A_259 = tpu.memref_slice %arg8[%dma_start3A_252, %add3A_251, %dma_start3A_258] : memref<4x16x16xi32, #tpu.memory_space<vmem>> -> memref<1x1x16xi32, #tpu.memory_space<vmem>>
        %dma_start3A_260 = tpu.memref_squeeze %dma_start3A_259 : memref<1x1x16xi32, #tpu.memory_space<vmem>> -> memref<16xi32, #tpu.memory_space<vmem>>
        %dma_start3A_261 = arith.constant 0 : i32
        %dma_start3A_262 = arith.constant 0 : i32
        %dma_start3A_263 = tpu.memref_slice %arg4[%dma_start3A_261, %dma_start3A_262] : memref<2048x1024xf32, #tpu.memory_space<hbm>> -> memref<2048x1024xf32, #tpu.memory_space<hbm>>
        tpu.enqueue_indirect_dma source(%dma_start3A_263 : memref<2048x1024xf32, #tpu.memory_space<hbm>>) target(%dma_start3A_257 : memref<16x1024xf32, #tpu.memory_space<vmem>>) offsets(%dma_start3A_260 : memref<16xi32, #tpu.memory_space<vmem>>) semaphore(%arg17 : memref<!tpu.dma_semaphore, #tpu.memory_space<semaphore_mem>>)
      } else {
      }
      %mul3A_160 = arith.constant 2 : i32
      %mul3A_161 = arith.muli %scan3A_92, %mul3A_160 : i32
      %add3A_162 = arith.constant 1 : i32
      %add3A_163 = arith.addi %mul3A_161, %add3A_162 : i32
      %dma_wait3A_164 = arith.constant 0 : i32
      %dma_wait3A_165 = arith.constant 1 : i32
      %dma_wait3A_166 = arith.constant 0 : i32
      %dma_wait3A_167 = arith.constant 0 : i32
      %dma_wait3A_168 = tpu.memref_slice %arg9[%dma_wait3A_165, %dma_wait3A_166, %dma_wait3A_167] : memref<2x16x1024xf32, #tpu.memory_space<vmem>> -> memref<1x16x1024xf32, #tpu.memory_space<vmem>>
      %dma_wait3A_169 = tpu.memref_squeeze %dma_wait3A_168 : memref<1x16x1024xf32, #tpu.memory_space<vmem>> -> memref<16x1024xf32, #tpu.memory_space<vmem>>
      %dma_wait3A_170 = arith.constant 0 : i32
      %dma_wait3A_171 = tpu.memref_slice %arg8[%dma_wait3A_164, %add3A_163, %dma_wait3A_170] : memref<4x16x16xi32, #tpu.memory_space<vmem>> -> memref<1x1x16xi32, #tpu.memory_space<vmem>>
      %dma_wait3A_172 = tpu.memref_squeeze %dma_wait3A_171 : memref<1x1x16xi32, #tpu.memory_space<vmem>> -> memref<16xi32, #tpu.memory_space<vmem>>
      %dma_wait3A_173 = arith.constant 0 : i32
      %dma_wait3A_174 = arith.constant 0 : i32
      %dma_wait3A_175 = tpu.memref_slice %arg3[%dma_wait3A_173, %dma_wait3A_174] : memref<30522x1024xf32, #tpu.memory_space<hbm>> -> memref<30522x1024xf32, #tpu.memory_space<hbm>>
      tpu.wait_indirect_dma semaphore(%arg16 : memref<!tpu.dma_semaphore, #tpu.memory_space<semaphore_mem>>) src(%dma_wait3A_175 : memref<30522x1024xf32, #tpu.memory_space<hbm>>) dst(%dma_wait3A_169 : memref<16x1024xf32, #tpu.memory_space<vmem>>)
      %dma_wait3A_176 = arith.constant 1 : i32
      %dma_wait3A_177 = arith.constant 1 : i32
      %dma_wait3A_178 = arith.constant 0 : i32
      %dma_wait3A_179 = arith.constant 0 : i32
      %dma_wait3A_180 = tpu.memref_slice %arg10[%dma_wait3A_177, %dma_wait3A_178, %dma_wait3A_179] : memref<2x16x1024xf32, #tpu.memory_space<vmem>> -> memref<1x16x1024xf32, #tpu.memory_space<vmem>>
      %dma_wait3A_181 = tpu.memref_squeeze %dma_wait3A_180 : memref<1x16x1024xf32, #tpu.memory_space<vmem>> -> memref<16x1024xf32, #tpu.memory_space<vmem>>
      %dma_wait3A_182 = arith.constant 0 : i32
      %dma_wait3A_183 = tpu.memref_slice %arg8[%dma_wait3A_176, %add3A_163, %dma_wait3A_182] : memref<4x16x16xi32, #tpu.memory_space<vmem>> -> memref<1x1x16xi32, #tpu.memory_space<vmem>>
      %dma_wait3A_184 = tpu.memref_squeeze %dma_wait3A_183 : memref<1x1x16xi32, #tpu.memory_space<vmem>> -> memref<16xi32, #tpu.memory_space<vmem>>
      %dma_wait3A_185 = arith.constant 0 : i32
      %dma_wait3A_186 = arith.constant 0 : i32
      %dma_wait3A_187 = tpu.memref_slice %arg4[%dma_wait3A_185, %dma_wait3A_186] : memref<2048x1024xf32, #tpu.memory_space<hbm>> -> memref<2048x1024xf32, #tpu.memory_space<hbm>>
      tpu.wait_indirect_dma semaphore(%arg18 : memref<!tpu.dma_semaphore, #tpu.memory_space<semaphore_mem>>) src(%dma_wait3A_187 : memref<2048x1024xf32, #tpu.memory_space<hbm>>) dst(%dma_wait3A_181 : memref<16x1024xf32, #tpu.memory_space<vmem>>)
      %ge3A_188 = arith.constant 1 : i32
      %ge3A_189 = arith.cmpi sge, %scan3A_92, %ge3A_188 : i32
      %convert_element_type3A_190 = arith.extui %ge3A_189 : i1 to i32
      %cond3A_191 = arith.constant 0 : i32
      %cond3A_192 = arith.cmpi ne, %convert_element_type3A_190, %cond3A_191 : i32
      scf.if %cond3A_192 {
        %sub3A = arith.constant 2 : i32
        %sub3A_236 = arith.subi %add3A_163, %sub3A : i32
        %mul3A_237 = arith.constant 16 : i32
        %mul3A_238 = arith.muli %sub3A_236, %mul3A_237 : i32
        %add3A_239 = arith.addi %mul3A_2, %mul3A_238 : i32
        %dma_wait3A_240 = arith.constant 1 : i32
        %dma_wait3A_241 = arith.constant 0 : i32
        %dma_wait3A_242 = arith.constant 0 : i32
        %dma_wait3A_243 = tpu.memref_slice %arg11[%dma_wait3A_240, %dma_wait3A_241, %dma_wait3A_242] : memref<2x16x1024xf32, #tpu.memory_space<vmem>> -> memref<1x16x1024xf32, #tpu.memory_space<vmem>>
        %dma_wait3A_244 = tpu.memref_squeeze %dma_wait3A_243 : memref<1x16x1024xf32, #tpu.memory_space<vmem>> -> memref<16x1024xf32, #tpu.memory_space<vmem>>
        %dma_wait3A_245 = arith.constant 0 : i32
        %dma_wait3A_246 = tpu.memref_slice %arg7[%add3A_239, %dma_wait3A_245] : memref<8192x1024xf32, #tpu.memory_space<hbm>> -> memref<16x1024xf32, #tpu.memory_space<hbm>>
        %dma_wait3A_247 = arith.constant 0 : i32
        %dma_wait3A_248 = tpu.memref_slice %arg7[%add3A_239, %dma_wait3A_247] : memref<8192x1024xf32, #tpu.memory_space<hbm>> -> memref<16x1024xf32, #tpu.memory_space<hbm>>
        %dma_wait3A_249 = arith.constant 0 : i32
        %dma_wait3A_250 = arith.constant 0 : i32
        %dma_wait3A_251 = tpu.memref_slice %arg11[%dma_wait3A_240, %dma_wait3A_249, %dma_wait3A_250] : memref<2x16x1024xf32, #tpu.memory_space<vmem>> -> memref<1x16x1024xf32, #tpu.memory_space<vmem>>
        %dma_wait3A_252 = tpu.memref_squeeze %dma_wait3A_251 : memref<1x16x1024xf32, #tpu.memory_space<vmem>> -> memref<16x1024xf32, #tpu.memory_space<vmem>>
        tpu.wait_dma2 semaphore(%arg20 : memref<!tpu.dma_semaphore, #tpu.memory_space<semaphore_mem>>) src(%dma_wait3A_252 : memref<16x1024xf32, #tpu.memory_space<vmem>>) dst(%dma_wait3A_248 : memref<16x1024xf32, #tpu.memory_space<hbm>>)
      } else {
      }
      %get3A_193 = arith.constant 2 : i32
      %get3A_194 = arith.index_cast %get3A_193 : i32 to index
      %get3A_195 = arith.index_cast %add3A_163 : i32 to index
      %get3A_196 = arith.constant 0 : index
      %get3A_197 = tpu.vector_load %arg8[%get3A_194, %get3A_195, %get3A_196] {strides = array<i32>} : memref<4x16x16xi32, #tpu.memory_space<vmem>>, vector<1x1x16xi32>,
      %get3A_198 = vector.shape_cast %get3A_197 : vector<1x1x16xi32> to vector<16xi32>
      %convert_element_type3A_199 = arith.sitofp %get3A_198 : vector<16xi32> to vector<16xf32>
      %iota3A_200 = tpu.iota {dimensions = array<i32: 0>} : vector<16xi32>
      %get3A_201 = arith.constant 3 : i32
      %get3A_202 = arith.index_cast %get3A_201 : i32 to index
      %get3A_203 = arith.index_cast %add3A_163 : i32 to index
      %get3A_204 = arith.constant 0 : index
      %get3A_205 = tpu.vector_load %arg8[%get3A_202, %get3A_203, %get3A_204] {strides = array<i32>} : memref<4x16x16xi32, #tpu.memory_space<vmem>>, vector<1x1x16xi32>,
      %get3A_206 = vector.shape_cast %get3A_205 : vector<1x1x16xi32> to vector<16xi32>
      %slice3A_207 = vector.extract_strided_slice %get3A_206 {offsets = [0], sizes = [1], strides = [1]} : vector<16xi32> to vector<1xi32>
      %squeeze3A_208 = vector.extract %slice3A_207[0] : i32 from vector<1xi32>
      %ne3A_209 = arith.constant 0 : i32
      %ne3A_210 = arith.cmpi ne, %squeeze3A_208, %ne3A_209 : i32
      %convert_element_type3A_211 = arith.extui %ne3A_210 : i1 to i32
      %cond3A_212 = arith.constant 0 : i32
      %cond3A_213 = arith.cmpi ne, %convert_element_type3A_211, %cond3A_212 : i32
      scf.if %cond3A_213 {
        %parallel_loop3A_236 = arith.constant 0 : i32
        %parallel_loop3A_237 = arith.constant 16 : i32
        %parallel_loop3A_238 = arith.constant 1 : i32
        %parallel_loop3A_239:2 = scf.for %parallel_loop3A_296 = %parallel_loop3A_236 to %parallel_loop3A_237 step %parallel_loop3A_238 iter_args(%parallel_loop3A_297 = %broadcast_in_dim3A_5, %parallel_loop3A_298 = %broadcast_in_dim3A_5) -> (vector<16xf32>, vector<16xf32>)  : i32 {
          %parallel_loop3A_299 = arith.constant 0 : i32
          %parallel_loop3A_300 = arith.constant 64 : i32
          %parallel_loop3A_301 = arith.constant 1 : i32
          %parallel_loop3A_302:2 = scf.for %parallel_loop3A_376 = %parallel_loop3A_299 to %parallel_loop3A_300 step %parallel_loop3A_301 iter_args(%parallel_loop3A_377 = %broadcast_in_dim3A_5, %parallel_loop3A_378 = %broadcast_in_dim3A_5) -> (vector<16xf32>, vector<16xf32>)  : i32 {
            %parallel_loop3A_379 = arith.constant 16 : i32
            %parallel_loop3A_380 = arith.muli %parallel_loop3A_376, %parallel_loop3A_379 : i32
            %parallel_loop3A_381 = arith.constant 1 : i32
            %parallel_loop3A_382 = arith.index_cast %parallel_loop3A_381 : i32 to index
            %parallel_loop3A_383 = arith.index_cast %parallel_loop3A_296 : i32 to index
            %parallel_loop3A_384 = arith.index_cast %parallel_loop3A_380 : i32 to index
            %parallel_loop3A_385 = tpu.vector_load %arg9[%parallel_loop3A_382, %parallel_loop3A_383, %parallel_loop3A_384] {strides = array<i32>} : memref<2x16x1024xf32, #tpu.memory_space<vmem>>, vector<1x1x16xf32>,
            %parallel_loop3A_386 = vector.shape_cast %parallel_loop3A_385 : vector<1x1x16xf32> to vector<16xf32>
            %parallel_loop3A_387 = arith.constant 1 : i32
            %parallel_loop3A_388 = arith.index_cast %parallel_loop3A_387 : i32 to index
            %parallel_loop3A_389 = arith.index_cast %parallel_loop3A_296 : i32 to index
            %parallel_loop3A_390 = arith.index_cast %parallel_loop3A_380 : i32 to index
            %parallel_loop3A_391 = tpu.vector_load %arg10[%parallel_loop3A_388, %parallel_loop3A_389, %parallel_loop3A_390] {strides = array<i32>} : memref<2x16x1024xf32, #tpu.memory_space<vmem>>, vector<1x1x16xf32>,
            %parallel_loop3A_392 = vector.shape_cast %parallel_loop3A_391 : vector<1x1x16xf32> to vector<16xf32>
            %parallel_loop3A_393 = arith.addf %parallel_loop3A_386, %parallel_loop3A_392 : vector<16xf32>
            %parallel_loop3A_394 = arith.constant 1 : i32
            %parallel_loop3A_395 = arith.index_cast %parallel_loop3A_394 : i32 to index
            %parallel_loop3A_396 = arith.index_cast %parallel_loop3A_296 : i32 to index
            %parallel_loop3A_397 = arith.index_cast %parallel_loop3A_380 : i32 to index
            %parallel_loop3A_398 = tpu.vector_load %arg9[%parallel_loop3A_395, %parallel_loop3A_396, %parallel_loop3A_397] {strides = array<i32>} : memref<2x16x1024xf32, #tpu.memory_space<vmem>>, vector<1x1x16xf32>,
            %parallel_loop3A_399 = vector.shape_cast %parallel_loop3A_398 : vector<1x1x16xf32> to vector<16xf32>
            %parallel_loop3A_400 = vector.shape_cast %parallel_loop3A_393 : vector<16xf32> to vector<1x1x16xf32>
            tpu.vector_store %arg9[%parallel_loop3A_395, %parallel_loop3A_396, %parallel_loop3A_397], %parallel_loop3A_400 {strides = array<i32>} : memref<2x16x1024xf32, #tpu.memory_space<vmem>>, vector<1x1x16xf32>,
            %parallel_loop3A_401 = arith.addf %parallel_loop3A_377, %parallel_loop3A_393 : vector<16xf32>
            %parallel_loop3A_402 = arith.mulf %parallel_loop3A_393, %parallel_loop3A_393 : vector<16xf32>
            %parallel_loop3A_403 = arith.addf %parallel_loop3A_378, %parallel_loop3A_402 : vector<16xf32>
            scf.yield %parallel_loop3A_401, %parallel_loop3A_403 : vector<16xf32>, vector<16xf32>
          } {sc.loop_unroll_factor = 8 : i64, sc.parallel_access}
          %parallel_loop3A_303 = arith.sitofp %iota3A_200 : vector<16xi32> to vector<16xf32>
          %parallel_loop3A_304 = arith.sitofp %parallel_loop3A_296 : i32 to f32
          %parallel_loop3A_305 = vector.broadcast %parallel_loop3A_304 : f32 to vector<16xf32>
          %parallel_loop3A_306 = arith.subf %parallel_loop3A_303, %parallel_loop3A_305 : vector<16xf32>
          %parallel_loop3A_307 = math.absf %parallel_loop3A_306 : vector<16xf32>
          %parallel_loop3A_308 = arith.constant 1.000000e+00 : f32
          %parallel_loop3A_309 = vector.broadcast %parallel_loop3A_308 : f32 to vector<16xf32>
          %parallel_loop3A_310 = arith.subf %parallel_loop3A_309, %parallel_loop3A_307 : vector<16xf32>
          %parallel_loop3A_311 = arith.constant 0.000000e+00 : f32
          %parallel_loop3A_312 = vector.broadcast %parallel_loop3A_311 : f32 to vector<16xf32>
          %parallel_loop3A_313 = arith.maximumf %parallel_loop3A_312, %parallel_loop3A_310 : vector<16xf32>
          %parallel_loop3A_314 = tpu.iota {dimensions = array<i32: 0>} : vector<16xi32>
          %parallel_loop3A_315 = arith.constant 8 : i32
          %parallel_loop3A_316 = vector.broadcast %parallel_loop3A_315 : i32 to vector<16xi32>
          %parallel_loop3A_317 = arith.xori %parallel_loop3A_314, %parallel_loop3A_316 : vector<16xi32>
          %parallel_loop3A_318 = vector.shape_cast %parallel_loop3A_317 : vector<16xi32> to vector<16x1xi32>
          %parallel_loop3A_319 = vector.shape_cast %parallel_loop3A_318 : vector<16x1xi32> to vector<16xi32>
          %parallel_loop3A_320 = tpu.dynamic_gather %parallel_loop3A_302#0[%parallel_loop3A_319] in [0] : vector<16xf32>, vector<16xi32> -> vector<16xf32>
          %parallel_loop3A_321 = arith.addf %parallel_loop3A_302#0, %parallel_loop3A_320 : vector<16xf32>
          %parallel_loop3A_322 = arith.constant 4 : i32
          %parallel_loop3A_323 = vector.broadcast %parallel_loop3A_322 : i32 to vector<16xi32>
          %parallel_loop3A_324 = arith.xori %parallel_loop3A_314, %parallel_loop3A_323 : vector<16xi32>
          %parallel_loop3A_325 = vector.shape_cast %parallel_loop3A_324 : vector<16xi32> to vector<16x1xi32>
          %parallel_loop3A_326 = vector.shape_cast %parallel_loop3A_325 : vector<16x1xi32> to vector<16xi32>
          %parallel_loop3A_327 = tpu.dynamic_gather %parallel_loop3A_321[%parallel_loop3A_326] in [0] : vector<16xf32>, vector<16xi32> -> vector<16xf32>
          %parallel_loop3A_328 = arith.addf %parallel_loop3A_321, %parallel_loop3A_327 : vector<16xf32>
          %parallel_loop3A_329 = arith.constant 2 : i32
          %parallel_loop3A_330 = vector.broadcast %parallel_loop3A_329 : i32 to vector<16xi32>
          %parallel_loop3A_331 = arith.xori %parallel_loop3A_314, %parallel_loop3A_330 : vector<16xi32>
          %parallel_loop3A_332 = vector.shape_cast %parallel_loop3A_331 : vector<16xi32> to vector<16x1xi32>
          %parallel_loop3A_333 = vector.shape_cast %parallel_loop3A_332 : vector<16x1xi32> to vector<16xi32>
          %parallel_loop3A_334 = tpu.dynamic_gather %parallel_loop3A_328[%parallel_loop3A_333] in [0] : vector<16xf32>, vector<16xi32> -> vector<16xf32>
          %parallel_loop3A_335 = arith.addf %parallel_loop3A_328, %parallel_loop3A_334 : vector<16xf32>
          %parallel_loop3A_336 = arith.constant 1 : i32
          %parallel_loop3A_337 = vector.broadcast %parallel_loop3A_336 : i32 to vector<16xi32>
          %parallel_loop3A_338 = arith.xori %parallel_loop3A_314, %parallel_loop3A_337 : vector<16xi32>
          %parallel_loop3A_339 = vector.shape_cast %parallel_loop3A_338 : vector<16xi32> to vector<16x1xi32>
          %parallel_loop3A_340 = vector.shape_cast %parallel_loop3A_339 : vector<16x1xi32> to vector<16xi32>
          %parallel_loop3A_341 = tpu.dynamic_gather %parallel_loop3A_335[%parallel_loop3A_340] in [0] : vector<16xf32>, vector<16xi32> -> vector<16xf32>
          %parallel_loop3A_342 = arith.addf %parallel_loop3A_335, %parallel_loop3A_341 : vector<16xf32>
          %parallel_loop3A_343 = arith.mulf %parallel_loop3A_342, %parallel_loop3A_313 : vector<16xf32>
          %parallel_loop3A_344 = arith.addf %parallel_loop3A_297, %parallel_loop3A_343 : vector<16xf32>
          %parallel_loop3A_345 = tpu.iota {dimensions = array<i32: 0>} : vector<16xi32>
          %parallel_loop3A_346 = arith.constant 8 : i32
          %parallel_loop3A_347 = vector.broadcast %parallel_loop3A_346 : i32 to vector<16xi32>
          %parallel_loop3A_348 = arith.xori %parallel_loop3A_345, %parallel_loop3A_347 : vector<16xi32>
          %parallel_loop3A_349 = vector.shape_cast %parallel_loop3A_348 : vector<16xi32> to vector<16x1xi32>
          %parallel_loop3A_350 = vector.shape_cast %parallel_loop3A_349 : vector<16x1xi32> to vector<16xi32>
          %parallel_loop3A_351 = tpu.dynamic_gather %parallel_loop3A_302#1[%parallel_loop3A_350] in [0] : vector<16xf32>, vector<16xi32> -> vector<16xf32>
          %parallel_loop3A_352 = arith.addf %parallel_loop3A_302#1, %parallel_loop3A_351 : vector<16xf32>
          %parallel_loop3A_353 = arith.constant 4 : i32
          %parallel_loop3A_354 = vector.broadcast %parallel_loop3A_353 : i32 to vector<16xi32>
          %parallel_loop3A_355 = arith.xori %parallel_loop3A_345, %parallel_loop3A_354 : vector<16xi32>
          %parallel_loop3A_356 = vector.shape_cast %parallel_loop3A_355 : vector<16xi32> to vector<16x1xi32>
          %parallel_loop3A_357 = vector.shape_cast %parallel_loop3A_356 : vector<16x1xi32> to vector<16xi32>
          %parallel_loop3A_358 = tpu.dynamic_gather %parallel_loop3A_352[%parallel_loop3A_357] in [0] : vector<16xf32>, vector<16xi32> -> vector<16xf32>
          %parallel_loop3A_359 = arith.addf %parallel_loop3A_352, %parallel_loop3A_358 : vector<16xf32>
          %parallel_loop3A_360 = arith.constant 2 : i32
          %parallel_loop3A_361 = vector.broadcast %parallel_loop3A_360 : i32 to vector<16xi32>
          %parallel_loop3A_362 = arith.xori %parallel_loop3A_345, %parallel_loop3A_361 : vector<16xi32>
          %parallel_loop3A_363 = vector.shape_cast %parallel_loop3A_362 : vector<16xi32> to vector<16x1xi32>
          %parallel_loop3A_364 = vector.shape_cast %parallel_loop3A_363 : vector<16x1xi32> to vector<16xi32>
          %parallel_loop3A_365 = tpu.dynamic_gather %parallel_loop3A_359[%parallel_loop3A_364] in [0] : vector<16xf32>, vector<16xi32> -> vector<16xf32>
          %parallel_loop3A_366 = arith.addf %parallel_loop3A_359, %parallel_loop3A_365 : vector<16xf32>
          %parallel_loop3A_367 = arith.constant 1 : i32
          %parallel_loop3A_368 = vector.broadcast %parallel_loop3A_367 : i32 to vector<16xi32>
          %parallel_loop3A_369 = arith.xori %parallel_loop3A_345, %parallel_loop3A_368 : vector<16xi32>
          %parallel_loop3A_370 = vector.shape_cast %parallel_loop3A_369 : vector<16xi32> to vector<16x1xi32>
          %parallel_loop3A_371 = vector.shape_cast %parallel_loop3A_370 : vector<16x1xi32> to vector<16xi32>
          %parallel_loop3A_372 = tpu.dynamic_gather %parallel_loop3A_366[%parallel_loop3A_371] in [0] : vector<16xf32>, vector<16xi32> -> vector<16xf32>
          %parallel_loop3A_373 = arith.addf %parallel_loop3A_366, %parallel_loop3A_372 : vector<16xf32>
          %parallel_loop3A_374 = arith.mulf %parallel_loop3A_373, %parallel_loop3A_313 : vector<16xf32>
          %parallel_loop3A_375 = arith.addf %parallel_loop3A_298, %parallel_loop3A_374 : vector<16xf32>
          scf.yield %parallel_loop3A_344, %parallel_loop3A_375 : vector<16xf32>, vector<16xf32>
        } {sc.loop_unroll_factor = 1 : i64, sc.parallel_access}
        %mul3A_240 = arith.constant 9.765625E-4 : f32
        %mul3A_241 = vector.broadcast %mul3A_240 : f32 to vector<16xf32>
        %mul3A_242 = arith.mulf %parallel_loop3A_239#0, %mul3A_241 : vector<16xf32>
        %mul3A_243 = arith.constant 9.765625E-4 : f32
        %mul3A_244 = vector.broadcast %mul3A_243 : f32 to vector<16xf32>
        %mul3A_245 = arith.mulf %parallel_loop3A_239#1, %mul3A_244 : vector<16xf32>
        %mul3A_246 = arith.mulf %mul3A_242, %mul3A_242 : vector<16xf32>
        %sub3A = arith.subf %mul3A_245, %mul3A_246 : vector<16xf32>
        %add3A_247 = arith.constant 9.99999996E-13 : f32
        %add3A_248 = vector.broadcast %add3A_247 : f32 to vector<16xf32>
        %add3A_249 = arith.addf %sub3A, %add3A_248 : vector<16xf32>
        %bitcast_convert_type3A = tpu.bitcast %add3A_249 : vector<16xf32> -> vector<16xi32>
        %shift_right_logical3A = arith.constant 1 : i32
        %shift_right_logical3A_250 = vector.broadcast %shift_right_logical3A : i32 to vector<16xi32>
        %shift_right_logical3A_251 = arith.shrui %bitcast_convert_type3A, %shift_right_logical3A_250 : vector<16xi32>
        %sub3A_252 = arith.constant 1597463007 : i32
        %sub3A_253 = vector.broadcast %sub3A_252 : i32 to vector<16xi32>
        %sub3A_254 = arith.subi %sub3A_253, %shift_right_logical3A_251 : vector<16xi32>
        %bitcast_convert_type3A_255 = tpu.bitcast %sub3A_254 : vector<16xi32> -> vector<16xf32>
        %mul3A_256 = arith.constant 5.000000e-01 : f32
        %mul3A_257 = vector.broadcast %mul3A_256 : f32 to vector<16xf32>
        %mul3A_258 = arith.mulf %mul3A_257, %add3A_249 : vector<16xf32>
        %mul3A_259 = arith.mulf %mul3A_258, %bitcast_convert_type3A_255 : vector<16xf32>
        %mul3A_260 = arith.mulf %mul3A_259, %bitcast_convert_type3A_255 : vector<16xf32>
        %sub3A_261 = arith.constant 1.500000e+00 : f32
        %sub3A_262 = vector.broadcast %sub3A_261 : f32 to vector<16xf32>
        %sub3A_263 = arith.subf %sub3A_262, %mul3A_260 : vector<16xf32>
        %mul3A_264 = arith.mulf %bitcast_convert_type3A_255, %sub3A_263 : vector<16xf32>
        %mul3A_265 = arith.constant 5.000000e-01 : f32
        %mul3A_266 = vector.broadcast %mul3A_265 : f32 to vector<16xf32>
        %mul3A_267 = arith.mulf %mul3A_266, %add3A_249 : vector<16xf32>
        %mul3A_268 = arith.mulf %mul3A_267, %mul3A_264 : vector<16xf32>
        %mul3A_269 = arith.mulf %mul3A_268, %mul3A_264 : vector<16xf32>
        %sub3A_270 = arith.constant 1.500000e+00 : f32
        %sub3A_271 = vector.broadcast %sub3A_270 : f32 to vector<16xf32>
        %sub3A_272 = arith.subf %sub3A_271, %mul3A_269 : vector<16xf32>
        %mul3A_273 = arith.mulf %mul3A_264, %sub3A_272 : vector<16xf32>
        %mul3A_274 = arith.constant 5.000000e-01 : f32
        %mul3A_275 = vector.broadcast %mul3A_274 : f32 to vector<16xf32>
        %mul3A_276 = arith.mulf %mul3A_275, %add3A_249 : vector<16xf32>
        %mul3A_277 = arith.mulf %mul3A_276, %mul3A_273 : vector<16xf32>
        %mul3A_278 = arith.mulf %mul3A_277, %mul3A_273 : vector<16xf32>
        %sub3A_279 = arith.constant 1.500000e+00 : f32
        %sub3A_280 = vector.broadcast %sub3A_279 : f32 to vector<16xf32>
        %sub3A_281 = arith.subf %sub3A_280, %mul3A_278 : vector<16xf32>
        %mul3A_282 = arith.mulf %mul3A_273, %sub3A_281 : vector<16xf32>
        %mul3A_283 = arith.constant 5.000000e-01 : f32
        %mul3A_284 = vector.broadcast %mul3A_283 : f32 to vector<16xf32>
        %mul3A_285 = arith.mulf %mul3A_284, %add3A_249 : vector<16xf32>
        %mul3A_286 = arith.mulf %mul3A_285, %mul3A_282 : vector<16xf32>
        %mul3A_287 = arith.mulf %mul3A_286, %mul3A_282 : vector<16xf32>
        %sub3A_288 = arith.constant 1.500000e+00 : f32
        %sub3A_289 = vector.broadcast %sub3A_288 : f32 to vector<16xf32>
        %sub3A_290 = arith.subf %sub3A_289, %mul3A_287 : vector<16xf32>
        %mul3A_291 = arith.mulf %mul3A_282, %sub3A_290 : vector<16xf32>
        %mul3A_292 = arith.mulf %mul3A_242, %mul3A_291 : vector<16xf32>
        %parallel_loop3A_293 = arith.constant 0 : i32
        %parallel_loop3A_294 = arith.constant 16 : i32
        %parallel_loop3A_295 = arith.constant 1 : i32
        scf.for %parallel_loop3A_296 = %parallel_loop3A_293 to %parallel_loop3A_294 step %parallel_loop3A_295  : i32 {
          %parallel_loop3A_297 = vector.broadcast %parallel_loop3A_296 : i32 to vector<16xi32>
          %parallel_loop3A_298 = vector.shape_cast %parallel_loop3A_297 : vector<16xi32> to vector<16x1xi32>
          %parallel_loop3A_299 = vector.shape_cast %parallel_loop3A_298 : vector<16x1xi32> to vector<16xi32>
          %parallel_loop3A_300 = tpu.dynamic_gather %mul3A_291[%parallel_loop3A_299] in [0] : vector<16xf32>, vector<16xi32> -> vector<16xf32>
          %parallel_loop3A_301 = vector.shape_cast %parallel_loop3A_297 : vector<16xi32> to vector<16x1xi32>
          %parallel_loop3A_302 = vector.shape_cast %parallel_loop3A_301 : vector<16x1xi32> to vector<16xi32>
          %parallel_loop3A_303 = tpu.dynamic_gather %mul3A_292[%parallel_loop3A_302] in [0] : vector<16xf32>, vector<16xi32> -> vector<16xf32>
          %parallel_loop3A_304 = arith.constant 0 : i32
          %parallel_loop3A_305 = arith.constant 64 : i32
          %parallel_loop3A_306 = arith.constant 1 : i32
          scf.for %parallel_loop3A_307 = %parallel_loop3A_304 to %parallel_loop3A_305 step %parallel_loop3A_306  : i32 {
            %parallel_loop3A_308 = arith.constant 16 : i32
            %parallel_loop3A_309 = arith.muli %parallel_loop3A_307, %parallel_loop3A_308 : i32
            %parallel_loop3A_310 = arith.constant 1 : i32
            %parallel_loop3A_311 = arith.index_cast %parallel_loop3A_310 : i32 to index
            %parallel_loop3A_312 = arith.index_cast %parallel_loop3A_296 : i32 to index
            %parallel_loop3A_313 = arith.index_cast %parallel_loop3A_309 : i32 to index
            %parallel_loop3A_314 = tpu.vector_load %arg9[%parallel_loop3A_311, %parallel_loop3A_312, %parallel_loop3A_313] {strides = array<i32>} : memref<2x16x1024xf32, #tpu.memory_space<vmem>>, vector<1x1x16xf32>,
            %parallel_loop3A_315 = vector.shape_cast %parallel_loop3A_314 : vector<1x1x16xf32> to vector<16xf32>
            %parallel_loop3A_316 = arith.mulf %parallel_loop3A_315, %parallel_loop3A_300 : vector<16xf32>
            %parallel_loop3A_317 = arith.subf %parallel_loop3A_316, %parallel_loop3A_303 : vector<16xf32>
            %parallel_loop3A_318 = arith.constant 1 : i32
            %parallel_loop3A_319 = arith.index_cast %parallel_loop3A_318 : i32 to index
            %parallel_loop3A_320 = arith.index_cast %parallel_loop3A_296 : i32 to index
            %parallel_loop3A_321 = arith.index_cast %parallel_loop3A_309 : i32 to index
            %parallel_loop3A_322 = tpu.vector_load %arg11[%parallel_loop3A_319, %parallel_loop3A_320, %parallel_loop3A_321] {strides = array<i32>} : memref<2x16x1024xf32, #tpu.memory_space<vmem>>, vector<1x1x16xf32>,
            %parallel_loop3A_323 = vector.shape_cast %parallel_loop3A_322 : vector<1x1x16xf32> to vector<16xf32>
            %parallel_loop3A_324 = vector.shape_cast %parallel_loop3A_317 : vector<16xf32> to vector<1x1x16xf32>
            tpu.vector_store %arg11[%parallel_loop3A_319, %parallel_loop3A_320, %parallel_loop3A_321], %parallel_loop3A_324 {strides = array<i32>} : memref<2x16x1024xf32, #tpu.memory_space<vmem>>, vector<1x1x16xf32>,
          } {sc.loop_unroll_factor = 8 : i64, sc.parallel_access}
        } {sc.loop_unroll_factor = 1 : i64, sc.parallel_access}
      } else {
        %parallel_loop3A_236 = arith.constant 0 : i32
        %parallel_loop3A_237 = arith.constant 16 : i32
        %parallel_loop3A_238 = arith.constant 1 : i32
        scf.for %parallel_loop3A_239 = %parallel_loop3A_236 to %parallel_loop3A_237 step %parallel_loop3A_238  : i32 {
          %parallel_loop3A_240 = vector.broadcast %parallel_loop3A_239 : i32 to vector<16xi32>
          %parallel_loop3A_241 = vector.shape_cast %parallel_loop3A_240 : vector<16xi32> to vector<16x1xi32>
          %parallel_loop3A_242 = vector.shape_cast %parallel_loop3A_241 : vector<16x1xi32> to vector<16xi32>
          %parallel_loop3A_243 = tpu.dynamic_gather %convert_element_type3A_199[%parallel_loop3A_242] in [0] : vector<16xf32>, vector<16xi32> -> vector<16xf32>
          %parallel_loop3A_244 = arith.constant 0 : i32
          %parallel_loop3A_245 = arith.constant 64 : i32
          %parallel_loop3A_246 = arith.constant 1 : i32
          %parallel_loop3A_247:2 = scf.for %parallel_loop3A_365 = %parallel_loop3A_244 to %parallel_loop3A_245 step %parallel_loop3A_246 iter_args(%parallel_loop3A_366 = %broadcast_in_dim3A_5, %parallel_loop3A_367 = %broadcast_in_dim3A_5) -> (vector<16xf32>, vector<16xf32>)  : i32 {
            %parallel_loop3A_368 = arith.constant 16 : i32
            %parallel_loop3A_369 = arith.muli %parallel_loop3A_365, %parallel_loop3A_368 : i32
            %parallel_loop3A_370 = arith.constant 1 : i32
            %parallel_loop3A_371 = arith.index_cast %parallel_loop3A_370 : i32 to index
            %parallel_loop3A_372 = arith.index_cast %parallel_loop3A_239 : i32 to index
            %parallel_loop3A_373 = arith.index_cast %parallel_loop3A_369 : i32 to index
            %parallel_loop3A_374 = tpu.vector_load %arg9[%parallel_loop3A_371, %parallel_loop3A_372, %parallel_loop3A_373] {strides = array<i32>} : memref<2x16x1024xf32, #tpu.memory_space<vmem>>, vector<1x1x16xf32>,
            %parallel_loop3A_375 = vector.shape_cast %parallel_loop3A_374 : vector<1x1x16xf32> to vector<16xf32>
            %parallel_loop3A_376 = arith.constant 1 : i32
            %parallel_loop3A_377 = arith.index_cast %parallel_loop3A_376 : i32 to index
            %parallel_loop3A_378 = arith.index_cast %parallel_loop3A_239 : i32 to index
            %parallel_loop3A_379 = arith.index_cast %parallel_loop3A_369 : i32 to index
            %parallel_loop3A_380 = tpu.vector_load %arg10[%parallel_loop3A_377, %parallel_loop3A_378, %parallel_loop3A_379] {strides = array<i32>} : memref<2x16x1024xf32, #tpu.memory_space<vmem>>, vector<1x1x16xf32>,
            %parallel_loop3A_381 = vector.shape_cast %parallel_loop3A_380 : vector<1x1x16xf32> to vector<16xf32>
            %parallel_loop3A_382 = arith.addf %parallel_loop3A_375, %parallel_loop3A_381 : vector<16xf32>
            %parallel_loop3A_383 = arith.index_cast %parallel_loop3A_369 : i32 to index
            %parallel_loop3A_384 = tpu.vector_load %arg14[%parallel_loop3A_383] {strides = array<i32>} : memref<1024xf32, #tpu.memory_space<vmem>>, vector<16xf32>,
            %parallel_loop3A_385 = vector.shape_cast %parallel_loop3A_384 : vector<16xf32> to vector<16xf32>
            %parallel_loop3A_386 = arith.mulf %parallel_loop3A_243, %parallel_loop3A_385 : vector<16xf32>
            %parallel_loop3A_387 = arith.addf %parallel_loop3A_382, %parallel_loop3A_386 : vector<16xf32>
            %parallel_loop3A_388 = arith.constant 1 : i32
            %parallel_loop3A_389 = arith.index_cast %parallel_loop3A_388 : i32 to index
            %parallel_loop3A_390 = arith.index_cast %parallel_loop3A_239 : i32 to index
            %parallel_loop3A_391 = arith.index_cast %parallel_loop3A_369 : i32 to index
            %parallel_loop3A_392 = tpu.vector_load %arg9[%parallel_loop3A_389, %parallel_loop3A_390, %parallel_loop3A_391] {strides = array<i32>} : memref<2x16x1024xf32, #tpu.memory_space<vmem>>, vector<1x1x16xf32>,
            %parallel_loop3A_393 = vector.shape_cast %parallel_loop3A_392 : vector<1x1x16xf32> to vector<16xf32>
            %parallel_loop3A_394 = vector.shape_cast %parallel_loop3A_387 : vector<16xf32> to vector<1x1x16xf32>
            tpu.vector_store %arg9[%parallel_loop3A_389, %parallel_loop3A_390, %parallel_loop3A_391], %parallel_loop3A_394 {strides = array<i32>} : memref<2x16x1024xf32, #tpu.memory_space<vmem>>, vector<1x1x16xf32>,
            %parallel_loop3A_395 = arith.addf %parallel_loop3A_366, %parallel_loop3A_387 : vector<16xf32>
            %parallel_loop3A_396 = arith.mulf %parallel_loop3A_387, %parallel_loop3A_387 : vector<16xf32>
            %parallel_loop3A_397 = arith.addf %parallel_loop3A_367, %parallel_loop3A_396 : vector<16xf32>
            scf.yield %parallel_loop3A_395, %parallel_loop3A_397 : vector<16xf32>, vector<16xf32>
          } {sc.loop_unroll_factor = 8 : i64, sc.parallel_access}
          %parallel_loop3A_248 = tpu.iota {dimensions = array<i32: 0>} : vector<16xi32>
          %parallel_loop3A_249 = arith.constant 8 : i32
          %parallel_loop3A_250 = vector.broadcast %parallel_loop3A_249 : i32 to vector<16xi32>
          %parallel_loop3A_251 = arith.xori %parallel_loop3A_248, %parallel_loop3A_250 : vector<16xi32>
          %parallel_loop3A_252 = vector.shape_cast %parallel_loop3A_251 : vector<16xi32> to vector<16x1xi32>
          %parallel_loop3A_253 = vector.shape_cast %parallel_loop3A_252 : vector<16x1xi32> to vector<16xi32>
          %parallel_loop3A_254 = tpu.dynamic_gather %parallel_loop3A_247#0[%parallel_loop3A_253] in [0] : vector<16xf32>, vector<16xi32> -> vector<16xf32>
          %parallel_loop3A_255 = arith.addf %parallel_loop3A_247#0, %parallel_loop3A_254 : vector<16xf32>
          %parallel_loop3A_256 = arith.constant 4 : i32
          %parallel_loop3A_257 = vector.broadcast %parallel_loop3A_256 : i32 to vector<16xi32>
          %parallel_loop3A_258 = arith.xori %parallel_loop3A_248, %parallel_loop3A_257 : vector<16xi32>
          %parallel_loop3A_259 = vector.shape_cast %parallel_loop3A_258 : vector<16xi32> to vector<16x1xi32>
          %parallel_loop3A_260 = vector.shape_cast %parallel_loop3A_259 : vector<16x1xi32> to vector<16xi32>
          %parallel_loop3A_261 = tpu.dynamic_gather %parallel_loop3A_255[%parallel_loop3A_260] in [0] : vector<16xf32>, vector<16xi32> -> vector<16xf32>
          %parallel_loop3A_262 = arith.addf %parallel_loop3A_255, %parallel_loop3A_261 : vector<16xf32>
          %parallel_loop3A_263 = arith.constant 2 : i32
          %parallel_loop3A_264 = vector.broadcast %parallel_loop3A_263 : i32 to vector<16xi32>
          %parallel_loop3A_265 = arith.xori %parallel_loop3A_248, %parallel_loop3A_264 : vector<16xi32>
          %parallel_loop3A_266 = vector.shape_cast %parallel_loop3A_265 : vector<16xi32> to vector<16x1xi32>
          %parallel_loop3A_267 = vector.shape_cast %parallel_loop3A_266 : vector<16x1xi32> to vector<16xi32>
          %parallel_loop3A_268 = tpu.dynamic_gather %parallel_loop3A_262[%parallel_loop3A_267] in [0] : vector<16xf32>, vector<16xi32> -> vector<16xf32>
          %parallel_loop3A_269 = arith.addf %parallel_loop3A_262, %parallel_loop3A_268 : vector<16xf32>
          %parallel_loop3A_270 = arith.constant 1 : i32
          %parallel_loop3A_271 = vector.broadcast %parallel_loop3A_270 : i32 to vector<16xi32>
          %parallel_loop3A_272 = arith.xori %parallel_loop3A_248, %parallel_loop3A_271 : vector<16xi32>
          %parallel_loop3A_273 = vector.shape_cast %parallel_loop3A_272 : vector<16xi32> to vector<16x1xi32>
          %parallel_loop3A_274 = vector.shape_cast %parallel_loop3A_273 : vector<16x1xi32> to vector<16xi32>
          %parallel_loop3A_275 = tpu.dynamic_gather %parallel_loop3A_269[%parallel_loop3A_274] in [0] : vector<16xf32>, vector<16xi32> -> vector<16xf32>
          %parallel_loop3A_276 = arith.addf %parallel_loop3A_269, %parallel_loop3A_275 : vector<16xf32>
          %parallel_loop3A_277 = arith.constant 9.765625E-4 : f32
          %parallel_loop3A_278 = vector.broadcast %parallel_loop3A_277 : f32 to vector<16xf32>
          %parallel_loop3A_279 = arith.mulf %parallel_loop3A_276, %parallel_loop3A_278 : vector<16xf32>
          %parallel_loop3A_280 = tpu.iota {dimensions = array<i32: 0>} : vector<16xi32>
          %parallel_loop3A_281 = arith.constant 8 : i32
          %parallel_loop3A_282 = vector.broadcast %parallel_loop3A_281 : i32 to vector<16xi32>
          %parallel_loop3A_283 = arith.xori %parallel_loop3A_280, %parallel_loop3A_282 : vector<16xi32>
          %parallel_loop3A_284 = vector.shape_cast %parallel_loop3A_283 : vector<16xi32> to vector<16x1xi32>
          %parallel_loop3A_285 = vector.shape_cast %parallel_loop3A_284 : vector<16x1xi32> to vector<16xi32>
          %parallel_loop3A_286 = tpu.dynamic_gather %parallel_loop3A_247#1[%parallel_loop3A_285] in [0] : vector<16xf32>, vector<16xi32> -> vector<16xf32>
          %parallel_loop3A_287 = arith.addf %parallel_loop3A_247#1, %parallel_loop3A_286 : vector<16xf32>
          %parallel_loop3A_288 = arith.constant 4 : i32
          %parallel_loop3A_289 = vector.broadcast %parallel_loop3A_288 : i32 to vector<16xi32>
          %parallel_loop3A_290 = arith.xori %parallel_loop3A_280, %parallel_loop3A_289 : vector<16xi32>
          %parallel_loop3A_291 = vector.shape_cast %parallel_loop3A_290 : vector<16xi32> to vector<16x1xi32>
          %parallel_loop3A_292 = vector.shape_cast %parallel_loop3A_291 : vector<16x1xi32> to vector<16xi32>
          %parallel_loop3A_293 = tpu.dynamic_gather %parallel_loop3A_287[%parallel_loop3A_292] in [0] : vector<16xf32>, vector<16xi32> -> vector<16xf32>
          %parallel_loop3A_294 = arith.addf %parallel_loop3A_287, %parallel_loop3A_293 : vector<16xf32>
          %parallel_loop3A_295 = arith.constant 2 : i32
          %parallel_loop3A_296 = vector.broadcast %parallel_loop3A_295 : i32 to vector<16xi32>
          %parallel_loop3A_297 = arith.xori %parallel_loop3A_280, %parallel_loop3A_296 : vector<16xi32>
          %parallel_loop3A_298 = vector.shape_cast %parallel_loop3A_297 : vector<16xi32> to vector<16x1xi32>
          %parallel_loop3A_299 = vector.shape_cast %parallel_loop3A_298 : vector<16x1xi32> to vector<16xi32>
          %parallel_loop3A_300 = tpu.dynamic_gather %parallel_loop3A_294[%parallel_loop3A_299] in [0] : vector<16xf32>, vector<16xi32> -> vector<16xf32>
          %parallel_loop3A_301 = arith.addf %parallel_loop3A_294, %parallel_loop3A_300 : vector<16xf32>
          %parallel_loop3A_302 = arith.constant 1 : i32
          %parallel_loop3A_303 = vector.broadcast %parallel_loop3A_302 : i32 to vector<16xi32>
          %parallel_loop3A_304 = arith.xori %parallel_loop3A_280, %parallel_loop3A_303 : vector<16xi32>
          %parallel_loop3A_305 = vector.shape_cast %parallel_loop3A_304 : vector<16xi32> to vector<16x1xi32>
          %parallel_loop3A_306 = vector.shape_cast %parallel_loop3A_305 : vector<16x1xi32> to vector<16xi32>
          %parallel_loop3A_307 = tpu.dynamic_gather %parallel_loop3A_301[%parallel_loop3A_306] in [0] : vector<16xf32>, vector<16xi32> -> vector<16xf32>
          %parallel_loop3A_308 = arith.addf %parallel_loop3A_301, %parallel_loop3A_307 : vector<16xf32>
          %parallel_loop3A_309 = arith.constant 9.765625E-4 : f32
          %parallel_loop3A_310 = vector.broadcast %parallel_loop3A_309 : f32 to vector<16xf32>
          %parallel_loop3A_311 = arith.mulf %parallel_loop3A_308, %parallel_loop3A_310 : vector<16xf32>
          %parallel_loop3A_312 = arith.mulf %parallel_loop3A_279, %parallel_loop3A_279 : vector<16xf32>
          %parallel_loop3A_313 = arith.subf %parallel_loop3A_311, %parallel_loop3A_312 : vector<16xf32>
          %parallel_loop3A_314 = arith.constant 9.99999996E-13 : f32
          %parallel_loop3A_315 = vector.broadcast %parallel_loop3A_314 : f32 to vector<16xf32>
          %parallel_loop3A_316 = arith.addf %parallel_loop3A_313, %parallel_loop3A_315 : vector<16xf32>
          %parallel_loop3A_317 = tpu.bitcast %parallel_loop3A_316 : vector<16xf32> -> vector<16xi32>
          %parallel_loop3A_318 = arith.constant 1 : i32
          %parallel_loop3A_319 = vector.broadcast %parallel_loop3A_318 : i32 to vector<16xi32>
          %parallel_loop3A_320 = arith.shrui %parallel_loop3A_317, %parallel_loop3A_319 : vector<16xi32>
          %parallel_loop3A_321 = arith.constant 1597463007 : i32
          %parallel_loop3A_322 = vector.broadcast %parallel_loop3A_321 : i32 to vector<16xi32>
          %parallel_loop3A_323 = arith.subi %parallel_loop3A_322, %parallel_loop3A_320 : vector<16xi32>
          %parallel_loop3A_324 = tpu.bitcast %parallel_loop3A_323 : vector<16xi32> -> vector<16xf32>
          %parallel_loop3A_325 = arith.constant 5.000000e-01 : f32
          %parallel_loop3A_326 = vector.broadcast %parallel_loop3A_325 : f32 to vector<16xf32>
          %parallel_loop3A_327 = arith.mulf %parallel_loop3A_326, %parallel_loop3A_316 : vector<16xf32>
          %parallel_loop3A_328 = arith.mulf %parallel_loop3A_327, %parallel_loop3A_324 : vector<16xf32>
          %parallel_loop3A_329 = arith.mulf %parallel_loop3A_328, %parallel_loop3A_324 : vector<16xf32>
          %parallel_loop3A_330 = arith.constant 1.500000e+00 : f32
          %parallel_loop3A_331 = vector.broadcast %parallel_loop3A_330 : f32 to vector<16xf32>
          %parallel_loop3A_332 = arith.subf %parallel_loop3A_331, %parallel_loop3A_329 : vector<16xf32>
          %parallel_loop3A_333 = arith.mulf %parallel_loop3A_324, %parallel_loop3A_332 : vector<16xf32>
          %parallel_loop3A_334 = arith.constant 5.000000e-01 : f32
          %parallel_loop3A_335 = vector.broadcast %parallel_loop3A_334 : f32 to vector<16xf32>
          %parallel_loop3A_336 = arith.mulf %parallel_loop3A_335, %parallel_loop3A_316 : vector<16xf32>
          %parallel_loop3A_337 = arith.mulf %parallel_loop3A_336, %parallel_loop3A_333 : vector<16xf32>
          %parallel_loop3A_338 = arith.mulf %parallel_loop3A_337, %parallel_loop3A_333 : vector<16xf32>
          %parallel_loop3A_339 = arith.constant 1.500000e+00 : f32
          %parallel_loop3A_340 = vector.broadcast %parallel_loop3A_339 : f32 to vector<16xf32>
          %parallel_loop3A_341 = arith.subf %parallel_loop3A_340, %parallel_loop3A_338 : vector<16xf32>
          %parallel_loop3A_342 = arith.mulf %parallel_loop3A_333, %parallel_loop3A_341 : vector<16xf32>
          %parallel_loop3A_343 = arith.constant 5.000000e-01 : f32
          %parallel_loop3A_344 = vector.broadcast %parallel_loop3A_343 : f32 to vector<16xf32>
          %parallel_loop3A_345 = arith.mulf %parallel_loop3A_344, %parallel_loop3A_316 : vector<16xf32>
          %parallel_loop3A_346 = arith.mulf %parallel_loop3A_345, %parallel_loop3A_342 : vector<16xf32>
          %parallel_loop3A_347 = arith.mulf %parallel_loop3A_346, %parallel_loop3A_342 : vector<16xf32>
          %parallel_loop3A_348 = arith.constant 1.500000e+00 : f32
          %parallel_loop3A_349 = vector.broadcast %parallel_loop3A_348 : f32 to vector<16xf32>
          %parallel_loop3A_350 = arith.subf %parallel_loop3A_349, %parallel_loop3A_347 : vector<16xf32>
          %parallel_loop3A_351 = arith.mulf %parallel_loop3A_342, %parallel_loop3A_350 : vector<16xf32>
          %parallel_loop3A_352 = arith.constant 5.000000e-01 : f32
          %parallel_loop3A_353 = vector.broadcast %parallel_loop3A_352 : f32 to vector<16xf32>
          %parallel_loop3A_354 = arith.mulf %parallel_loop3A_353, %parallel_loop3A_316 : vector<16xf32>
          %parallel_loop3A_355 = arith.mulf %parallel_loop3A_354, %parallel_loop3A_351 : vector<16xf32>
          %parallel_loop3A_356 = arith.mulf %parallel_loop3A_355, %parallel_loop3A_351 : vector<16xf32>
          %parallel_loop3A_357 = arith.constant 1.500000e+00 : f32
          %parallel_loop3A_358 = vector.broadcast %parallel_loop3A_357 : f32 to vector<16xf32>
          %parallel_loop3A_359 = arith.subf %parallel_loop3A_358, %parallel_loop3A_356 : vector<16xf32>
          %parallel_loop3A_360 = arith.mulf %parallel_loop3A_351, %parallel_loop3A_359 : vector<16xf32>
          %parallel_loop3A_361 = arith.mulf %parallel_loop3A_279, %parallel_loop3A_360 : vector<16xf32>
          %parallel_loop3A_362 = arith.constant 0 : i32
          %parallel_loop3A_363 = arith.constant 64 : i32
          %parallel_loop3A_364 = arith.constant 1 : i32
          scf.for %parallel_loop3A_365 = %parallel_loop3A_362 to %parallel_loop3A_363 step %parallel_loop3A_364  : i32 {
            %parallel_loop3A_366 = arith.constant 16 : i32
            %parallel_loop3A_367 = arith.muli %parallel_loop3A_365, %parallel_loop3A_366 : i32
            %parallel_loop3A_368 = arith.constant 1 : i32
            %parallel_loop3A_369 = arith.index_cast %parallel_loop3A_368 : i32 to index
            %parallel_loop3A_370 = arith.index_cast %parallel_loop3A_239 : i32 to index
            %parallel_loop3A_371 = arith.index_cast %parallel_loop3A_367 : i32 to index
            %parallel_loop3A_372 = tpu.vector_load %arg9[%parallel_loop3A_369, %parallel_loop3A_370, %parallel_loop3A_371] {strides = array<i32>} : memref<2x16x1024xf32, #tpu.memory_space<vmem>>, vector<1x1x16xf32>,
            %parallel_loop3A_373 = vector.shape_cast %parallel_loop3A_372 : vector<1x1x16xf32> to vector<16xf32>
            %parallel_loop3A_374 = arith.mulf %parallel_loop3A_373, %parallel_loop3A_360 : vector<16xf32>
            %parallel_loop3A_375 = arith.subf %parallel_loop3A_374, %parallel_loop3A_361 : vector<16xf32>
            %parallel_loop3A_376 = arith.constant 0 : i32
            %parallel_loop3A_377 = arith.index_cast %parallel_loop3A_376 : i32 to index
            %parallel_loop3A_378 = arith.index_cast %parallel_loop3A_367 : i32 to index
            %parallel_loop3A_379 = tpu.vector_load %arg13[%parallel_loop3A_377, %parallel_loop3A_378] {strides = array<i32>} : memref<2x1024xf32, #tpu.memory_space<vmem>>, vector<1x16xf32>,
            %parallel_loop3A_380 = vector.shape_cast %parallel_loop3A_379 : vector<1x16xf32> to vector<16xf32>
            %parallel_loop3A_381 = arith.mulf %parallel_loop3A_375, %parallel_loop3A_380 : vector<16xf32>
            %parallel_loop3A_382 = arith.constant 1 : i32
            %parallel_loop3A_383 = arith.index_cast %parallel_loop3A_382 : i32 to index
            %parallel_loop3A_384 = arith.index_cast %parallel_loop3A_367 : i32 to index
            %parallel_loop3A_385 = tpu.vector_load %arg13[%parallel_loop3A_383, %parallel_loop3A_384] {strides = array<i32>} : memref<2x1024xf32, #tpu.memory_space<vmem>>, vector<1x16xf32>,
            %parallel_loop3A_386 = vector.shape_cast %parallel_loop3A_385 : vector<1x16xf32> to vector<16xf32>
            %parallel_loop3A_387 = arith.addf %parallel_loop3A_381, %parallel_loop3A_386 : vector<16xf32>
            %parallel_loop3A_388 = arith.constant 1 : i32
            %parallel_loop3A_389 = arith.index_cast %parallel_loop3A_388 : i32 to index
            %parallel_loop3A_390 = arith.index_cast %parallel_loop3A_239 : i32 to index
            %parallel_loop3A_391 = arith.index_cast %parallel_loop3A_367 : i32 to index
            %parallel_loop3A_392 = tpu.vector_load %arg11[%parallel_loop3A_389, %parallel_loop3A_390, %parallel_loop3A_391] {strides = array<i32>} : memref<2x16x1024xf32, #tpu.memory_space<vmem>>, vector<1x1x16xf32>,
            %parallel_loop3A_393 = vector.shape_cast %parallel_loop3A_392 : vector<1x1x16xf32> to vector<16xf32>
            %parallel_loop3A_394 = vector.shape_cast %parallel_loop3A_387 : vector<16xf32> to vector<1x1x16xf32>
            tpu.vector_store %arg11[%parallel_loop3A_389, %parallel_loop3A_390, %parallel_loop3A_391], %parallel_loop3A_394 {strides = array<i32>} : memref<2x16x1024xf32, #tpu.memory_space<vmem>>, vector<1x1x16xf32>,
          } {sc.loop_unroll_factor = 8 : i64, sc.parallel_access}
        } {sc.loop_unroll_factor = 1 : i64, sc.parallel_access}
      }
      %mul3A_214 = arith.constant 16 : i32
      %mul3A_215 = arith.muli %add3A_163, %mul3A_214 : i32
      %add3A_216 = arith.addi %mul3A_2, %mul3A_215 : i32
      %dma_start3A_217 = arith.constant 1 : i32
      %dma_start3A_218 = arith.constant 0 : i32
      %dma_start3A_219 = arith.constant 0 : i32
      %dma_start3A_220 = tpu.memref_slice %arg11[%dma_start3A_217, %dma_start3A_218, %dma_start3A_219] : memref<2x16x1024xf32, #tpu.memory_space<vmem>> -> memref<1x16x1024xf32, #tpu.memory_space<vmem>>
      %dma_start3A_221 = tpu.memref_squeeze %dma_start3A_220 : memref<1x16x1024xf32, #tpu.memory_space<vmem>> -> memref<16x1024xf32, #tpu.memory_space<vmem>>
      %dma_start3A_222 = arith.constant 0 : i32
      %dma_start3A_223 = tpu.memref_slice %arg7[%add3A_216, %dma_start3A_222] : memref<8192x1024xf32, #tpu.memory_space<hbm>> -> memref<16x1024xf32, #tpu.memory_space<hbm>>
      %dma_start3A_224 = arith.constant 0 : i32
      %dma_start3A_225 = tpu.memref_slice %arg7[%add3A_216, %dma_start3A_224] : memref<8192x1024xf32, #tpu.memory_space<hbm>> -> memref<16x1024xf32, #tpu.memory_space<hbm>>
      %dma_start3A_226 = arith.constant 0 : i32
      %dma_start3A_227 = arith.constant 0 : i32
      %dma_start3A_228 = tpu.memref_slice %arg11[%dma_start3A_217, %dma_start3A_226, %dma_start3A_227] : memref<2x16x1024xf32, #tpu.memory_space<vmem>> -> memref<1x16x1024xf32, #tpu.memory_space<vmem>>
      %dma_start3A_229 = tpu.memref_squeeze %dma_start3A_228 : memref<1x16x1024xf32, #tpu.memory_space<vmem>> -> memref<16x1024xf32, #tpu.memory_space<vmem>>
      tpu.enqueue_dma source(%dma_start3A_229 : memref<16x1024xf32, #tpu.memory_space<vmem>>) target(%dma_start3A_225 : memref<16x1024xf32, #tpu.memory_space<hbm>>) target_semaphore(%arg20 : memref<!tpu.dma_semaphore, #tpu.memory_space<semaphore_mem>>)
      %lt3A_230 = arith.constant 7 : i32
      %lt3A_231 = arith.cmpi slt, %scan3A_92, %lt3A_230 : i32
      %convert_element_type3A_232 = arith.extui %lt3A_231 : i1 to i32
      %cond3A_233 = arith.constant 0 : i32
      %cond3A_234 = arith.cmpi ne, %convert_element_type3A_232, %cond3A_233 : i32
      scf.if %cond3A_234 {
        %add3A_236 = arith.constant 2 : i32
        %add3A_237 = arith.addi %add3A_163, %add3A_236 : i32
        %dma_start3A_238 = arith.constant 0 : i32
        %dma_start3A_239 = arith.constant 1 : i32
        %dma_start3A_240 = arith.constant 0 : i32
        %dma_start3A_241 = arith.constant 0 : i32
        %dma_start3A_242 = tpu.memref_slice %arg9[%dma_start3A_239, %dma_start3A_240, %dma_start3A_241] : memref<2x16x1024xf32, #tpu.memory_space<vmem>> -> memref<1x16x1024xf32, #tpu.memory_space<vmem>>
        %dma_start3A_243 = tpu.memref_squeeze %dma_start3A_242 : memref<1x16x1024xf32, #tpu.memory_space<vmem>> -> memref<16x1024xf32, #tpu.memory_space<vmem>>
        %dma_start3A_244 = arith.constant 0 : i32
        %dma_start3A_245 = tpu.memref_slice %arg8[%dma_start3A_238, %add3A_237, %dma_start3A_244] : memref<4x16x16xi32, #tpu.memory_space<vmem>> -> memref<1x1x16xi32, #tpu.memory_space<vmem>>
        %dma_start3A_246 = tpu.memref_squeeze %dma_start3A_245 : memref<1x1x16xi32, #tpu.memory_space<vmem>> -> memref<16xi32, #tpu.memory_space<vmem>>
        %dma_start3A_247 = arith.constant 0 : i32
        %dma_start3A_248 = arith.constant 0 : i32
        %dma_start3A_249 = tpu.memref_slice %arg3[%dma_start3A_247, %dma_start3A_248] : memref<30522x1024xf32, #tpu.memory_space<hbm>> -> memref<30522x1024xf32, #tpu.memory_space<hbm>>
        tpu.enqueue_indirect_dma source(%dma_start3A_249 : memref<30522x1024xf32, #tpu.memory_space<hbm>>) target(%dma_start3A_243 : memref<16x1024xf32, #tpu.memory_space<vmem>>) offsets(%dma_start3A_246 : memref<16xi32, #tpu.memory_space<vmem>>) semaphore(%arg16 : memref<!tpu.dma_semaphore, #tpu.memory_space<semaphore_mem>>)
        %add3A_250 = arith.constant 2 : i32
        %add3A_251 = arith.addi %add3A_163, %add3A_250 : i32
        %dma_start3A_252 = arith.constant 1 : i32
        %dma_start3A_253 = arith.constant 1 : i32
        %dma_start3A_254 = arith.constant 0 : i32
        %dma_start3A_255 = arith.constant 0 : i32
        %dma_start3A_256 = tpu.memref_slice %arg10[%dma_start3A_253, %dma_start3A_254, %dma_start3A_255] : memref<2x16x1024xf32, #tpu.memory_space<vmem>> -> memref<1x16x1024xf32, #tpu.memory_space<vmem>>
        %dma_start3A_257 = tpu.memref_squeeze %dma_start3A_256 : memref<1x16x1024xf32, #tpu.memory_space<vmem>> -> memref<16x1024xf32, #tpu.memory_space<vmem>>
        %dma_start3A_258 = arith.constant 0 : i32
        %dma_start3A_259 = tpu.memref_slice %arg8[%dma_start3A_252, %add3A_251, %dma_start3A_258] : memref<4x16x16xi32, #tpu.memory_space<vmem>> -> memref<1x1x16xi32, #tpu.memory_space<vmem>>
        %dma_start3A_260 = tpu.memref_squeeze %dma_start3A_259 : memref<1x1x16xi32, #tpu.memory_space<vmem>> -> memref<16xi32, #tpu.memory_space<vmem>>
        %dma_start3A_261 = arith.constant 0 : i32
        %dma_start3A_262 = arith.constant 0 : i32
        %dma_start3A_263 = tpu.memref_slice %arg4[%dma_start3A_261, %dma_start3A_262] : memref<2048x1024xf32, #tpu.memory_space<hbm>> -> memref<2048x1024xf32, #tpu.memory_space<hbm>>
        tpu.enqueue_indirect_dma source(%dma_start3A_263 : memref<2048x1024xf32, #tpu.memory_space<hbm>>) target(%dma_start3A_257 : memref<16x1024xf32, #tpu.memory_space<vmem>>) offsets(%dma_start3A_260 : memref<16xi32, #tpu.memory_space<vmem>>) semaphore(%arg18 : memref<!tpu.dma_semaphore, #tpu.memory_space<semaphore_mem>>)
      } else {
      }
      %scan3A_235 = arith.constant 0 : i32
      scf.yield %scan3A_235 : i32
    }
    %scan3A_62 = arith.constant 8 : i32
    %add3A_63 = arith.constant 224 : i32
    %add3A_64 = arith.addi %mul3A_2, %add3A_63 : i32
    %dma_wait3A = arith.constant 0 : i32
    %dma_wait3A_65 = arith.constant 0 : i32
    %dma_wait3A_66 = arith.constant 0 : i32
    %dma_wait3A_67 = tpu.memref_slice %arg11[%dma_wait3A, %dma_wait3A_65, %dma_wait3A_66] : memref<2x16x1024xf32, #tpu.memory_space<vmem>> -> memref<1x16x1024xf32, #tpu.memory_space<vmem>>
    %dma_wait3A_68 = tpu.memref_squeeze %dma_wait3A_67 : memref<1x16x1024xf32, #tpu.memory_space<vmem>> -> memref<16x1024xf32, #tpu.memory_space<vmem>>
    %dma_wait3A_69 = arith.constant 0 : i32
    %dma_wait3A_70 = tpu.memref_slice %arg7[%add3A_64, %dma_wait3A_69] : memref<8192x1024xf32, #tpu.memory_space<hbm>> -> memref<16x1024xf32, #tpu.memory_space<hbm>>
    %dma_wait3A_71 = arith.constant 0 : i32
    %dma_wait3A_72 = tpu.memref_slice %arg7[%add3A_64, %dma_wait3A_71] : memref<8192x1024xf32, #tpu.memory_space<hbm>> -> memref<16x1024xf32, #tpu.memory_space<hbm>>
    %dma_wait3A_73 = arith.constant 0 : i32
    %dma_wait3A_74 = arith.constant 0 : i32
    %dma_wait3A_75 = tpu.memref_slice %arg11[%dma_wait3A, %dma_wait3A_73, %dma_wait3A_74] : memref<2x16x1024xf32, #tpu.memory_space<vmem>> -> memref<1x16x1024xf32, #tpu.memory_space<vmem>>
    %dma_wait3A_76 = tpu.memref_squeeze %dma_wait3A_75 : memref<1x16x1024xf32, #tpu.memory_space<vmem>> -> memref<16x1024xf32, #tpu.memory_space<vmem>>
    tpu.wait_dma2 semaphore(%arg19 : memref<!tpu.dma_semaphore, #tpu.memory_space<semaphore_mem>>) src(%dma_wait3A_76 : memref<16x1024xf32, #tpu.memory_space<vmem>>) dst(%dma_wait3A_72 : memref<16x1024xf32, #tpu.memory_space<hbm>>)
    %add3A_77 = arith.constant 240 : i32
    %add3A_78 = arith.addi %mul3A_2, %add3A_77 : i32
    %dma_wait3A_79 = arith.constant 1 : i32
    %dma_wait3A_80 = arith.constant 0 : i32
    %dma_wait3A_81 = arith.constant 0 : i32
    %dma_wait3A_82 = tpu.memref_slice %arg11[%dma_wait3A_79, %dma_wait3A_80, %dma_wait3A_81] : memref<2x16x1024xf32, #tpu.memory_space<vmem>> -> memref<1x16x1024xf32, #tpu.memory_space<vmem>>
    %dma_wait3A_83 = tpu.memref_squeeze %dma_wait3A_82 : memref<1x16x1024xf32, #tpu.memory_space<vmem>> -> memref<16x1024xf32, #tpu.memory_space<vmem>>
    %dma_wait3A_84 = arith.constant 0 : i32
    %dma_wait3A_85 = tpu.memref_slice %arg7[%add3A_78, %dma_wait3A_84] : memref<8192x1024xf32, #tpu.memory_space<hbm>> -> memref<16x1024xf32, #tpu.memory_space<hbm>>
    %dma_wait3A_86 = arith.constant 0 : i32
    %dma_wait3A_87 = tpu.memref_slice %arg7[%add3A_78, %dma_wait3A_86] : memref<8192x1024xf32, #tpu.memory_space<hbm>> -> memref<16x1024xf32, #tpu.memory_space<hbm>>
    %dma_wait3A_88 = arith.constant 0 : i32
    %dma_wait3A_89 = arith.constant 0 : i32
    %dma_wait3A_90 = tpu.memref_slice %arg11[%dma_wait3A_79, %dma_wait3A_88, %dma_wait3A_89] : memref<2x16x1024xf32, #tpu.memory_space<vmem>> -> memref<1x16x1024xf32, #tpu.memory_space<vmem>>
    %dma_wait3A_91 = tpu.memref_squeeze %dma_wait3A_90 : memref<1x16x1024xf32, #tpu.memory_space<vmem>> -> memref<16x1024xf32, #tpu.memory_space<vmem>>
    tpu.wait_dma2 semaphore(%arg20 : memref<!tpu.dma_semaphore, #tpu.memory_space<semaphore_mem>>) src(%dma_wait3A_91 : memref<16x1024xf32, #tpu.memory_space<vmem>>) dst(%dma_wait3A_87 : memref<16x1024xf32, #tpu.memory_space<hbm>>)
    return
  }
}

</mosaic_0001>

<sc_bundles>
// kernel: kernel.3.cloned.1.call-start
scs
__scs_entry_jumppad:
0x0: {  	(pc) =	sbr.rel $0x88, $3  }
0x1: {  	(tag) =	ssettag $0x0;
	lr =	simm.s32 $0x1  }
0x2: {  	[smem:$0x3F99] =	sst lr;
	_ =	strace $0xD0000000  }
0x3: {  	_ = 	snop  }
0x4: {  	_ = 	snop  }
0x5: {  	_ = 	snop  }
0x6: {  	_ = 	snop  }
0x7: {  	_ = 	snop  }
__scs_overlays_trampoline_lowered:
0x8: {  	[smem:$0x3FA8] =	sst s0  }
0x9: {  	[smem:$0x3FA9] =	sst s1  }
0xa: {  	[smem:$0x3FAA] =	sst s2  }
0xb: {  	[smem:$0x3FAB] =	sst s3  }
0xc: {  	[smem:$0x3FAC] =	sst s4  }
0xd: {  	[smem:$0x3FAD] =	sst s5  }
0xe: {  	[smem:$0x3FAE] =	sst s6  }
0xf: {  	[smem:$0x3FAF] =	sst s7  }
0x10: {  	[smem:$0x3FB0] =	sst s8  }
0x11: {  	[smem:$0x3FB1] =	sst s9;
	s0 =	simm.s32 @!p0 $0x0  }
0x12: {  	s1 =	sld [smem:$0x3F97];
	s0 =	simm.s32 @p0 $0x1  }
0x13: {  	[smem:$0x3FB2] =	sst s0;
	s0 =	simm.s32 @!p1 $0x0  }
0x14: {  	s2 =	sld [smem:$0x3F96];
	s0 =	simm.s32 @p1 $0x1  }
0x15: {  	[smem:$0x3FB3] =	sst s0;
	s0 =	simm.s32 @!p2 $0x0  }
0x16: {  	s3 =	sld [smem:$0x3FDB];
	s0 =	simm.s32 @p2 $0x1  }
0x17: {  	s4 =	simm.s32 $0x1BF5;
	[smem:$0x3FB5] =	sst s0  }
0x18: {  	s0 =	sld [smem:$0x3F98];
	_ =	swait.ge [sflag:s4], $0x0  }
0x19: {  	s7 =	sld [smem:$0x3F99]  }
0x1a: {  	s8 =	sadd.s32 $0xFFFFE003, lr  }
0x1b: {  	s9 =	sadd.s32 $0xFFFFFEF7, lr;
	s5 =	simm.s32 $0xFFFFFFFF;
	p2 =	slt.u32 s8, $0xFFFFF086  }
0x1c: {  	p1 =	slt.u32 s9, $0xF7A;
	s5 =	simm.s32 @!p2 $0x0  }
0x1d: {  	s5 =	simm.s32 @p1 $0x1;
	p0 =	seq.s32 s7, s2  }
0x1e: {  	s7 =	smul.u32 @!p0 $0xF7A, s2;
	p2 =	seq.s32 @!p0 s5, $0x0  }
0x1f: {  	s9 =	smul.u32 $0xF7A, s1;
	s8 =	simm.s32 @!p0 $0x1BF5;
	p2 =	por !p2, p0  }
0x20: {  	[sflag:s8] =	ssyncset.s32 @!p0 $0xFFFFF086;
	s6 =	sadd.s32 @!p0 s3, s7;
	s7 =	simm.s32 @!p0 $0x108  }
0x21: {  	s3 =	sadd.s32 s3, s9;
	s6 =	sadd.s32 @!p0 $0x88, s6;
	s7 =	simm.s32 @p2 $0x1082  }
0x22: {  	[simem:s7], [sflag:s8] =	dma.local @!p0 [hbm:s6], $0xF7A  }
0x23: {  	s9 =	sor.u32 $0xD0000000, s2;
	s6 =	simm.s32 $0x108;
	_ =	swait.ge @!p0 [sflag:s8], $0x0  }
0x24: {  	s3 =	sadd.s32 $0x88, s3;
	s6 =	simm.s32 @!p1 $0x1082;
	[sflag:s4] =	ssyncset.s32 $0xFFFFF086  }
0x25: {  	[simem:s6], [sflag:s4] =	dma.local [hbm:s3], $0xF7A  }
0x26: {  	[smem:$0x3F99] =	sst s1;
	(tag) =	ssettag s2;
	_ =	strace s9  }
0x27: {  	s1 =	sld [smem:$0x3FA9]  }
0x28: {  	s2 =	sld [smem:$0x3FAA]  }
0x29: {  	s4 =	sld [smem:$0x3FAC]  }
0x2a: {  	p0 =	seq.s32 s5, $0x0;
	s5 =	sld [smem:$0x3FAD]  }
0x2b: {  	s6 =	sld [smem:$0x3FAE]  }
0x2c: {  	s7 =	sld [smem:$0x3FAF]  }
0x2d: {  	s3 =	simm.s32 $0x108;
	s8 =	sld [smem:$0x3FB0]  }
0x2e: {  	s3 =	simm.s32 @!p0 $0x1082;
	s9 =	sld [smem:$0x3FB1]  }
0x2f: {  	lr =	sadd.s32 s0, s3;
	s0 =	sld [smem:$0x3FA8]  }
0x30: {  	s3 =	sld [smem:$0x3FAB]  }
0x31: {  	[smem:$0x3FB4] =	sst s10  }
0x32: {  	s10 =	sld [smem:$0x3FB2];
	_ =	sdelay $0x3  }
0x33: {  	p0 =	seq.s32 s10, $0x1;
	s10 =	sld [smem:$0x3FB4];
	_ =	sdelay $0x3  }
0x34: {  	[smem:$0x3FB4] =	sst s10  }
0x35: {  	s10 =	sld [smem:$0x3FB3];
	_ =	sdelay $0x3  }
0x36: {  	p1 =	seq.s32 s10, $0x1;
	s10 =	sld [smem:$0x3FB4];
	_ =	sdelay $0x3  }
0x37: {  	[smem:$0x3FB4] =	sst s10  }
0x38: {  	s10 =	sld [smem:$0x3FB5]  }
0x39: {  	_ = 	snop;
	(pc) =	sbr.ind lr, $3  }
0x3a: {  	_ = 	snop  }
0x3b: {  	_ = 	snop  }
0x3c: {  	p2 =	seq.s32 s10, $0x1;
	s10 =	sld [smem:$0x3FB4]  }
0x3d: {  	_ =	shalt  }
0x3e: {  	_ =	shalt  }
0x3f: {  	_ =	shalt  }
0x40: {  	_ =	shalt  }
0x41: {  	_ =	shalt  }
0x42: {  	_ =	shalt  }
0x43: {  	_ =	shalt  }
0x44: {  	_ =	shalt  }
0x45: {  	_ =	shalt  }
0x46: {  	_ =	shalt  }
0x47: {  	_ =	shalt  }
0x48: {  	_ =	shalt  }
0x49: {  	_ =	shalt  }
0x4a: {  	_ =	shalt  }
0x4b: {  	_ =	shalt  }
0x4c: {  	_ =	shalt  }
0x4d: {  	_ =	shalt  }
0x4e: {  	_ =	shalt  }
0x4f: {  	_ =	shalt  }
0x50: {  	_ =	shalt  }
0x51: {  	_ =	shalt  }
0x52: {  	_ =	shalt  }
0x53: {  	_ =	shalt  }
0x54: {  	_ =	shalt  }
0x55: {  	_ =	shalt  }
0x56: {  	_ =	shalt  }
0x57: {  	_ =	shalt  }
0x58: {  	_ =	shalt  }
0x59: {  	_ =	shalt  }
0x5a: {  	_ =	shalt  }
0x5b: {  	_ =	shalt  }
0x5c: {  	_ =	shalt  }
0x5d: {  	_ =	shalt  }
0x5e: {  	_ =	shalt  }
0x5f: {  	_ =	shalt  }
0x60: {  	_ =	shalt  }
0x61: {  	_ =	shalt  }
0x62: {  	_ =	shalt  }
0x63: {  	_ =	shalt  }
0x64: {  	_ =	shalt  }
0x65: {  	_ =	shalt  }
0x66: {  	_ =	shalt  }
0x67: {  	_ =	shalt  }
0x68: {  	_ =	shalt  }
0x69: {  	_ =	shalt  }
0x6a: {  	_ =	shalt  }
0x6b: {  	_ =	shalt  }
0x6c: {  	_ =	shalt  }
0x6d: {  	_ =	shalt  }
0x6e: {  	_ =	shalt  }
0x6f: {  	_ =	shalt  }
0x70: {  	_ =	shalt  }
0x71: {  	_ =	shalt  }
0x72: {  	_ =	shalt  }
0x73: {  	_ =	shalt  }
0x74: {  	_ =	shalt  }
0x75: {  	_ =	shalt  }
0x76: {  	_ =	shalt  }
0x77: {  	_ =	shalt  }
0x78: {  	_ =	shalt  }
0x79: {  	_ =	shalt  }
0x7a: {  	_ =	shalt  }
0x7b: {  	_ =	shalt  }
0x7c: {  	_ =	shalt  }
0x7d: {  	_ =	shalt  }
0x7e: {  	_ =	shalt  }
0x7f: {  	_ =	shalt  }
0x80: {  	_ =	shalt  }
0x81: {  	_ =	shalt  }
0x82: {  	_ =	shalt  }
0x83: {  	_ =	shalt  }
0x84: {  	_ =	shalt  }
0x85: {  	_ =	shalt  }
0x86: {  	_ =	shalt  }
0x87: {  	_ =	shalt  }
.Lfunc_end0:
.L_simem_size_0:
called_computation_lowered:
.L_overlay_start_0:
0x88: {  	s2 =	sld [smem:$0x3FD9]  }
0x89: {  	s3 =	sld [smem:$0x3FFE];
	_ =	sdelay $0x1  }
0x8a: {  	s1 =	srdreg.scid  }
0x8b: {  	s0 =	sand.u32 $0x1, s1  }
0x8c: {  	s17 =	sshll.u32 s0, $0xA;
	s2 =	sadd.s32 s3, s2  }
0x8d: {  	s2 =	sadd.s32 s2, s17  }
0x8e: {  	[smem:$0x3FC0] =	sst s2  }
0x8f: {  	_ = 	snop  }
0x90: {  	s2 =	sld [smem:$0x3FC6]  }
0x91: {  	s18 =	sld [smem:$0x3FC4]  }
0x92: {  	s4 =	sld [smem:$0x3FD0];
	(tm) =	ssettm $0x1  }
0x93: {  	s5 =	sld [smem:$0x3FFB];
	_ =	sdelay $0x3  }
0x94: {  	_ =	strace s5  }
0x95: {  	s5 =	sld [smem:$0x3FFC];
	_ =	sdelay $0x3  }
0x96: {  	_ =	strace s5  }
0x97: {  	s5 =	sld [smem:$0x3FFD];
	_ =	sdelay $0x3  }
0x98: {  	_ =	strace s5  }
0x99: {  	_ =	strace $0x8FFFFFFF  }
0x9a: {  	s19 =	sld [smem:$0x3FDB];
	_ =	sdelay $0x1  }
0x9b: {  	s6 =	simm.s32 $_scs_section_size  }
0x9c: {  	s7 =	simm.s32 $_size__tile_overlayer_lowered;
	s8 =	simm.s32 $_tile_overlayer_lowered  }
0x9d: {  	s22 =	simm.s32 $0x1BFF;
	s21 =	sshll.u32 s8, $0x1;
	s5 =	sadd.s32 s6, s19  }
0x9e: {  	s9 =	simm.s32 $0x0;
	s20 =	sshll.u32 s7, $0x1;
	s7 =	sadd.s32 s21, s5  }
0x9f: {  	[timem:s9], [sflag:s22] =	dma.local [hbm:s7], s20  }
0xa0: {  	_ =	swait.ge [sflag:s22], s20  }
0xa1: {  	s6 =	ssub.s32 $0x0, s20;
	[sflag:s22] =	ssyncset.done $0x0  }
0xa2: {  	[sflag:s22] =	ssyncadd.s32 s6;
	_ =	sdelay $0x1  }
0xa3: {  	s23 =	simm.s32 $0x1B8B  }
0xa4: {  	_ =	swait.ge [sflag:s23], $0x1  }
0xa5: {  	[sflag:s23] =	ssyncset.done $0x0  }
0xa6: {  	s25 =	simm.s32 $0x1B8E;
	s24 =	sld [smem:$0x3FFE];
	[sflag:s23] =	ssyncadd.s32 $0xFFFFFFFF  }
0xa7: {  	s26 =	simm.s32 $execute0_lowered;
	[smem:$0x3FD2] =	sst s25  }
0xa8: {  	s7 =	sshll.u32 s26, $0x1;
	_ =	strace $0x80000046;
	[dreg:$0x1] =	wrdreg $0xFFFFFFFF  }
0xa9: {  	s28 =	simm.s32 $_size_execute0_lowered;
	s5 =	sadd.s32 s5, s7;
	[dreg:$0x0] =	wrdreg $0x0  }
0xaa: {  	s7 =	sshll.u32 s28, $0x1;
	[dreg:$0x2] =	wrdreg s5  }
0xab: {  	[dreg:$0x3] =	wrdreg s7  }
0xac: {  	[dreg:$0x4] =	wrdreg $0xC0  }
0xad: {  	_ =	task [dreg:s9], $0x5FFFF  }
0xae: {  	[dreg:$0x1] =	wrdreg $0xFFFFFFFF  }
0xaf: {  	[dreg:$0x0] =	wrdreg $0x60  }
0xb0: {  	[dreg:$0x2] =	wrdreg s24  }
0xb1: {  	[dreg:$0x3] =	wrdreg s2  }
0xb2: {  	[dreg:$0x4] =	wrdreg s18  }
0xb3: {  	[dreg:$0x5] =	wrdreg s4  }
0xb4: {  	[dreg:$0x6] =	wrdreg $0x9  }
0xb5: {  	_ =	task.clear_ibuf [dreg:s9], $0x7FFFF;
	_ =	strace $0x90000046  }
0xb6: {  	s29 =	simm.s32 $0x9;
	_ =	strace $0x80000048  }
0xb7: {  	_ =	swait.ge [sflag:s29], $0x1  }
0xb8: {  	[sflag:s29] =	ssyncadd.s32 $0xFFFFFFFF  }
0xb9: {  	_ =	strace $0x90000048  }
0xba: {  	_ =	sfence  }
0xbb: {  	s30 =	sld [smem:$0x0];
	_ =	sdelay $0x2  }
0xbc: {  	s31 =	sshll.u32 s1, $0xD;
	s1 =	sshrl.u32 s1, $0x2  }
0xbd: {  	s3 =	sand.u32 $0x4000, s31;
	s1 =	sadd.s32 s1, s30  }
0xbe: {  	s0 =	sor.u32 s3, s0;
	s1 =	sshll.u32 s1, $0x11  }
0xbf: {  	s0 =	sor.u32 s1, s0  }
0xc0: {  	s0 =	sadd.s32 $0x8F2B, s0  }
0xc1: {  	[sflag:s0] =	ssyncadd.remote.s32 $0x1  }
0xc2: {  	_ =	sfence.sel $0xFFFF  }
0xc3: {  	[dreg:$0x0] =	wrdreg $0xFFFFFFFF;
	(pc) =	sbr.abs _section_cstart, $3  }
0xc4: {  	[dreg:$0x1] =	wrdreg $0xFFFFFFFF  }
0xc5: {  	_ =	task.clear_ibuf [dreg:s9], $0x2FFFF;
	_ =	strace $0x9FFFFFFF  }
0xc6: {  	(tm) =	ssettm $0x7FFFFFFF  }
0xc7: {  	_ =	shalt  }
tec
execute0_lowered:
.L_overlay_start_1:
0x0: {  	(tag) =	ssettag $0x1  }
0x1: {  	v0 =	vimm.s32 $0xFEDCBA98;
	v1 =	vimm.s32 $0x76543210;
	v3 =	vlaneseq.u32  }
0x2: {  	v2 =	vimm.s32 $0xBA98FEDC;
	v4 =	vimm.s32 $0x32107654;
	v0 =	vunpack.c.l.s4.s8 v0  }
0x3: {  	v5 =	vimm.s32 $0xDCFE98BA;
	v6 =	vimm.s32 $0x54761032;
	v1 =	vunpack.c.l.s4.s8 v1  }
0x4: {  	v2 =	vunpack.c.l.s4.s8 v2;
	v4 =	vunpack.c.l.s4.s8 v4;
	v0 =	vunpack.c.0.s8.s32 v0  }
0x5: {  	v5 =	vunpack.c.l.s4.s8 v5;
	v6 =	vunpack.c.l.s4.s8 v6;
	v1 =	vunpack.c.0.s8.s32 v1  }
0x6: {  	v2 =	vunpack.c.0.s8.s32 v2;
	v4 =	vunpack.c.0.s8.s32 v4;
	v0 =	vand.u32 $0xF, v0  }
0x7: {  	v0 =	vcombine.low v0, v1;
	v1 =	vunpack.c.0.s8.s32 v5;
	v5 =	vunpack.c.0.s8.s32 v6  }
0x8: {  	vm0 =	vcmask $0x300;
	v4 =	vcombine.low v4, v2;
	v2 =	vimm.f32 $1.500000000e+01  }
0x9: {  	v5 =	vcombine.low v5, v1;
	v1 =	vsel vm0, $0x0, v2;
	vm0 =	vcmask $0x704  }
0xa: {  	v6 =	vimm.s32 $0x67452301;
	v1 =	vsel vm0, $0x3F800000, v1;
	vm0 =	vcmask $0xB08  }
0xb: {  	s13 =	rddreg [dreg:$0x0];
	v6 =	vunpack.c.l.s4.s8 v6;
	v1 =	vsel vm0, $0x40000000, v1;
	vm0 =	vcmask $0xF0C  }
0xc: {  	s2 =	rddreg [dreg:$0x1];
	v2 =	vimm.s32 $0xEFCDAB89;
	v1 =	vsel vm0, $0x40400000, v1;
	vm0 =	vcmask $0x1310  }
0xd: {  	s0 =	rddreg [dreg:$0x3];
	s5 =	simm.s32 $0x0;
	s1 =	srdreg.scid;
	v2 =	vunpack.c.l.s4.s8 v2;
	v1 =	vsel vm0, $0x40800000, v1;
	vm0 =	vcmask $0x1714  }
0xe: {  	s3 =	stileid.u32;
	s15 =	simm.s32 $0x1;
	s18 =	simm.s32 $0x2;
	v6 =	vunpack.c.0.s8.s32 v6;
	v1 =	vsel vm0, $0x40A00000, v1;
	vm0 =	vcmask $0x1B18  }
0xf: {  	s24 =	simm.s32 $0x4;
	[smem:$0x7FF] =	sst s5;
	s1 =	sand.u32 $0x1, s1;
	v2 =	vunpack.c.0.s8.s32 v2;
	v7 =	vsel vm0, $0x40C00000, v1;
	vm0 =	vcmask $0x1F1C  }
0x10: {  	vm1 =	vcmask $0x2F2C;
	s3 =	sshll.u32 s3, $0x1;
	s6 =	sadd.s32 $0x200, s13;
	s8 =	sadd.s32 $0x100, s2;
	v7 =	vsel vm0, $0x40E00000, v7;
	vm0 =	vcmask $0x2320  }
0x11: {  	s9 =	sadd.s32 $0x200, s2;
	s10 =	sadd.s32 $0x300, s2;
	s11 =	sadd.s32 $0x300, s13;
	v6 =	vcombine.low v6, v2;
	v2 =	vsel vm0, $0x41000000, v7;
	vm0 =	vcmask $0x2724  }
0x12: {  	s12 =	sadd.s32 $0x400, s13;
	_ =	strace $0x80000047;
	s3 =	sor.u32 s1, s3;
	v7 =	vshrl.u32 v3, $0x3;
	v8 =	vsel vm0, $0x41100000, v2;
	vm0 =	vcmask $0x2B28  }
.Ltmp0:
0x13: {  	s1 =	ssub.s32 $0x2, s1;
	s4 =	sshll.u32 s3, $0xA;
	v4 =	vand.u32 $0xF, v4;
	v2 =	vmul.u32 $0x8, v7;
	v7 =	vsel vm0, $0x41200000, v8;
	(pc) =	sbr.rel .LBB2_1-.Ltmp0, $4  }
0x14: {  	s7 =	sshrl.u32 s1, $0x1;
	s3 =	sshll.u32 s3, $0xF;
	s4 =	sadd.s32 s4, s13;
	v5 =	vand.u32 $0xF, v5;
	v7 =	vsel vm1, $0x41300000, v7;
	vm1 =	vcmask $0x3330  }
0x15: {  	s1 =	ssub.s32 s1, s7;
	s13 =	sadd.s32 $0x500, s13;
	s4 =	sadd.s32 $0x40200, s4;
	v1 =	vand.u32 $0x7, v3;
	v7 =	vsel vm1, $0x41400000, v7;
	vm1 =	vcmask $0x3734  }
0x16: {  	s14 =	sadd.s32 s0, s3;
	s31 =	smax.u32 s1, $0x1;
	[dreg:$0x5] =	wrdreg s4;
	v6 =	vand.u32 $0xF, v6;
	v7 =	vsel vm1, $0x41500000, v7;
	vm1 =	vcmask $0x3B38  }
0x17: {  	s1 =	simm.s32 $0x3;
	[dreg:$0x6] =	wrdreg s31;
	s4 =	simm.s32 $0x0;
	v3 =	vor.u32 $0x8, v3;
	vm0 =	vmmov $0xffff;
	v7 =	vsel vm1, $0x41600000, v7  }
.LBB2_34:
0x18: {  	s0 =	simm.s32 $0x5  }
0x19: {  	_ =	swait.ge [sflag:s0], $0x4000  }
0x1a: {  	[sflag:s0] =	ssyncset.done $0x0  }
0x1b: {  	s3 =	simm.s32 $0x6;
	[sflag:s0] =	ssyncadd.s32 $0xFFFFC000  }
0x1c: {  	_ =	swait.ge [sflag:s3], $0x4000  }
0x1d: {  	s4 =	rddreg [dreg:$0x7]  }
0x1e: {  	s31 =	rddreg [dreg:$0x6];
	s4 =	sadd.s32 $0x1, s4  }
0x1f: {  	p0 =	sne.s32 s4, s31  }
.Ltmp1:
0x20: {  	_ = 	snop;
	(pc) =	sbr.rel @!p0 .LBB2_35-.Ltmp1, $3  }
0x21: {  	_ =	sdelay $0x1  }
0x22: {  	[sflag:s3] =	ssyncset.done $0x0  }
0x23: {  	[sflag:s3] =	ssyncadd.s32 $0xFFFFC000  }
.LBB2_1:
0x24: {  	[dreg:$0x7] =	wrdreg s4  }
0x25: {  	s0 =	rddreg [dreg:$0x5];
	s26 =	simm.s32 $0x7  }
0x26: {  	[tilespmem:s5], [sflag:$0x7] =	stream.linear.gather [hbm4b:s0+s5], $0x2000, $0x38;
	[tilespmem:$0x1B400] =	vst v63  }
0x27: {  	_ =	swait.ge [sflag:s26], $0x2000  }
0x28: {  	[sflag:s26] =	ssyncset.done $0x0  }
0x29: {  	[sflag:s26] =	ssyncadd.s32 $0xFFFFE000  }
0x2a: {  	s3 =	simm.s32 $0x1A000;
	s28 =	rddreg [dreg:$0x2]  }
0x2b: {  	[tilespmem:s3], [sflag:$0x7] =	stream.linear.gather [hbm4b:s28+s5], $0x800, $0x38;
	[tilespmem:$0x1B400] =	vst v63  }
0x2c: {  	_ =	swait.ge [sflag:s26], $0x800  }
0x2d: {  	[sflag:s26] =	ssyncset.done $0x0  }
0x2e: {  	[sflag:s26] =	ssyncadd.s32 $0xFFFFF800  }
0x2f: {  	s30 =	simm.s32 $0x1A800;
	s29 =	rddreg [dreg:$0x0]  }
0x30: {  	[tilespmem:s30], [sflag:$0x7] =	stream.linear.gather [hbm4b:s29+s5], $0x800, $0x38;
	[tilespmem:$0x1B400] =	vst v63  }
0x31: {  	_ =	swait.ge [sflag:s26], $0x800  }
0x32: {  	[sflag:s26] =	ssyncset.done $0x0  }
0x33: {  	s31 =	simm.s32 $0x1A080;
	[sflag:s26] =	ssyncadd.s32 $0xFFFFF800  }
0x34: {  	v9 =	vld [tilespmem:s31+$0x70]  }
0x35: {  	v10 =	vld [tilespmem:s31+$0xFFFFFFF0]  }
0x36: {  	v8 =	vld [tilespmem:s31+$0xFFFFFF80]  }
0x37: {  	v11 =	vld [tilespmem:s31+$0x10]  }
0x38: {  	v12 =	vld [tilespmem:s31+$0xFFFFFF90]  }
0x39: {  	v13 =	vld [tilespmem:s31+$0x20]  }
0x3a: {  	v14 =	vld [tilespmem:s31+$0xFFFFFFA0]  }
0x3b: {  	v15 =	vld [tilespmem:s31+$0x30]  }
0x3c: {  	v16 =	vld [tilespmem:s31+$0xFFFFFFB0]  }
0x3d: {  	v17 =	vld [tilespmem:s31+$0x40]  }
0x3e: {  	v18 =	vld [tilespmem:s31+$0xFFFFFFC0];
	v10 =	vsub.f32 v9, v10  }
0x3f: {  	s17 =	simm.s32 $0x1B040;
	v12 =	vsub.f32 v11, v12;
	v9 =	vld [tilespmem:s31+$0x50]  }
0x40: {  	v13 =	vsub.f32 v13, v14;
	v11 =	vld [tilespmem:s31+$0xFFFFFFD0];
	[tilespmem:s17+$0x30] =	vst v10  }
0x41: {  	v14 =	vsub.f32 v15, v16;
	[tilespmem:s17+$0xFFFFFFD0] =	vst v12;
	v10 =	vld [tilespmem:s31+$0x60]  }
0x42: {  	[tilespmem:s17+$0xFFFFFFE0] =	vst v13;
	v13 =	vld [tilespmem:s31+$0xFFFFFFE0]  }
0x43: {  	s19 =	simm.s32 $0x0;
	s20 =	simm.s32 $0x1A180;
	v12 =	vld [tilespmem:s31+$0x0];
	[tilespmem:s17+$0xFFFFFFF0] =	vst v14;
	v14 =	vsub.f32 v17, v18  }
.LBB2_2:
0x44: {  	v15 =	vld [tilespmem:s20+$0x70]  }
0x45: {  	s19 =	sadd.s32 $0x8, s19;
	v16 =	vld [tilespmem:s20+$0xFFFFFFF0];
	[tilespmem:s17+$0x0] =	vst v14;
	v9 =	vsub.f32 v9, v11  }
0x46: {  	p0 =	slt.u32 s19, $0x38;
	v11 =	vld [tilespmem:s20+$0xFFFFFF80]  }
0x47: {  	v14 =	vld [tilespmem:s20+$0x10];
	[tilespmem:s17+$0x10] =	vst v9;
	v9 =	vsub.f32 v10, v13  }
0x48: {  	v10 =	vld [tilespmem:s20+$0xFFFFFF90];
	v17 =	vsub.f32 v12, v8  }
0x49: {  	v12 =	vld [tilespmem:s20+$0x20];
	[tilespmem:s17+$0x20] =	vst v9  }
0x4a: {  	v9 =	vld [tilespmem:s20+$0xFFFFFFA0];
	v13 =	vsub.f32 v15, v16;
	[tilespmem:s17+$0xFFFFFFC0] =	vst v17  }
0x4b: {  	s17 =	sadd.s32 $0x80, s17;
	v15 =	vld [tilespmem:s20+$0x30];
	v8 =	vmov v11  }
0x4c: {  	v16 =	vld [tilespmem:s20+$0xFFFFFFB0];
	[tilespmem:s17+$0x30] =	vst v13  }
0x4d: {  	v10 =	vsub.f32 v14, v10;
	v14 =	vld [tilespmem:s20+$0x40]  }
0x4e: {  	v17 =	vld [tilespmem:s20+$0xFFFFFFC0]  }
.Ltmp2:
0x4f: {  	[tilespmem:s17+$0xFFFFFFD0] =	vst v10;
	v10 =	vsub.f32 v12, v9;
	v9 =	vld [tilespmem:s20+$0x50];
	(pc) =	sbr.rel @p0 .LBB2_2-.Ltmp2, $4  }
0x50: {  	v11 =	vld [tilespmem:s20+$0xFFFFFFD0]  }
0x51: {  	[tilespmem:s17+$0xFFFFFFE0] =	vst v10;
	v15 =	vsub.f32 v15, v16;
	v10 =	vld [tilespmem:s20+$0x60]  }
0x52: {  	v13 =	vld [tilespmem:s20+$0xFFFFFFE0]  }
0x53: {  	v12 =	vld [tilespmem:s20+$0x0];
	[tilespmem:s17+$0xFFFFFFF0] =	vst v15;
	v14 =	vsub.f32 v14, v17;
	s20 =	sadd.s32 $0x100, s20  }
0x54: {  	_ =	sdelay $0x1  }
0x55: {  	v9 =	vsub.f32 v9, v11  }
0x56: {  	[tilespmem:s17+$0x0] =	vst v14;
	v10 =	vsub.f32 v10, v13  }
0x57: {  	[tilespmem:s17+$0x10] =	vst v9;
	v8 =	vsub.f32 v12, v8  }
0x58: {  	[tilespmem:s17+$0x20] =	vst v10  }
0x59: {  	[tilespmem:s17+$0xFFFFFFC0] =	vst v8  }
0x5a: {  	v8 =	vld [tilespmem:$0x0];
	_ =	sdelay $0x4  }
0x5b: {  	v60 =	vshll.u32 v8, $0x3  }
0x5c: {  	v8 =	vand.u32 $0x7, v8;
	v9 =	vand.u32 $0xFFFFFFC0, v60  }
0x5d: {  	v8 =	vor.u32 v8, v9  }
0x5e: {  	v9 =	vperm.xlane v8, v1;
	_ =	sdelay $0x1  }
0x5f: {  	v9 =	vadd.s32 v2, v9;
	_ =	sdelay $0x3  }
0x60: {  	s0 =	simm.s32 $0x2000;
	s17 =	simm.s32 $0x0  }
0x61: {  	[tilespmem:s0], [sflag:$0x1] =	stream.indirect_vreg.gather [hbm4b:s2+s17], $0x80, v9, vm0, $0xb8;
	[tilespmem:$0x1B400] =	vst v63  }
0x62: {  	s31 =	simm.s32 $0x2800;
	v8 =	vperm.xlane v8, v3  }
0x63: {  	[tilespmem:s31], [sflag:$0x1] =	stream.indirect_vreg.gather [hbm4b:s8+s17], $0x80, v9, vm0, $0xb8;
	[tilespmem:$0x1B400] =	vst v63  }
0x64: {  	s3 =	simm.s32 $0x3000;
	v8 =	vadd.s32 v2, v8  }
0x65: {  	[tilespmem:s3], [sflag:$0x1] =	stream.indirect_vreg.gather [hbm4b:s9+s17], $0x80, v9, vm0, $0xb8;
	[tilespmem:$0x1B400] =	vst v63  }
0x66: {  	s4 =	simm.s32 $0x3800  }
0x67: {  	[tilespmem:s4], [sflag:$0x1] =	stream.indirect_vreg.gather [hbm4b:s10+s17], $0x80, v9, vm0, $0xb8;
	[tilespmem:$0x1B400] =	vst v63  }
0x68: {  	s7 =	simm.s32 $0x4000  }
0x69: {  	[tilespmem:s7], [sflag:$0x1] =	stream.indirect_vreg.gather [hbm4b:s2+s17], $0x80, v8, vm0, $0xb8;
	[tilespmem:$0x1B400] =	vst v63  }
0x6a: {  	s16 =	simm.s32 $0x4800  }
0x6b: {  	[tilespmem:s16], [sflag:$0x1] =	stream.indirect_vreg.gather [hbm4b:s8+s17], $0x80, v8, vm0, $0xb8;
	[tilespmem:$0x1B400] =	vst v63  }
0x6c: {  	s19 =	simm.s32 $0x5000  }
0x6d: {  	[tilespmem:s19], [sflag:$0x1] =	stream.indirect_vreg.gather [hbm4b:s9+s17], $0x80, v8, vm0, $0xb8;
	[tilespmem:$0x1B400] =	vst v63  }
0x6e: {  	s20 =	simm.s32 $0x5800  }
0x6f: {  	[tilespmem:s20], [sflag:$0x1] =	stream.indirect_vreg.gather [hbm4b:s10+s17], $0x80, v8, vm0, $0xb8;
	[tilespmem:$0x1B400] =	vst v63  }
0x70: {  	v8 =	vld [tilespmem:$0x800];
	_ =	sdelay $0x4  }
0x71: {  	v61 =	vshll.u32 v8, $0x3  }
0x72: {  	v8 =	vand.u32 $0x7, v8;
	v9 =	vand.u32 $0xFFFFFFC0, v61  }
0x73: {  	v8 =	vor.u32 v8, v9  }
0x74: {  	v9 =	vperm.xlane v8, v1;
	_ =	sdelay $0x1  }
0x75: {  	v9 =	vadd.s32 v2, v9;
	_ =	sdelay $0x3  }
0x76: {  	s21 =	simm.s32 $0xA000  }
0x77: {  	[tilespmem:s21], [sflag:$0x3] =	stream.indirect_vreg.gather [hbm4b:s6+s17], $0x80, v9, vm0, $0xb8;
	[tilespmem:$0x1B400] =	vst v63  }
0x78: {  	s22 =	simm.s32 $0xA800;
	v8 =	vperm.xlane v8, v3  }
0x79: {  	[tilespmem:s22], [sflag:$0x3] =	stream.indirect_vreg.gather [hbm4b:s11+s17], $0x80, v9, vm0, $0xb8;
	[tilespmem:$0x1B400] =	vst v63  }
0x7a: {  	s23 =	simm.s32 $0xB000;
	v8 =	vadd.s32 v2, v8  }
0x7b: {  	[tilespmem:s23], [sflag:$0x3] =	stream.indirect_vreg.gather [hbm4b:s12+s17], $0x80, v9, vm0, $0xb8;
	[tilespmem:$0x1B400] =	vst v63  }
0x7c: {  	s25 =	simm.s32 $0xB800  }
0x7d: {  	[tilespmem:s25], [sflag:$0x3] =	stream.indirect_vreg.gather [hbm4b:s13+s17], $0x80, v9, vm0, $0xb8;
	[tilespmem:$0x1B400] =	vst v63  }
0x7e: {  	s26 =	simm.s32 $0xC000  }
0x7f: {  	[tilespmem:s26], [sflag:$0x3] =	stream.indirect_vreg.gather [hbm4b:s6+s17], $0x80, v8, vm0, $0xb8;
	[tilespmem:$0x1B400] =	vst v63  }
0x80: {  	s28 =	simm.s32 $0xC800  }
0x81: {  	[tilespmem:s28], [sflag:$0x3] =	stream.indirect_vreg.gather [hbm4b:s11+s17], $0x80, v8, vm0, $0xb8;
	[tilespmem:$0x1B400] =	vst v63  }
0x82: {  	s29 =	simm.s32 $0xD000  }
0x83: {  	[tilespmem:s29], [sflag:$0x3] =	stream.indirect_vreg.gather [hbm4b:s12+s17], $0x80, v8, vm0, $0xb8;
	[tilespmem:$0x1B400] =	vst v63  }
0x84: {  	s30 =	simm.s32 $0xD800  }
0x85: {  	[tilespmem:s30], [sflag:$0x3] =	stream.indirect_vreg.gather [hbm4b:s13+s17], $0x80, v8, vm0, $0xb8;
	[tilespmem:$0x1B400] =	vst v63  }
0x86: {  	v8 =	vld [tilespmem:$0x80];
	_ =	sdelay $0x4  }
0x87: {  	v62 =	vshll.u32 v8, $0x3  }
0x88: {  	v8 =	vand.u32 $0x7, v8;
	v9 =	vand.u32 $0xFFFFFFC0, v62  }
0x89: {  	v8 =	vor.u32 v8, v9  }
0x8a: {  	v9 =	vperm.xlane v8, v1;
	_ =	sdelay $0x1  }
0x8b: {  	v9 =	vadd.s32 v2, v9;
	_ =	sdelay $0x3  }
0x8c: {  	s31 =	simm.s32 $0x6000  }
0x8d: {  	[tilespmem:s31], [sflag:$0x2] =	stream.indirect_vreg.gather [hbm4b:s2+s17], $0x80, v9, vm0, $0xb8;
	[tilespmem:$0x1B400] =	vst v63  }
0x8e: {  	s3 =	simm.s32 $0x6800;
	v8 =	vperm.xlane v8, v3  }
0x8f: {  	[tilespmem:s3], [sflag:$0x2] =	stream.indirect_vreg.gather [hbm4b:s8+s17], $0x80, v9, vm0, $0xb8;
	[tilespmem:$0x1B400] =	vst v63  }
0x90: {  	s4 =	simm.s32 $0x7000;
	v8 =	vadd.s32 v2, v8  }
0x91: {  	[tilespmem:s4], [sflag:$0x2] =	stream.indirect_vreg.gather [hbm4b:s9+s17], $0x80, v9, vm0, $0xb8;
	[tilespmem:$0x1B400] =	vst v63  }
0x92: {  	s7 =	simm.s32 $0x7800  }
0x93: {  	[tilespmem:s7], [sflag:$0x2] =	stream.indirect_vreg.gather [hbm4b:s10+s17], $0x80, v9, vm0, $0xb8;
	[tilespmem:$0x1B400] =	vst v63  }
0x94: {  	s16 =	simm.s32 $0x8000  }
0x95: {  	[tilespmem:s16], [sflag:$0x2] =	stream.indirect_vreg.gather [hbm4b:s2+s17], $0x80, v8, vm0, $0xb8;
	[tilespmem:$0x1B400] =	vst v63  }
0x96: {  	s19 =	simm.s32 $0x8800  }
0x97: {  	[tilespmem:s19], [sflag:$0x2] =	stream.indirect_vreg.gather [hbm4b:s8+s17], $0x80, v8, vm0, $0xb8;
	[tilespmem:$0x1B400] =	vst v63  }
0x98: {  	s20 =	simm.s32 $0x9000  }
0x99: {  	[tilespmem:s20], [sflag:$0x2] =	stream.indirect_vreg.gather [hbm4b:s9+s17], $0x80, v8, vm0, $0xb8;
	[tilespmem:$0x1B400] =	vst v63  }
0x9a: {  	s21 =	simm.s32 $0x9800  }
0x9b: {  	[tilespmem:s21], [sflag:$0x2] =	stream.indirect_vreg.gather [hbm4b:s10+s17], $0x80, v8, vm0, $0xb8;
	[tilespmem:$0x1B400] =	vst v63  }
0x9c: {  	v8 =	vld [tilespmem:$0x880];
	_ =	sdelay $0x4  }
0x9d: {  	v63 =	vshll.u32 v8, $0x3  }
0x9e: {  	v8 =	vand.u32 $0x7, v8;
	v9 =	vand.u32 $0xFFFFFFC0, v63  }
0x9f: {  	v8 =	vor.u32 v8, v9  }
0xa0: {  	v9 =	vperm.xlane v8, v1;
	_ =	sdelay $0x1  }
0xa1: {  	v9 =	vadd.s32 v2, v9;
	_ =	sdelay $0x3  }
0xa2: {  	s22 =	simm.s32 $0xE000  }
0xa3: {  	[tilespmem:s22], [sflag:$0x4] =	stream.indirect_vreg.gather [hbm4b:s6+s17], $0x80, v9, vm0, $0xb8;
	[tilespmem:$0x1B400] =	vst v63  }
0xa4: {  	s23 =	simm.s32 $0xE800;
	v8 =	vperm.xlane v8, v3  }
0xa5: {  	[tilespmem:s23], [sflag:$0x4] =	stream.indirect_vreg.gather [hbm4b:s11+s17], $0x80, v9, vm0, $0xb8;
	[tilespmem:$0x1B400] =	vst v63  }
0xa6: {  	s25 =	simm.s32 $0xF000;
	v8 =	vadd.s32 v2, v8  }
0xa7: {  	[tilespmem:s25], [sflag:$0x4] =	stream.indirect_vreg.gather [hbm4b:s12+s17], $0x80, v9, vm0, $0xb8;
	[tilespmem:$0x1B400] =	vst v63  }
0xa8: {  	s26 =	simm.s32 $0xF800  }
0xa9: {  	[tilespmem:s26], [sflag:$0x4] =	stream.indirect_vreg.gather [hbm4b:s13+s17], $0x80, v9, vm0, $0xb8;
	[tilespmem:$0x1B400] =	vst v63  }
0xaa: {  	s28 =	simm.s32 $0x10000  }
0xab: {  	[tilespmem:s28], [sflag:$0x4] =	stream.indirect_vreg.gather [hbm4b:s6+s17], $0x80, v8, vm0, $0xb8;
	[tilespmem:$0x1B400] =	vst v63  }
0xac: {  	s29 =	simm.s32 $0x10800  }
0xad: {  	[tilespmem:s29], [sflag:$0x4] =	stream.indirect_vreg.gather [hbm4b:s11+s17], $0x80, v8, vm0, $0xb8;
	[tilespmem:$0x1B400] =	vst v63  }
0xae: {  	s30 =	simm.s32 $0x11000  }
0xaf: {  	[tilespmem:s30], [sflag:$0x4] =	stream.indirect_vreg.gather [hbm4b:s12+s17], $0x80, v8, vm0, $0xb8;
	[tilespmem:$0x1B400] =	vst v63  }
0xb0: {  	s31 =	simm.s32 $0x11800  }
0xb1: {  	[tilespmem:s31], [sflag:$0x4] =	stream.indirect_vreg.gather [hbm4b:s13+s17], $0x80, v8, vm0, $0xb8;
	[tilespmem:$0x1B400] =	vst v63  }
.LBB2_4:
0xb2: {  	_ =	swait.ge [sflag:s15], $0x4000  }
0xb3: {  	[sflag:s15] =	ssyncset.done $0x0  }
0xb4: {  	[sflag:s15] =	ssyncadd.s32 $0xFFFFC000  }
0xb5: {  	_ =	swait.ge [sflag:s1], $0x4000  }
0xb6: {  	p0 =	seq.s32 s17, $0x0;
	[sflag:s1] =	ssyncset.done $0x0  }
0xb7: {  	s0 =	simm.s32 @!p0 $0x5;
	[sflag:s1] =	ssyncadd.s32 $0xFFFFC000  }
0xb8: {  	_ =	swait.ge @!p0 [sflag:s0], $0x4000  }
0xb9: {  	s3 =	sshll.u32 s17, $0x8;
	[sflag:s0] =	ssyncset.done @!p0 $0x0  }
0xba: {  	s19 =	sand.u32 $0x3FFFFF00, s3;
	[sflag:s0] =	ssyncadd.s32 @!p0 $0xFFFFC000  }
0xbb: {  	v8 =	vld [tilespmem:s19+$0x1800];
	_ =	sdelay $0x4  }
0xbc: {  	(v2sf) =	vpush v8, $0x0;
	_ =	sdelay $0xe  }
0xbd: {  	s31 =	spop (v2sf)  }
0xbe: {  	p1 =	seq.s32 s31, $0x0  }
.Ltmp3:
0xbf: {  	_ = 	snop;
	(pc) =	sbr.rel @p1 .LBB2_5-.Ltmp3, $2  }
0xc0: {  	_ =	sdelay $0x2  }
0xc1: {  	v9 =	vimm.f32 $0.0e+00;
	s20 =	simm.s32 $0x0;
	v10 =	vld [tilespmem:s19+$0x1000];
	v8 =	vimm.f32 $0.0e+00  }
.LBB2_11:
0xc2: {  	s0 =	sshll.u32 s20, $0xA;
	s3 =	sshll.u32 s20, $0x7  }
0xc3: {  	s4 =	simm.s32 $0x0;
	s0 =	sand.u32 $0x2000, s0;
	s3 =	sand.u32 $0x380, s3  }
0xc4: {  	s31 =	sand.u32 $0x1C00, s4;
	s0 =	sor.u32 s0, s3  }
0xc5: {  	s4 =	sand.u32 $0x70, s4;
	s3 =	sor.u32 s31, s0  }
0xc6: {  	s4 =	sor.u32 s4, s3  }
0xc7: {  	v12 =	vld [tilespmem:s4+$0xA000]  }
0xc8: {  	v13 =	vld [tilespmem:s4+$0x2000];
	_ =	sdelay $0x2  }
0xc9: {  	s22 =	simm.s32 $0x20;
	s21 =	simm.s32 $0x80;
	v10 =	vimm.f32 $0.0e+00;
	v11 =	vimm.f32 $0.0e+00;
	s3 =	simm.s32 $0x10  }
.LBB2_12:
0xca: {  	p1 =	sne.s32 s22, $0x3F0;
	s7 =	sand.u32 $0x1C00, s21  }
0xcb: {  	s16 =	sand.u32 $0x70, s3;
	s3 =	smov.u32 s22;
	s7 =	sor.u32 s7, s0;
	v13 =	vadd.f32 v12, v13  }
0xcc: {  	s7 =	sor.u32 s16, s7  }
.Ltmp4:
0xcd: {  	v12 =	vld [tilespmem:s7+$0xA000];
	[tilespmem:s4+$0x2000] =	vst v13;
	v10 =	vadd.f32 v13, v10;
	v14 =	vmul.f32 v13, v13;
	s4 =	smov.u32 s7;
	(pc) =	sbr.rel @p1 .LBB2_12-.Ltmp4, $3  }
0xce: {  	v13 =	vld [tilespmem:s4+$0x2000]  }
0xcf: {  	v11 =	vadd.f32 v14, v11;
	_ =	sdelay $0x1  }
0xd0: {  	s22 =	sadd.s32 $0x10, s22;
	s21 =	sadd.s32 $0x80, s21  }
0xd1: {  	s7 =	sand.u32 $0x1C00, s21  }
0xd2: {  	s3 =	sand.u32 $0x70, s3;
	s0 =	sor.u32 s7, s0;
	v12 =	vadd.f32 v12, v13  }
0xd3: {  	s0 =	sor.u32 s3, s0  }
0xd4: {  	v57 =	vld [tilespmem:s0+$0xA000];
	[tilespmem:s4+$0x2000] =	vst v12  }
0xd5: {  	v14 =	vld [tilespmem:s0+$0x2000];
	_ =	sdelay $0x4  }
0xd6: {  	v15 =	vmul.f32 v12, v12;
	v13 =	vadd.f32 v57, v14;
	_ =	sdelay $0x1  }
0xd7: {  	v10 =	vadd.f32 v12, v10;
	v11 =	vadd.f32 v15, v11;
	v58 =	vmul.f32 v13, v13;
	_ =	sdelay $0x1  }
0xd8: {  	v10 =	vadd.f32 v13, v10;
	v11 =	vadd.f32 v58, v11;
	_ =	sdelay $0x1  }
0xd9: {  	v59 =	vperm.xlane v10, v0;
	v60 =	vperm.xlane v11, v0;
	_ =	sdelay $0x1  }
0xda: {  	v10 =	vadd.f32 v59, v10;
	v11 =	vadd.f32 v60, v11;
	_ =	sdelay $0x1  }
0xdb: {  	v12 =	vperm.xlane v10, v4;
	v14 =	vperm.xlane v11, v4;
	_ =	sdelay $0x1  }
0xdc: {  	s31 =	scvt.s32.f32 s20;
	v10 =	vadd.f32 v12, v10;
	v11 =	vadd.f32 v14, v11;
	_ =	sdelay $0x1  }
0xdd: {  	v61 =	vmov s31;
	v62 =	vperm.xlane v10, v5;
	v63 =	vperm.xlane v11, v5  }
0xde: {  	v12 =	vsub.f32 v7, v61  }
0xdf: {  	v10 =	vadd.f32 v62, v10;
	v11 =	vadd.f32 v63, v11;
	_ =	sdelay $0x1  }
0xe0: {  	s20 =	sadd.s32 $0x1, s20;
	v12 =	vand.u32 $0x7FFFFFFF, v12;
	v14 =	vperm.xlane v10, v6;
	v15 =	vperm.xlane v11, v6  }
0xe1: {  	p1 =	sne.s32 s20, $0x10;
	v12 =	vsub.f32 $1.000000000e+00, v12  }
.Ltmp5:
0xe2: {  	v10 =	vadd.f32 v14, v10;
	v11 =	vadd.f32 v15, v11;
	(pc) =	sbr.rel @p1 .LBB2_11-.Ltmp5, $3  }
0xe3: {  	v12 =	vmax.f32 v12, $0.0e+00  }
0xe4: {  	v10 =	vmul.f32 v10, v12;
	v11 =	vmul.f32 v11, v12;
	_ =	sdelay $0x1  }
0xe5: {  	[tilespmem:s0+$0x2000] =	vst v13;
	v9 =	vadd.f32 v10, v9;
	v8 =	vadd.f32 v11, v8  }
0xe6: {  	_ = 	snop  }
0xe7: {  	v9 =	vmul.f32 $9.765625000e-04, v9;
	_ =	sdelay $0x1  }
0xe8: {  	v8 =	vmul.f32 $9.765625000e-04, v8;
	v10 =	vmul.f32 v9, v9;
	_ =	sdelay $0x1  }
0xe9: {  	v8 =	vsub.f32 v8, v10;
	_ =	sdelay $0x1  }
0xea: {  	v8 =	vadd.f32 $9.999999960e-13, v8;
	_ =	sdelay $0x1  }
0xeb: {  	v10 =	vshrl.u32 v8, $0x1;
	v8 =	vmul.f32 $5.000000000e-01, v8  }
0xec: {  	v10 =	vsub.s32 $0x5F3759DF, v10  }
0xed: {  	v11 =	vmul.f32 v10, v8;
	_ =	sdelay $0x1  }
0xee: {  	v11 =	vmul.f32 v10, v11;
	_ =	sdelay $0x1  }
0xef: {  	v11 =	vsub.f32 $1.500000000e+00, v11;
	_ =	sdelay $0x1  }
0xf0: {  	v10 =	vmul.f32 v10, v11;
	_ =	sdelay $0x1  }
0xf1: {  	v11 =	vmul.f32 v10, v8;
	_ =	sdelay $0x1  }
0xf2: {  	v11 =	vmul.f32 v11, v10;
	_ =	sdelay $0x1  }
0xf3: {  	v11 =	vsub.f32 $1.500000000e+00, v11;
	_ =	sdelay $0x1  }
0xf4: {  	v10 =	vmul.f32 v11, v10;
	_ =	sdelay $0x1  }
0xf5: {  	v11 =	vmul.f32 v10, v8;
	_ =	sdelay $0x1  }
0xf6: {  	v11 =	vmul.f32 v11, v10;
	_ =	sdelay $0x1  }
0xf7: {  	v11 =	vsub.f32 $1.500000000e+00, v11;
	_ =	sdelay $0x1  }
0xf8: {  	v10 =	vmul.f32 v11, v10;
	_ =	sdelay $0x1  }
0xf9: {  	v8 =	vmul.f32 v10, v8;
	_ =	sdelay $0x1  }
0xfa: {  	v8 =	vmul.f32 v8, v10;
	_ =	sdelay $0x1  }
0xfb: {  	v8 =	vsub.f32 $1.500000000e+00, v8;
	_ =	sdelay $0x1  }
0xfc: {  	v8 =	vmul.f32 v8, v10;
	_ =	sdelay $0x1  }
0xfd: {  	s20 =	simm.s32 $0x0;
	s21 =	simm.s32 $0x0;
	s22 =	simm.s32 $0x0;
	v9 =	vmul.f32 v8, v9  }
.LBB2_15:
0xfe: {  	s0 =	sshll.u32 s21, $0x2;
	s3 =	sand.u32 $0x7, s20  }
0xff: {  	s0 =	sand.u32 $0xFFFF8000, s0;
	s3 =	sshll.u32 s3, $0x9  }
0x100: {  	s0 =	sor.u32 s3, s0  }
0x101: {  	s0 =	sshrl.u32 s0, $0x2  }
0x102: {  	s31 =	sadd.s32 $0x2040, s0  }
0x103: {  	v10 =	vmov s22;
	v12 =	vld [tilespmem:s31+$0x30]  }
0x104: {  	v10 =	vand.u32 $0xF, v10;
	v13 =	vld [tilespmem:s31+$0xFFFFFFD0]  }
0x105: {  	v10 =	vbroadcast v10, $0x0;
	v14 =	vld [tilespmem:s31+$0xFFFFFFE0]  }
0x106: {  	v15 =	vld [tilespmem:s31+$0xFFFFFFF0]  }
0x107: {  	v11 =	vperm.xlane v8, v10;
	v16 =	vld [tilespmem:s31+$0x0];
	_ =	sdelay $0x1  }
0x108: {  	v10 =	vperm.xlane v9, v10;
	v17 =	vld [tilespmem:s31+$0x10];
	v12 =	vmul.f32 v12, v11  }
0x109: {  	v18 =	vld [tilespmem:s31+$0x20];
	v13 =	vmul.f32 v13, v11  }
0x10a: {  	v19 =	vld [tilespmem:s31+$0xFFFFFFC0];
	s3 =	sadd.s32 $0x400, s31;
	v14 =	vmul.f32 v14, v11;
	v12 =	vsub.f32 v12, v10  }
0x10b: {  	s23 =	sadd.s32 $0x12040, s0;
	v20 =	vld [tilespmem:s3+$0x30];
	v15 =	vmul.f32 v15, v11;
	v16 =	vmul.f32 v16, v11;
	v13 =	vsub.f32 v13, v10  }
0x10c: {  	v21 =	vld [tilespmem:s3+$0xFFFFFFD0];
	v22 =	vsub.f32 v14, v10;
	[tilespmem:s23+$0x30] =	vst v12  }
0x10d: {  	v23 =	vld [tilespmem:s3+$0xFFFFFFE0];
	v16 =	vsub.f32 v16, v10;
	[tilespmem:s23+$0xFFFFFFD0] =	vst v13;
	v12 =	vsub.f32 v15, v10;
	v15 =	vmul.f32 v17, v11  }
0x10e: {  	v14 =	vld [tilespmem:s3+$0xFFFFFFF0];
	[tilespmem:s23+$0xFFFFFFE0] =	vst v22;
	v17 =	vmul.f32 v18, v11  }
0x10f: {  	v19 =	vmul.f32 v19, v11;
	v13 =	vld [tilespmem:s3+$0x0];
	[tilespmem:s23+$0x0] =	vst v16;
	v22 =	vsub.f32 v15, v10  }
0x110: {  	v24 =	vmul.f32 v20, v11;
	[tilespmem:s23+$0xFFFFFFF0] =	vst v12;
	v12 =	vld [tilespmem:s3+$0x10];
	v25 =	vsub.f32 v17, v10  }
0x111: {  	v20 =	vsub.f32 v19, v10;
	v18 =	vmul.f32 v21, v11;
	v15 =	vld [tilespmem:s3+$0x20];
	[tilespmem:s23+$0x10] =	vst v22  }
0x112: {  	s0 =	simm.s32 $0x8;
	s25 =	sadd.s32 $0x400, s3;
	v19 =	vmul.f32 v23, v11;
	v16 =	vld [tilespmem:s3+$0xFFFFFFC0];
	v17 =	vsub.f32 v24, v10;
	[tilespmem:s23+$0x20] =	vst v25  }
.LBB2_16:
0x113: {  	v21 =	vld [tilespmem:s25+$0x30];
	s0 =	sadd.s32 $0x8, s0;
	v18 =	vsub.f32 v18, v10;
	v14 =	vmul.f32 v14, v11;
	[tilespmem:s23+$0xFFFFFFC0] =	vst v20;
	s23 =	sadd.s32 $0x400, s23  }
0x114: {  	v20 =	vld [tilespmem:s25+$0xFFFFFFD0];
	p1 =	slt.u32 s0, $0x38;
	v19 =	vsub.f32 v19, v10;
	v13 =	vmul.f32 v13, v11;
	[tilespmem:s23+$0x30] =	vst v17  }
0x115: {  	v17 =	vld [tilespmem:s25+$0xFFFFFFE0];
	[tilespmem:s23+$0xFFFFFFD0] =	vst v18;
	v18 =	vsub.f32 v14, v10;
	v12 =	vmul.f32 v12, v11  }
.Ltmp6:
0x116: {  	v14 =	vld [tilespmem:s25+$0xFFFFFFF0];
	[tilespmem:s23+$0xFFFFFFE0] =	vst v19;
	v19 =	vsub.f32 v13, v10;
	v15 =	vmul.f32 v15, v11;
	(pc) =	sbr.rel @p1 .LBB2_16-.Ltmp6, $4  }
0x117: {  	v13 =	vld [tilespmem:s25+$0x0];
	v16 =	vmul.f32 v16, v11;
	[tilespmem:s23+$0xFFFFFFF0] =	vst v18;
	v22 =	vsub.f32 v12, v10  }
0x118: {  	v12 =	vld [tilespmem:s25+$0x10];
	v21 =	vmul.f32 v21, v11;
	[tilespmem:s23+$0x0] =	vst v19;
	v23 =	vsub.f32 v15, v10  }
0x119: {  	v18 =	vmul.f32 v20, v11;
	v15 =	vld [tilespmem:s25+$0x20];
	v20 =	vsub.f32 v16, v10;
	[tilespmem:s23+$0x10] =	vst v22  }
0x11a: {  	v16 =	vld [tilespmem:s25+$0xFFFFFFC0];
	v19 =	vmul.f32 v17, v11;
	v17 =	vsub.f32 v21, v10;
	s25 =	sadd.s32 $0x400, s25;
	[tilespmem:s23+$0x20] =	vst v23  }
0x11b: {  	v18 =	vsub.f32 v18, v10;
	v14 =	vmul.f32 v14, v11;
	[tilespmem:s23+$0xFFFFFFC0] =	vst v20;
	s0 =	sadd.s32 $0x400, s23  }
0x11c: {  	v19 =	vsub.f32 v19, v10;
	v13 =	vmul.f32 v13, v11;
	[tilespmem:s0+$0x30] =	vst v17  }
0x11d: {  	s22 =	sadd.s32 $0x1, s22;
	[tilespmem:s0+$0xFFFFFFD0] =	vst v18;
	v14 =	vsub.f32 v14, v10;
	v12 =	vmul.f32 v12, v11  }
0x11e: {  	p1 =	seq.s32 s22, $0x10;
	[tilespmem:s0+$0xFFFFFFE0] =	vst v19;
	v13 =	vsub.f32 v13, v10;
	v15 =	vmul.f32 v15, v11  }
.Ltmp7:
0x11f: {  	v11 =	vmul.f32 v16, v11;
	[tilespmem:s0+$0xFFFFFFF0] =	vst v14;
	v12 =	vsub.f32 v12, v10;
	(pc) =	sbr.rel @!p1 .LBB2_15-.Ltmp7, $4  }
.Ltmp8:
0x120: {  	[tilespmem:s0+$0x0] =	vst v13;
	v63 =	vsub.f32 v15, v10;
	(pc) =	sbr.rel @p1 .LBB2_18-.Ltmp8, $4  }
0x121: {  	v10 =	vsub.f32 v11, v10;
	[tilespmem:s0+$0x10] =	vst v12  }
0x122: {  	[tilespmem:s0+$0x20] =	vst v63  }
0x123: {  	s21 =	sadd.s32 $0x400, s21;
	s20 =	sadd.s32 $0x1, s20;
	[tilespmem:s0+$0xFFFFFFC0] =	vst v10  }
0x124: {  	_ = 	snop  }
.LBB2_5:
0x125: {  	_ =	sdelay $0x3  }
0x126: {  	s20 =	simm.s32 $0x0;
	s21 =	simm.s32 $0x0;
	s22 =	simm.s32 $0x0;
	v8 =	vcvt.s32.f32 v10  }
.LBB2_6:
0x127: {  	s26 =	sand.u32 $0x8, s22  }
0x128: {  	s29 =	simm.s32 $0x0;
	s4 =	sadd.s32 $0x0, s26  }
0x129: {  	s7 =	sshll.u32 s22, $0x7;
	s16 =	sand.u32 $0x70, s29;
	s4 =	sshll.u32 s4, $0xA  }
0x12a: {  	s31 =	simm.s32 $0x1B000;
	s28 =	sand.u32 $0x380, s7;
	s4 =	sor.u32 s16, s4  }
0x12b: {  	v14 =	vld [tilespmem:s31+$0x0];
	s30 =	sor.u32 s28, s4  }
0x12c: {  	v12 =	vld [tilespmem:s30+$0xA000]  }
0x12d: {  	s0 =	sshll.u32 s21, $0x2;
	s3 =	sand.u32 $0x7, s20;
	v13 =	vld [tilespmem:s30+$0x2000]  }
0x12e: {  	s0 =	sand.u32 $0xFFFF8000, s0;
	s3 =	sshll.u32 s3, $0x9  }
0x12f: {  	v9 =	vmov s22;
	s0 =	sor.u32 s3, s0  }
0x130: {  	v9 =	vperm.xlane v8, v9;
	s3 =	simm.s32 $0x0;
	s0 =	sshrl.u32 s0, $0x2  }
0x131: {  	v10 =	vimm.f32 $0.0e+00;
	v11 =	vimm.f32 $0.0e+00;
	s23 =	sadd.s32 $0x12040, s0;
	s25 =	sadd.s32 $0x2040, s0;
	s0 =	simm.s32 $0x2  }
.LBB2_7:
0x132: {  	p1 =	sne.s32 s0, $0x3F;
	s3 =	sadd.s32 s26, s3;
	v12 =	vadd.f32 v12, v13;
	v13 =	vmul.f32 v14, v9;
	s29 =	sadd.s32 $0x10, s29  }
0x133: {  	s4 =	sand.u32 $0x70, s29;
	s3 =	sshll.u32 s3, $0xA  }
0x134: {  	s3 =	sor.u32 s4, s3;
	v13 =	vadd.f32 v13, v12  }
0x135: {  	s3 =	sor.u32 s28, s3  }
0x136: {  	v12 =	vld [tilespmem:s3+$0xA000];
	[tilespmem:s30+$0x2000] =	vst v13;
	v10 =	vadd.f32 v13, v10;
	v15 =	vmul.f32 v13, v13;
	s30 =	smov.u32 s3  }
0x137: {  	s31 =	sadd.s32 $0x10, s31;
	v13 =	vld [tilespmem:s30+$0x2000]  }
.Ltmp9:
0x138: {  	v14 =	vld [tilespmem:s31+$0x0];
	v11 =	vadd.f32 v15, v11;
	(pc) =	sbr.rel @p1 .LBB2_7-.Ltmp9, $2  }
0x139: {  	_ =	sdelay $0x2  }
0x13a: {  	s3 =	sshrl.u32 s0, $0x3;
	s0 =	sadd.s32 $0x1, s0  }
0x13b: {  	s0 =	sadd.s32 s26, s3;
	s29 =	sadd.s32 $0x10, s29;
	v12 =	vadd.f32 v12, v13;
	v13 =	vmul.f32 v14, v9  }
0x13c: {  	s3 =	sand.u32 $0x70, s29;
	s0 =	sshll.u32 s0, $0xA  }
0x13d: {  	s0 =	sor.u32 s3, s0;
	v12 =	vadd.f32 v13, v12  }
0x13e: {  	s0 =	sor.u32 s28, s0  }
0x13f: {  	v13 =	vld [tilespmem:s0+$0xA000];
	[tilespmem:s30+$0x2000] =	vst v12  }
0x140: {  	s31 =	sadd.s32 $0x10, s31;
	v14 =	vld [tilespmem:s0+$0x2000]  }
0x141: {  	v15 =	vld [tilespmem:s31+$0x0];
	_ =	sdelay $0x4  }
0x142: {  	v13 =	vadd.f32 v13, v14;
	v9 =	vmul.f32 v15, v9;
	_ =	sdelay $0x1  }
0x143: {  	v10 =	vadd.f32 v12, v10;
	v12 =	vmul.f32 v12, v12;
	v9 =	vadd.f32 v9, v13;
	_ =	sdelay $0x1  }
0x144: {  	v11 =	vadd.f32 v12, v11;
	v10 =	vadd.f32 v9, v10;
	v12 =	vmul.f32 v9, v9;
	_ =	sdelay $0x1  }
0x145: {  	v11 =	vadd.f32 v12, v11;
	v12 =	vperm.xlane v10, v0;
	_ =	sdelay $0x1  }
0x146: {  	v10 =	vadd.f32 v12, v10;
	v12 =	vperm.xlane v11, v0;
	_ =	sdelay $0x1  }
0x147: {  	v13 =	vperm.xlane v10, v4;
	v11 =	vadd.f32 v12, v11;
	_ =	sdelay $0x1  }
0x148: {  	v10 =	vadd.f32 v13, v10;
	v12 =	vperm.xlane v11, v4;
	_ =	sdelay $0x1  }
0x149: {  	v13 =	vperm.xlane v10, v5;
	v11 =	vadd.f32 v12, v11;
	_ =	sdelay $0x1  }
0x14a: {  	v10 =	vadd.f32 v13, v10;
	v12 =	vperm.xlane v11, v5;
	_ =	sdelay $0x1  }
0x14b: {  	v13 =	vperm.xlane v10, v6;
	v11 =	vadd.f32 v12, v11;
	_ =	sdelay $0x1  }
0x14c: {  	v10 =	vadd.f32 v13, v10;
	v12 =	vperm.xlane v11, v6;
	_ =	sdelay $0x1  }
0x14d: {  	v10 =	vmul.f32 $9.765625000e-04, v10;
	v11 =	vadd.f32 v12, v11;
	_ =	sdelay $0x1  }
0x14e: {  	v11 =	vmul.f32 $9.765625000e-04, v11;
	v12 =	vmul.f32 v10, v10;
	_ =	sdelay $0x1  }
0x14f: {  	v11 =	vsub.f32 v11, v12;
	_ =	sdelay $0x1  }
0x150: {  	v11 =	vadd.f32 $9.999999960e-13, v11;
	_ =	sdelay $0x1  }
0x151: {  	v12 =	vshrl.u32 v11, $0x1;
	v11 =	vmul.f32 $5.000000000e-01, v11  }
0x152: {  	v12 =	vsub.s32 $0x5F3759DF, v12  }
0x153: {  	v13 =	vmul.f32 v12, v11;
	_ =	sdelay $0x1  }
0x154: {  	v13 =	vmul.f32 v12, v13;
	_ =	sdelay $0x1  }
0x155: {  	v13 =	vsub.f32 $1.500000000e+00, v13;
	_ =	sdelay $0x1  }
0x156: {  	v12 =	vmul.f32 v12, v13;
	_ =	sdelay $0x1  }
0x157: {  	v13 =	vmul.f32 v12, v11;
	_ =	sdelay $0x1  }
0x158: {  	v13 =	vmul.f32 v13, v12;
	_ =	sdelay $0x1  }
0x159: {  	v13 =	vsub.f32 $1.500000000e+00, v13;
	_ =	sdelay $0x1  }
0x15a: {  	v12 =	vmul.f32 v13, v12;
	_ =	sdelay $0x1  }
0x15b: {  	v13 =	vmul.f32 v12, v11;
	_ =	sdelay $0x1  }
0x15c: {  	v13 =	vmul.f32 v13, v12  }
0x15d: {  	[tilespmem:s0+$0x2000] =	vst v9  }
0x15e: {  	v14 =	vld [tilespmem:s25+$0xFFFFFFD0];
	v9 =	vsub.f32 $1.500000000e+00, v13  }
0x15f: {  	s26 =	simm.s32 $0x1A880;
	v15 =	vld [tilespmem:s25+$0xFFFFFFF0]  }
0x160: {  	v16 =	vld [tilespmem:s26+$0xFFFFFFF0];
	v9 =	vmul.f32 v9, v12  }
0x161: {  	v17 =	vld [tilespmem:s25+$0x0]  }
0x162: {  	v18 =	vld [tilespmem:s26+$0x70];
	v11 =	vmul.f32 v9, v11  }
0x163: {  	v19 =	vld [tilespmem:s25+$0x10]  }
0x164: {  	v20 =	vld [tilespmem:s25+$0x20];
	v11 =	vmul.f32 v11, v9  }
0x165: {  	v13 =	vld [tilespmem:s25+$0x30]  }
0x166: {  	v21 =	vld [tilespmem:s25+$0xFFFFFFC0];
	v11 =	vsub.f32 $1.500000000e+00, v11  }
0x167: {  	v22 =	vld [tilespmem:s26+$0xFFFFFF90]  }
0x168: {  	v12 =	vld [tilespmem:s25+$0xFFFFFFE0];
	v9 =	vmul.f32 v11, v9  }
0x169: {  	v23 =	vld [tilespmem:s26+$0xFFFFFFA0]  }
0x16a: {  	v24 =	vld [tilespmem:s26+$0xFFFFFFB0];
	v10 =	vmul.f32 v9, v10;
	v13 =	vmul.f32 v13, v9  }
0x16b: {  	v25 =	vld [tilespmem:s26+$0xFFFFFFC0]  }
0x16c: {  	v26 =	vld [tilespmem:s26+$0xFFFFFFD0];
	v14 =	vmul.f32 v14, v9;
	v13 =	vsub.f32 v13, v10  }
0x16d: {  	v11 =	vld [tilespmem:s26+$0xFFFFFF80];
	v12 =	vmul.f32 v12, v9;
	v15 =	vmul.f32 v15, v9  }
0x16e: {  	v27 =	vld [tilespmem:s26+$0xFFFFFFE0];
	v14 =	vsub.f32 v14, v10;
	v13 =	vmul.f32 v13, v16;
	v16 =	vmul.f32 v21, v9  }
0x16f: {  	v17 =	vmul.f32 v17, v9;
	v12 =	vsub.f32 v12, v10;
	v15 =	vsub.f32 v15, v10;
	v21 =	vld [tilespmem:s26+$0x0]  }
0x170: {  	v29 =	vld [tilespmem:s26+$0x10];
	v28 =	vadd.f32 v13, v18;
	v13 =	vmul.f32 v19, v9;
	v19 =	vsub.f32 v16, v10  }
0x171: {  	v18 =	vmul.f32 v20, v9;
	v20 =	vmul.f32 v14, v22;
	v16 =	vld [tilespmem:s26+$0x20];
	v14 =	vsub.f32 v17, v10  }
0x172: {  	v17 =	vld [tilespmem:s26+$0x30];
	v22 =	vsub.f32 v13, v10;
	v13 =	vmul.f32 v12, v23;
	v23 =	vmul.f32 v19, v11  }
0x173: {  	v12 =	vsub.f32 v18, v10;
	v18 =	vld [tilespmem:s26+$0x40]  }
0x174: {  	v15 =	vmul.f32 v15, v24;
	v19 =	vld [tilespmem:s26+$0x50];
	v11 =	vmul.f32 v22, v26;
	v22 =	vadd.f32 v23, v21  }
0x175: {  	s28 =	simm.s32 $0x0;
	s25 =	sadd.s32 $0x400, s25;
	v14 =	vmul.f32 v14, v25;
	[tilespmem:s23+$0x30] =	vst v28;
	v12 =	vmul.f32 v12, v27;
	v21 =	vadd.f32 v20, v29;
	v20 =	vld [tilespmem:s26+$0x60]  }
.LBB2_9:
0x176: {  	v23 =	vld [tilespmem:s25+$0x30];
	s28 =	sadd.s32 $0x8, s28;
	[tilespmem:s23+$0xFFFFFFC0] =	vst v22;
	v13 =	vadd.f32 v13, v16  }
0x177: {  	v16 =	vld [tilespmem:s25+$0xFFFFFFD0];
	p1 =	slt.u32 s28, $0x38;
	[tilespmem:s23+$0xFFFFFFD0] =	vst v21;
	v15 =	vadd.f32 v15, v17  }
0x178: {  	v17 =	vld [tilespmem:s25+$0xFFFFFFE0];
	[tilespmem:s23+$0xFFFFFFE0] =	vst v13;
	v13 =	vadd.f32 v14, v18  }
0x179: {  	s26 =	sadd.s32 $0x100, s26;
	v14 =	vld [tilespmem:s25+$0xFFFFFFF0];
	[tilespmem:s23+$0xFFFFFFF0] =	vst v15;
	v11 =	vadd.f32 v11, v19  }
0x17a: {  	v15 =	vld [tilespmem:s26+$0xFFFFFFF0];
	[tilespmem:s23+$0x0] =	vst v13;
	v12 =	vadd.f32 v12, v20  }
0x17b: {  	v13 =	vld [tilespmem:s25+$0x0];
	v18 =	vmul.f32 v23, v9;
	[tilespmem:s23+$0x10] =	vst v11  }
0x17c: {  	v11 =	vmul.f32 v16, v9;
	v16 =	vld [tilespmem:s26+$0x70];
	[tilespmem:s23+$0x20] =	vst v12  }
0x17d: {  	v12 =	vmul.f32 v17, v9;
	v17 =	vld [tilespmem:s25+$0x10];
	v18 =	vsub.f32 v18, v10  }
0x17e: {  	v11 =	vsub.f32 v11, v10;
	v14 =	vmul.f32 v14, v9;
	v19 =	vld [tilespmem:s25+$0x20]  }
0x17f: {  	v20 =	vld [tilespmem:s25+$0xFFFFFFC0];
	v12 =	vsub.f32 v12, v10;
	v15 =	vmul.f32 v18, v15  }
0x180: {  	v18 =	vld [tilespmem:s26+$0xFFFFFF80];
	v14 =	vsub.f32 v14, v10;
	v13 =	vmul.f32 v13, v9  }
0x181: {  	v21 =	vld [tilespmem:s26+$0xFFFFFF90];
	v15 =	vadd.f32 v15, v16  }
0x182: {  	s23 =	sadd.s32 $0x400, s23;
	v16 =	vld [tilespmem:s26+$0xFFFFFFA0];
	v22 =	vsub.f32 v13, v10;
	v13 =	vmul.f32 v17, v9  }
0x183: {  	v17 =	vld [tilespmem:s26+$0xFFFFFFB0];
	v19 =	vmul.f32 v19, v9;
	[tilespmem:s23+$0x30] =	vst v15  }
0x184: {  	v15 =	vmul.f32 v20, v9;
	v20 =	vld [tilespmem:s26+$0xFFFFFFC0];
	v23 =	vsub.f32 v13, v10  }
0x185: {  	v24 =	vld [tilespmem:s26+$0xFFFFFFD0];
	v19 =	vsub.f32 v19, v10  }
0x186: {  	v15 =	vsub.f32 v15, v10;
	v21 =	vmul.f32 v11, v21;
	v25 =	vld [tilespmem:s26+$0xFFFFFFE0]  }
0x187: {  	v26 =	vld [tilespmem:s26+$0x0];
	v13 =	vmul.f32 v12, v16  }
0x188: {  	v27 =	vmul.f32 v15, v18;
	v28 =	vld [tilespmem:s26+$0x10];
	v15 =	vmul.f32 v14, v17  }
.Ltmp10:
0x189: {  	v16 =	vld [tilespmem:s26+$0x20];
	v14 =	vmul.f32 v22, v20;
	(pc) =	sbr.rel @p1 .LBB2_9-.Ltmp10, $4  }
0x18a: {  	v17 =	vld [tilespmem:s26+$0x30];
	v11 =	vmul.f32 v23, v24  }
0x18b: {  	v18 =	vld [tilespmem:s26+$0x40];
	v12 =	vmul.f32 v19, v25  }
0x18c: {  	v22 =	vadd.f32 v27, v26;
	v19 =	vld [tilespmem:s26+$0x50]  }
0x18d: {  	s25 =	sadd.s32 $0x400, s25;
	v21 =	vadd.f32 v21, v28;
	v20 =	vld [tilespmem:s26+$0x60]  }
0x18e: {  	[tilespmem:s23+$0xFFFFFFC0] =	vst v22;
	v9 =	vadd.f32 v13, v16;
	s22 =	sadd.s32 $0x1, s22  }
0x18f: {  	[tilespmem:s23+$0xFFFFFFD0] =	vst v21;
	v10 =	vadd.f32 v15, v17;
	p1 =	sne.s32 s22, $0x10  }
.Ltmp11:
0x190: {  	[tilespmem:s23+$0xFFFFFFE0] =	vst v9;
	v9 =	vadd.f32 v14, v18;
	(pc) =	sbr.rel @p1 .LBB2_6-.Ltmp11, $4  }
0x191: {  	[tilespmem:s23+$0xFFFFFFF0] =	vst v10;
	v10 =	vadd.f32 v11, v19  }
0x192: {  	[tilespmem:s23+$0x0] =	vst v9;
	v9 =	vadd.f32 v12, v20  }
0x193: {  	[tilespmem:s23+$0x10] =	vst v10  }
0x194: {  	s21 =	sadd.s32 $0x400, s21;
	s20 =	sadd.s32 $0x1, s20;
	[tilespmem:s23+$0x20] =	vst v9  }
.LBB2_18:
0x195: {  	s0 =	sshll.u32 s17, $0xC  }
0x196: {  	s3 =	simm.s32 $0x12000;
	p1 =	seq.s32 s17, $0x7;
	s0 =	sadd.s32 s0, s14  }
0x197: {  	[hbm4b:s0+s5] =	stream.linear.scatter [tilespmem:s3], [sflag:$0x5], $0x4000, $0x38;
	[tilespmem:$0x1B400] =	vst v63  }
0x198: {  	v8 =	vld @!p1 [tilespmem:s19+$0x100];
	_ =	sdelay $0x4  }
0x199: {  	v9 =	vshll.u32 @!p1 v8, $0x3  }
0x19a: {  	v10 =	vlaneseq.u32 @!p1;
	v8 =	vand.u32 @!p1 $0x7, v8;
	v9 =	vand.u32 @!p1 $0xFFFFFFC0, v9  }
0x19b: {  	v11 =	vshrl.u32 @!p1 v10, $0x3;
	v8 =	vor.u32 @!p1 v8, v9;
	v9 =	vand.u32 @!p1 $0x7, v10  }
0x19c: {  	v11 =	vmul.u32 @!p1 $0x8, v11;
	v12 =	vperm.xlane @!p1 v8, v9;
	_ =	sdelay $0x1  }
0x19d: {  	v12 =	vadd.s32 @!p1 v11, v12;
	_ =	sdelay $0x3  }
0x19e: {  	vm1 =	vmmov @!p1 $0xffff;
	s0 =	simm.s32 @!p1 $0x0;
	s3 =	simm.s32 @!p1 $0x2000  }
0x19f: {  	v10 =	vor.u32 @!p1 $0x8, v10;
	[tilespmem:s3], [sflag:$0x1] =	stream.indirect_vreg.gather @!p1 [hbm4b:s2+s0], $0x80, v12, vm1, $0xb8;
	[tilespmem:$0x1B400] =	vst v63  }
0x1a0: {  	v8 =	vperm.xlane @!p1 v8, v10;
	s3 =	simm.s32 @!p1 $0x2800  }
0x1a1: {  	[tilespmem:s3], [sflag:$0x1] =	stream.indirect_vreg.gather @!p1 [hbm4b:s8+s0], $0x80, v12, vm1, $0xb8;
	[tilespmem:$0x1B400] =	vst v63  }
0x1a2: {  	v8 =	vadd.s32 @!p1 v11, v8;
	s3 =	simm.s32 @!p1 $0x3000  }
0x1a3: {  	[tilespmem:s3], [sflag:$0x1] =	stream.indirect_vreg.gather @!p1 [hbm4b:s9+s0], $0x80, v12, vm1, $0xb8;
	[tilespmem:$0x1B400] =	vst v63  }
0x1a4: {  	s3 =	simm.s32 @!p1 $0x3800  }
0x1a5: {  	[tilespmem:s3], [sflag:$0x1] =	stream.indirect_vreg.gather @!p1 [hbm4b:s10+s0], $0x80, v12, vm1, $0xb8;
	[tilespmem:$0x1B400] =	vst v63  }
0x1a6: {  	s3 =	simm.s32 @!p1 $0x4000  }
0x1a7: {  	[tilespmem:s3], [sflag:$0x1] =	stream.indirect_vreg.gather @!p1 [hbm4b:s2+s0], $0x80, v8, vm1, $0xb8;
	[tilespmem:$0x1B400] =	vst v63  }
0x1a8: {  	s3 =	simm.s32 @!p1 $0x4800  }
0x1a9: {  	[tilespmem:s3], [sflag:$0x1] =	stream.indirect_vreg.gather @!p1 [hbm4b:s8+s0], $0x80, v8, vm1, $0xb8;
	[tilespmem:$0x1B400] =	vst v63  }
0x1aa: {  	s3 =	simm.s32 @!p1 $0x5000  }
0x1ab: {  	[tilespmem:s3], [sflag:$0x1] =	stream.indirect_vreg.gather @!p1 [hbm4b:s9+s0], $0x80, v8, vm1, $0xb8;
	[tilespmem:$0x1B400] =	vst v63  }
0x1ac: {  	s3 =	simm.s32 @!p1 $0x5800  }
0x1ad: {  	[tilespmem:s3], [sflag:$0x1] =	stream.indirect_vreg.gather @!p1 [hbm4b:s10+s0], $0x80, v8, vm1, $0xb8;
	[tilespmem:$0x1B400] =	vst v63  }
0x1ae: {  	v8 =	vld @!p1 [tilespmem:s19+$0x900];
	_ =	sdelay $0x4  }
0x1af: {  	v12 =	vshll.u32 @!p1 v8, $0x3  }
0x1b0: {  	v8 =	vand.u32 @!p1 $0x7, v8;
	v12 =	vand.u32 @!p1 $0xFFFFFFC0, v12  }
0x1b1: {  	v8 =	vor.u32 @!p1 v8, v12  }
0x1b2: {  	v9 =	vperm.xlane @!p1 v8, v9;
	_ =	sdelay $0x1  }
0x1b3: {  	v9 =	vadd.s32 @!p1 v11, v9;
	_ =	sdelay $0x3  }
0x1b4: {  	s3 =	simm.s32 @!p1 $0xA000  }
0x1b5: {  	[tilespmem:s3], [sflag:$0x3] =	stream.indirect_vreg.gather @!p1 [hbm4b:s6+s0], $0x80, v9, vm1, $0xb8;
	[tilespmem:$0x1B400] =	vst v63  }
0x1b6: {  	v8 =	vperm.xlane @!p1 v8, v10;
	s3 =	simm.s32 @!p1 $0xA800  }
0x1b7: {  	[tilespmem:s3], [sflag:$0x3] =	stream.indirect_vreg.gather @!p1 [hbm4b:s11+s0], $0x80, v9, vm1, $0xb8;
	[tilespmem:$0x1B400] =	vst v63  }
0x1b8: {  	v8 =	vadd.s32 @!p1 v11, v8;
	s3 =	simm.s32 @!p1 $0xB000  }
0x1b9: {  	[tilespmem:s3], [sflag:$0x3] =	stream.indirect_vreg.gather @!p1 [hbm4b:s12+s0], $0x80, v9, vm1, $0xb8;
	[tilespmem:$0x1B400] =	vst v63  }
0x1ba: {  	s3 =	simm.s32 @!p1 $0xB800  }
0x1bb: {  	[tilespmem:s3], [sflag:$0x3] =	stream.indirect_vreg.gather @!p1 [hbm4b:s13+s0], $0x80, v9, vm1, $0xb8;
	[tilespmem:$0x1B400] =	vst v63  }
0x1bc: {  	s3 =	simm.s32 @!p1 $0xC000  }
0x1bd: {  	[tilespmem:s3], [sflag:$0x3] =	stream.indirect_vreg.gather @!p1 [hbm4b:s6+s0], $0x80, v8, vm1, $0xb8;
	[tilespmem:$0x1B400] =	vst v63  }
0x1be: {  	s3 =	simm.s32 @!p1 $0xC800  }
0x1bf: {  	[tilespmem:s3], [sflag:$0x3] =	stream.indirect_vreg.gather @!p1 [hbm4b:s11+s0], $0x80, v8, vm1, $0xb8;
	[tilespmem:$0x1B400] =	vst v63  }
0x1c0: {  	s3 =	simm.s32 @!p1 $0xD000  }
0x1c1: {  	[tilespmem:s3], [sflag:$0x3] =	stream.indirect_vreg.gather @!p1 [hbm4b:s12+s0], $0x80, v8, vm1, $0xb8;
	[tilespmem:$0x1B400] =	vst v63  }
0x1c2: {  	s3 =	simm.s32 @!p1 $0xD800  }
0x1c3: {  	[tilespmem:s3], [sflag:$0x3] =	stream.indirect_vreg.gather @!p1 [hbm4b:s13+s0], $0x80, v8, vm1, $0xb8;
	[tilespmem:$0x1B400] =	vst v63  }
0x1c4: {  	_ =	swait.ge [sflag:s18], $0x4000  }
0x1c5: {  	[sflag:s18] =	ssyncset.done $0x0  }
0x1c6: {  	[sflag:s18] =	ssyncadd.s32 $0xFFFFC000  }
0x1c7: {  	_ =	swait.ge [sflag:s24], $0x4000  }
0x1c8: {  	[sflag:s24] =	ssyncset.done $0x0  }
0x1c9: {  	s30 =	sshll.u32 s17, $0x1;
	s3 =	simm.s32 @!p0 $0x6;
	[sflag:s24] =	ssyncadd.s32 $0xFFFFC000  }
0x1ca: {  	s20 =	sor.u32 $0x1, s30;
	_ =	swait.ge @!p0 [sflag:s3], $0x4000  }
0x1cb: {  	s0 =	sshll.u32 s20, $0x7;
	[sflag:s3] =	ssyncset.done @!p0 $0x0  }
0x1cc: {  	s0 =	sand.u32 $0x3FFFFF80, s0;
	[sflag:s3] =	ssyncadd.s32 @!p0 $0xFFFFC000  }
0x1cd: {  	v8 =	vld [tilespmem:s0+$0x1800];
	_ =	sdelay $0x4  }
0x1ce: {  	(v2sf) =	vpush v8, $0x0;
	_ =	sdelay $0xe  }
0x1cf: {  	s31 =	spop (v2sf)  }
0x1d0: {  	p0 =	seq.s32 s31, $0x0  }
.Ltmp12:
0x1d1: {  	_ = 	snop;
	(pc) =	sbr.rel @p0 .LBB2_19-.Ltmp12, $2  }
0x1d2: {  	_ =	sdelay $0x2  }
0x1d3: {  	s21 =	simm.s32 $0x0;
	s22 =	simm.s32 $0x0;
	v9 =	vimm.f32 $0.0e+00;
	v10 =	vld [tilespmem:s0+$0x1000];
	v8 =	vimm.f32 $0.0e+00  }
.LBB2_25:
0x1d4: {  	s0 =	sshll.u32 s22, $0xA;
	s3 =	sshll.u32 s22, $0x7  }
0x1d5: {  	s0 =	sand.u32 $0x2000, s0;
	s3 =	sand.u32 $0x380, s3  }
0x1d6: {  	s31 =	sand.u32 $0x1C00, s21;
	s0 =	sor.u32 s3, s0  }
0x1d7: {  	s4 =	sand.u32 $0x70, s21;
	s3 =	sor.u32 s31, s0  }
0x1d8: {  	s4 =	sor.u32 s4, s3  }
0x1d9: {  	v12 =	vld [tilespmem:s4+$0xE000]  }
0x1da: {  	v13 =	vld [tilespmem:s4+$0x6000];
	_ =	sdelay $0x2  }
0x1db: {  	s25 =	simm.s32 $0x20;
	s23 =	simm.s32 $0x80;
	v10 =	vimm.f32 $0.0e+00;
	v11 =	vimm.f32 $0.0e+00;
	s3 =	simm.s32 $0x10  }
.LBB2_26:
0x1dc: {  	p0 =	sne.s32 s25, $0x3F0;
	s7 =	sand.u32 $0x1C00, s23  }
0x1dd: {  	s16 =	sand.u32 $0x70, s3;
	s3 =	smov.u32 s25;
	s7 =	sor.u32 s7, s0;
	v13 =	vadd.f32 v12, v13  }
0x1de: {  	s7 =	sor.u32 s16, s7  }
.Ltmp13:
0x1df: {  	v12 =	vld [tilespmem:s7+$0xE000];
	[tilespmem:s4+$0x6000] =	vst v13;
	v10 =	vadd.f32 v13, v10;
	v14 =	vmul.f32 v13, v13;
	s4 =	smov.u32 s7;
	(pc) =	sbr.rel @p0 .LBB2_26-.Ltmp13, $3  }
0x1e0: {  	v13 =	vld [tilespmem:s4+$0x6000]  }
0x1e1: {  	v11 =	vadd.f32 v14, v11;
	_ =	sdelay $0x1  }
0x1e2: {  	s25 =	sadd.s32 $0x10, s25;
	s23 =	sadd.s32 $0x80, s23  }
0x1e3: {  	s7 =	sand.u32 $0x1C00, s23  }
0x1e4: {  	s3 =	sand.u32 $0x70, s3;
	s0 =	sor.u32 s7, s0;
	v12 =	vadd.f32 v12, v13  }
0x1e5: {  	s0 =	sor.u32 s3, s0  }
0x1e6: {  	v57 =	vld [tilespmem:s0+$0xE000];
	[tilespmem:s4+$0x6000] =	vst v12  }
0x1e7: {  	v14 =	vld [tilespmem:s0+$0x6000];
	_ =	sdelay $0x4  }
0x1e8: {  	v15 =	vmul.f32 v12, v12;
	v13 =	vadd.f32 v57, v14;
	_ =	sdelay $0x1  }
0x1e9: {  	v10 =	vadd.f32 v12, v10;
	v11 =	vadd.f32 v15, v11;
	v58 =	vmul.f32 v13, v13;
	_ =	sdelay $0x1  }
0x1ea: {  	v10 =	vadd.f32 v13, v10;
	v11 =	vadd.f32 v58, v11;
	_ =	sdelay $0x1  }
0x1eb: {  	v59 =	vperm.xlane v10, v0;
	v60 =	vperm.xlane v11, v0;
	_ =	sdelay $0x1  }
0x1ec: {  	v10 =	vadd.f32 v59, v10;
	v11 =	vadd.f32 v60, v11;
	_ =	sdelay $0x1  }
0x1ed: {  	v12 =	vperm.xlane v10, v4;
	v14 =	vperm.xlane v11, v4;
	_ =	sdelay $0x1  }
0x1ee: {  	s31 =	scvt.s32.f32 s22;
	v10 =	vadd.f32 v12, v10;
	v11 =	vadd.f32 v14, v11;
	_ =	sdelay $0x1  }
0x1ef: {  	v61 =	vmov s31;
	v62 =	vperm.xlane v10, v5;
	v63 =	vperm.xlane v11, v5  }
0x1f0: {  	v12 =	vsub.f32 v7, v61  }
0x1f1: {  	v10 =	vadd.f32 v62, v10;
	v11 =	vadd.f32 v63, v11;
	_ =	sdelay $0x1  }
0x1f2: {  	s22 =	sadd.s32 $0x1, s22;
	v12 =	vand.u32 $0x7FFFFFFF, v12;
	v14 =	vperm.xlane v10, v6;
	v15 =	vperm.xlane v11, v6  }
0x1f3: {  	p0 =	sne.s32 s22, $0x10;
	v12 =	vsub.f32 $1.000000000e+00, v12  }
.Ltmp14:
0x1f4: {  	v10 =	vadd.f32 v14, v10;
	v11 =	vadd.f32 v15, v11;
	(pc) =	sbr.rel @p0 .LBB2_25-.Ltmp14, $3  }
0x1f5: {  	v12 =	vmax.f32 v12, $0.0e+00  }
0x1f6: {  	v10 =	vmul.f32 v10, v12;
	v11 =	vmul.f32 v11, v12;
	_ =	sdelay $0x1  }
0x1f7: {  	[tilespmem:s0+$0x6000] =	vst v13;
	v9 =	vadd.f32 v10, v9;
	v8 =	vadd.f32 v11, v8  }
0x1f8: {  	_ = 	snop  }
0x1f9: {  	v9 =	vmul.f32 $9.765625000e-04, v9;
	_ =	sdelay $0x1  }
0x1fa: {  	v8 =	vmul.f32 $9.765625000e-04, v8;
	v10 =	vmul.f32 v9, v9;
	_ =	sdelay $0x1  }
0x1fb: {  	v8 =	vsub.f32 v8, v10;
	_ =	sdelay $0x1  }
0x1fc: {  	v8 =	vadd.f32 $9.999999960e-13, v8;
	_ =	sdelay $0x1  }
0x1fd: {  	v10 =	vshrl.u32 v8, $0x1;
	v8 =	vmul.f32 $5.000000000e-01, v8  }
0x1fe: {  	v10 =	vsub.s32 $0x5F3759DF, v10  }
0x1ff: {  	v11 =	vmul.f32 v10, v8;
	_ =	sdelay $0x1  }
0x200: {  	v11 =	vmul.f32 v10, v11;
	_ =	sdelay $0x1  }
0x201: {  	v11 =	vsub.f32 $1.500000000e+00, v11;
	_ =	sdelay $0x1  }
0x202: {  	v10 =	vmul.f32 v10, v11;
	_ =	sdelay $0x1  }
0x203: {  	v11 =	vmul.f32 v10, v8;
	_ =	sdelay $0x1  }
0x204: {  	v11 =	vmul.f32 v11, v10;
	_ =	sdelay $0x1  }
0x205: {  	v11 =	vsub.f32 $1.500000000e+00, v11;
	_ =	sdelay $0x1  }
0x206: {  	v10 =	vmul.f32 v11, v10;
	_ =	sdelay $0x1  }
0x207: {  	v11 =	vmul.f32 v10, v8;
	_ =	sdelay $0x1  }
0x208: {  	v11 =	vmul.f32 v11, v10;
	_ =	sdelay $0x1  }
0x209: {  	v11 =	vsub.f32 $1.500000000e+00, v11;
	_ =	sdelay $0x1  }
0x20a: {  	v10 =	vmul.f32 v11, v10;
	_ =	sdelay $0x1  }
0x20b: {  	v8 =	vmul.f32 v10, v8;
	_ =	sdelay $0x1  }
0x20c: {  	v8 =	vmul.f32 v8, v10;
	_ =	sdelay $0x1  }
0x20d: {  	v8 =	vsub.f32 $1.500000000e+00, v8;
	_ =	sdelay $0x1  }
0x20e: {  	v8 =	vmul.f32 v8, v10;
	_ =	sdelay $0x1  }
0x20f: {  	s21 =	simm.s32 $0x0;
	s22 =	simm.s32 $0x0;
	s23 =	simm.s32 $0x0;
	v9 =	vmul.f32 v8, v9  }
.LBB2_29:
0x210: {  	s0 =	sand.u32 $0x7, s22  }
0x211: {  	s0 =	sshll.u32 s0, $0x9  }
0x212: {  	s0 =	sshrl.u32 s0, $0x2  }
0x213: {  	v10 =	vmov s0;
	_ =	sdelay $0x2  }
0x214: {  	s31 =	sand.u32 $0x3FFFE000, s21  }
0x215: {  	s3 =	sadd.s32 $0x2000, s31  }
0x216: {  	v11 =	vmov s23;
	v13 =	vld.idx.msk [tilespmem:v10+s3+$0x4070 ss:$0x1], $0xffff  }
0x217: {  	v11 =	vand.u32 $0xF, v11;
	v14 =	vld.idx.msk [tilespmem:v10+s3+$0x4010 ss:$0x1], $0xffff  }
0x218: {  	v11 =	vbroadcast v11, $0x0;
	v15 =	vld.idx.msk [tilespmem:v10+s3+$0x4020 ss:$0x1], $0xffff  }
0x219: {  	v16 =	vld.idx.msk [tilespmem:v10+s3+$0x4030 ss:$0x1], $0xffff  }
0x21a: {  	v12 =	vperm.xlane v8, v11;
	v18 =	vld.idx.msk [tilespmem:v10+s3+$0x4040 ss:$0x1], $0xffff  }
0x21b: {  	v19 =	vld.idx.msk [tilespmem:v10+s3+$0x4050 ss:$0x1], $0xffff  }
0x21c: {  	v11 =	vperm.xlane v9, v11;
	v20 =	vld.idx.msk [tilespmem:v10+s3+$0x4060 ss:$0x1], $0xffff;
	v13 =	vmul.f32 v13, v12  }
0x21d: {  	v21 =	vld.idx.msk [tilespmem:v10+s3+$0x4000 ss:$0x1], $0xffff;
	s3 =	sadd.s32 $0x400, s3;
	v14 =	vmul.f32 v14, v12  }
0x21e: {  	v22 =	vld.idx.msk [tilespmem:v10+s3+$0x4070 ss:$0x1], $0xffff;
	v15 =	vmul.f32 v15, v12;
	v13 =	vsub.f32 v13, v11  }
0x21f: {  	s25 =	sadd.s32 $0x12000, s31;
	v23 =	vld.idx.msk [tilespmem:v10+s3+$0x4010 ss:$0x1], $0xffff;
	v24 =	vmul.f32 v16, v12;
	v14 =	vsub.f32 v14, v11  }
0x220: {  	v17 =	vld.idx.msk [tilespmem:v10+s3+$0x4020 ss:$0x1], $0xffff;
	v18 =	vmul.f32 v18, v12;
	v15 =	vsub.f32 v15, v11;
	[tilespmem:v10+s25+$0x4070 ss:$0x1] =	vst.idx.msk $0xffff, v13  }
0x221: {  	v16 =	vld.idx.msk [tilespmem:v10+s3+$0x4030 ss:$0x1], $0xffff;
	v19 =	vmul.f32 v19, v12;
	v24 =	vsub.f32 v24, v11;
	[tilespmem:v10+s25+$0x4010 ss:$0x1] =	vst.idx.msk $0xffff, v14  }
0x222: {  	v20 =	vmul.f32 v20, v12;
	v18 =	vsub.f32 v18, v11;
	v14 =	vld.idx.msk [tilespmem:v10+s3+$0x4040 ss:$0x1], $0xffff;
	[tilespmem:v10+s25+$0x4020 ss:$0x1] =	vst.idx.msk $0xffff, v15  }
0x223: {  	v25 =	vmul.f32 v21, v12;
	v63 =	vsub.f32 v19, v11;
	v13 =	vld.idx.msk [tilespmem:v10+s3+$0x4050 ss:$0x1], $0xffff;
	[tilespmem:v10+s25+$0x4030 ss:$0x1] =	vst.idx.msk $0xffff, v24  }
0x224: {  	v19 =	vmul.f32 v22, v12;
	v20 =	vsub.f32 v20, v11;
	v15 =	vld.idx.msk [tilespmem:v10+s3+$0x4060 ss:$0x1], $0xffff;
	[tilespmem:v10+s25+$0x4040 ss:$0x1] =	vst.idx.msk $0xffff, v18  }
0x225: {  	s0 =	simm.s32 $0x8;
	s26 =	sadd.s32 $0x400, s3;
	v21 =	vmul.f32 v23, v12;
	v22 =	vsub.f32 v25, v11;
	v18 =	vld.idx.msk [tilespmem:v10+s3+$0x4000 ss:$0x1], $0xffff;
	[tilespmem:v10+s25+$0x4050 ss:$0x1] =	vst.idx.msk $0xffff, v63  }
.LBB2_30:
0x226: {  	v23 =	vld.idx.msk [tilespmem:v10+s26+$0x4070 ss:$0x1], $0xffff;
	s0 =	sadd.s32 $0x8, s0;
	v24 =	vmul.f32 v17, v12;
	v19 =	vsub.f32 v19, v11;
	[tilespmem:v10+s25+$0x4060 ss:$0x1] =	vst.idx.msk $0xffff, v20  }
0x227: {  	v25 =	vld.idx.msk [tilespmem:v10+s26+$0x4010 ss:$0x1], $0xffff;
	p0 =	slt.u32 s0, $0x38;
	v20 =	vsub.f32 v21, v11;
	v21 =	vmul.f32 v16, v12;
	[tilespmem:v10+s25+$0x4000 ss:$0x1] =	vst.idx.msk $0xffff, v22;
	s25 =	sadd.s32 $0x400, s25  }
0x228: {  	v17 =	vld.idx.msk [tilespmem:v10+s26+$0x4020 ss:$0x1], $0xffff;
	v22 =	vsub.f32 v24, v11;
	v24 =	vmul.f32 v14, v12;
	[tilespmem:v10+s25+$0x4070 ss:$0x1] =	vst.idx.msk $0xffff, v19  }
.Ltmp15:
0x229: {  	v16 =	vld.idx.msk [tilespmem:v10+s26+$0x4030 ss:$0x1], $0xffff;
	[tilespmem:v10+s25+$0x4010 ss:$0x1] =	vst.idx.msk $0xffff, v20;
	v19 =	vsub.f32 v21, v11;
	v20 =	vmul.f32 v13, v12;
	(pc) =	sbr.rel @p0 .LBB2_30-.Ltmp15, $4  }
0x22a: {  	v14 =	vld.idx.msk [tilespmem:v10+s26+$0x4040 ss:$0x1], $0xffff;
	[tilespmem:v10+s25+$0x4020 ss:$0x1] =	vst.idx.msk $0xffff, v22;
	v21 =	vsub.f32 v24, v11;
	v22 =	vmul.f32 v15, v12  }
0x22b: {  	v24 =	vmul.f32 v18, v12;
	v13 =	vld.idx.msk [tilespmem:v10+s26+$0x4050 ss:$0x1], $0xffff;
	[tilespmem:v10+s25+$0x4030 ss:$0x1] =	vst.idx.msk $0xffff, v19;
	v26 =	vsub.f32 v20, v11  }
0x22c: {  	v19 =	vmul.f32 v23, v12;
	v15 =	vld.idx.msk [tilespmem:v10+s26+$0x4060 ss:$0x1], $0xffff;
	[tilespmem:v10+s25+$0x4040 ss:$0x1] =	vst.idx.msk $0xffff, v21;
	v20 =	vsub.f32 v22, v11  }
0x22d: {  	v21 =	vmul.f32 v25, v12;
	v22 =	vsub.f32 v24, v11;
	v18 =	vld.idx.msk [tilespmem:v10+s26+$0x4000 ss:$0x1], $0xffff;
	s26 =	sadd.s32 $0x400, s26;
	[tilespmem:v10+s25+$0x4050 ss:$0x1] =	vst.idx.msk $0xffff, v26  }
0x22e: {  	_ =	sdelay $0x3  }
0x22f: {  	v17 =	vmul.f32 v17, v12;
	v19 =	vsub.f32 v19, v11;
	[tilespmem:v10+s25+$0x4060 ss:$0x1] =	vst.idx.msk $0xffff, v20  }
0x230: {  	v16 =	vmul.f32 v16, v12;
	s0 =	sadd.s32 $0x400, s25;
	v61 =	vsub.f32 v21, v11;
	[tilespmem:v10+s25+$0x4000 ss:$0x1] =	vst.idx.msk $0xffff, v22  }
0x231: {  	v14 =	vmul.f32 v14, v12;
	v17 =	vsub.f32 v17, v11;
	[tilespmem:v10+s0+$0x4070 ss:$0x1] =	vst.idx.msk $0xffff, v19  }
0x232: {  	s23 =	sadd.s32 $0x1, s23;
	v16 =	vsub.f32 v16, v11;
	v13 =	vmul.f32 v13, v12;
	[tilespmem:v10+s0+$0x4010 ss:$0x1] =	vst.idx.msk $0xffff, v61  }
0x233: {  	p0 =	seq.s32 s23, $0x10;
	v14 =	vsub.f32 v14, v11;
	v15 =	vmul.f32 v15, v12;
	[tilespmem:v10+s0+$0x4020 ss:$0x1] =	vst.idx.msk $0xffff, v17  }
.Ltmp16:
0x234: {  	v62 =	vmul.f32 v18, v12;
	[tilespmem:v10+s0+$0x4030 ss:$0x1] =	vst.idx.msk $0xffff, v16;
	v13 =	vsub.f32 v13, v11;
	(pc) =	sbr.rel @!p0 .LBB2_29-.Ltmp16, $4  }
.Ltmp17:
0x235: {  	[tilespmem:v10+s0+$0x4040 ss:$0x1] =	vst.idx.msk $0xffff, v14;
	v63 =	vsub.f32 v15, v11;
	(pc) =	sbr.rel @p0 .LBB2_32-.Ltmp17, $4  }
0x236: {  	v11 =	vsub.f32 v62, v11;
	[tilespmem:v10+s0+$0x4050 ss:$0x1] =	vst.idx.msk $0xffff, v13  }
0x237: {  	[tilespmem:v10+s0+$0x4060 ss:$0x1] =	vst.idx.msk $0xffff, v63  }
0x238: {  	s22 =	sadd.s32 $0x1, s22;
	s21 =	sadd.s32 $0x400, s21;
	[tilespmem:v10+s0+$0x4000 ss:$0x1] =	vst.idx.msk $0xffff, v11  }
0x239: {  	_ = 	snop  }
.LBB2_19:
0x23a: {  	_ =	sdelay $0x3  }
0x23b: {  	s22 =	simm.s32 $0x0;
	s23 =	simm.s32 $0x0;
	s25 =	simm.s32 $0x0;
	v8 =	vcvt.s32.f32 v10  }
.LBB2_20:
0x23c: {  	s0 =	sshll.u32 s25, $0xA;
	s3 =	sshll.u32 s25, $0x7  }
0x23d: {  	s0 =	sand.u32 $0x2000, s0;
	s3 =	sand.u32 $0x380, s3  }
0x23e: {  	s26 =	sand.u32 $0x70, s21;
	s4 =	sand.u32 $0x1C00, s21;
	s0 =	sor.u32 s3, s0  }
0x23f: {  	s31 =	simm.s32 $0x1B000;
	s3 =	sor.u32 s26, s4;
	s30 =	sor.u32 $0x4000, s0  }
0x240: {  	v13 =	vld [tilespmem:s31+$0x0];
	s0 =	sor.u32 s30, s3  }
0x241: {  	v11 =	vld [tilespmem:s0+$0xA000]  }
0x242: {  	v12 =	vld [tilespmem:s0+$0x2000];
	_ =	sdelay $0x1  }
0x243: {  	v9 =	vmov s25  }
0x244: {  	s7 =	sand.u32 $0x3FFFE000, s22;
	v9 =	vperm.xlane v8, v9  }
0x245: {  	s16 =	simm.s32 $0x10;
	s28 =	sadd.s32 $0x2000, s7;
	s4 =	sand.u32 $0x7, s23  }
0x246: {  	s26 =	sadd.s32 $0x12000, s7;
	s29 =	sshll.u32 s4, $0x9;
	s4 =	simm.s32 $0x80;
	v13 =	vmul.f32 v13, v9;
	v12 =	vadd.f32 v11, v12  }
0x247: {  	v10 =	vimm.f32 $0.0e+00;
	s7 =	sand.u32 $0x70, s16;
	s16 =	sand.u32 $0x1C00, s4;
	s3 =	simm.s32 $0x20;
	v11 =	vimm.f32 $0.0e+00  }
.LBB2_21:
0x248: {  	p0 =	sne.s32 s3, $0x3F0;
	s7 =	sor.u32 s7, s16;
	v12 =	vadd.f32 v13, v12  }
0x249: {  	s7 =	sor.u32 s30, s7  }
0x24a: {  	v13 =	vld [tilespmem:s7+$0xA000];
	[tilespmem:s0+$0x2000] =	vst v12;
	v10 =	vadd.f32 v12, v10;
	v12 =	vmul.f32 v12, v12;
	s0 =	smov.u32 s7  }
0x24b: {  	s31 =	sadd.s32 $0x10, s31;
	v14 =	vld [tilespmem:s0+$0x2000]  }
0x24c: {  	v15 =	vld [tilespmem:s31+$0x0];
	v11 =	vadd.f32 v12, v11;
	_ =	sdelay $0x1  }
.Ltmp18:
0x24d: {  	(pc) =	sbr.rel @p0 .LBB2_21-.Ltmp18, $3  }
0x24e: {  	_ =	sdelay $0x1  }
0x24f: {  	s4 =	sadd.s32 $0x80, s4;
	v12 =	vadd.f32 v13, v14;
	v13 =	vmul.f32 v15, v9  }
0x250: {  	s16 =	sand.u32 $0x1C00, s4;
	s7 =	sand.u32 $0x70, s3;
	s3 =	sadd.s32 $0x10, s3  }
0x251: {  	s3 =	sor.u32 s7, s16;
	v12 =	vadd.f32 v13, v12  }
0x252: {  	s3 =	sor.u32 s30, s3  }
0x253: {  	v13 =	vld [tilespmem:s3+$0xA000];
	[tilespmem:s0+$0x2000] =	vst v12  }
0x254: {  	s16 =	sadd.s32 $0x10, s31;
	v14 =	vld [tilespmem:s3+$0x2000]  }
0x255: {  	v15 =	vld [tilespmem:s16+$0x0];
	_ =	sdelay $0x4  }
0x256: {  	v13 =	vadd.f32 v13, v14;
	v9 =	vmul.f32 v15, v9;
	_ =	sdelay $0x1  }
0x257: {  	v10 =	vadd.f32 v12, v10;
	v12 =	vmul.f32 v12, v12;
	v13 =	vadd.f32 v9, v13;
	_ =	sdelay $0x1  }
0x258: {  	v9 =	vadd.f32 v12, v11;
	v10 =	vadd.f32 v13, v10;
	v11 =	vmul.f32 v13, v13;
	_ =	sdelay $0x1  }
0x259: {  	v9 =	vadd.f32 v11, v9;
	v11 =	vperm.xlane v10, v0;
	_ =	sdelay $0x1  }
0x25a: {  	v10 =	vadd.f32 v11, v10;
	v11 =	vperm.xlane v9, v0;
	_ =	sdelay $0x1  }
0x25b: {  	v12 =	vperm.xlane v10, v4;
	v9 =	vadd.f32 v11, v9;
	_ =	sdelay $0x1  }
0x25c: {  	v10 =	vadd.f32 v12, v10;
	v11 =	vperm.xlane v9, v4;
	_ =	sdelay $0x1  }
0x25d: {  	v12 =	vperm.xlane v10, v5;
	v9 =	vadd.f32 v11, v9;
	_ =	sdelay $0x1  }
0x25e: {  	v10 =	vadd.f32 v12, v10;
	v11 =	vperm.xlane v9, v5;
	_ =	sdelay $0x1  }
0x25f: {  	v12 =	vperm.xlane v10, v6;
	v9 =	vadd.f32 v11, v9;
	_ =	sdelay $0x1  }
0x260: {  	v10 =	vadd.f32 v12, v10;
	v11 =	vperm.xlane v9, v6;
	_ =	sdelay $0x1  }
0x261: {  	v12 =	vmul.f32 $9.765625000e-04, v10;
	v9 =	vadd.f32 v11, v9;
	_ =	sdelay $0x1  }
0x262: {  	v9 =	vmul.f32 $9.765625000e-04, v9;
	v10 =	vmul.f32 v12, v12;
	_ =	sdelay $0x1  }
0x263: {  	v9 =	vsub.f32 v9, v10;
	_ =	sdelay $0x1  }
0x264: {  	v9 =	vadd.f32 $9.999999960e-13, v9;
	_ =	sdelay $0x1  }
0x265: {  	v10 =	vshrl.u32 v9, $0x1;
	v11 =	vmul.f32 $5.000000000e-01, v9  }
0x266: {  	v9 =	vsub.s32 $0x5F3759DF, v10  }
0x267: {  	v10 =	vmul.f32 v9, v11;
	_ =	sdelay $0x1  }
0x268: {  	v10 =	vmul.f32 v9, v10;
	_ =	sdelay $0x1  }
0x269: {  	v10 =	vsub.f32 $1.500000000e+00, v10;
	_ =	sdelay $0x1  }
0x26a: {  	v9 =	vmul.f32 v9, v10;
	_ =	sdelay $0x1  }
0x26b: {  	v10 =	vmul.f32 v9, v11;
	_ =	sdelay $0x1  }
0x26c: {  	v10 =	vmul.f32 v10, v9;
	_ =	sdelay $0x1  }
0x26d: {  	v10 =	vsub.f32 $1.500000000e+00, v10;
	_ =	sdelay $0x1  }
0x26e: {  	v10 =	vmul.f32 v10, v9;
	_ =	sdelay $0x1  }
0x26f: {  	v14 =	vmul.f32 v10, v11;
	_ =	sdelay $0x1  }
0x270: {  	v14 =	vmul.f32 v14, v10;
	_ =	sdelay $0x1  }
0x271: {  	s31 =	sshrl.u32 s29, $0x2;
	s29 =	simm.s32 $0x1A880;
	[tilespmem:s3+$0x2000] =	vst v13;
	v13 =	vsub.f32 $1.500000000e+00, v14  }
0x272: {  	v18 =	vld [tilespmem:s29+$0xFFFFFFF0];
	v9 =	vmov s31  }
0x273: {  	v20 =	vld [tilespmem:s29+$0x70];
	v10 =	vmul.f32 v13, v10  }
0x274: {  	v23 =	vld [tilespmem:s29+$0xFFFFFF80]  }
0x275: {  	v24 =	vld [tilespmem:s29+$0xFFFFFF90];
	v11 =	vmul.f32 v10, v11  }
0x276: {  	v25 =	vld [tilespmem:s29+$0xFFFFFFB0]  }
0x277: {  	v15 =	vld.idx.msk [tilespmem:v9+s28+$0x4010 ss:$0x1], $0xffff;
	v11 =	vmul.f32 v11, v10  }
0x278: {  	v14 =	vld.idx.msk [tilespmem:v9+s28+$0x4070 ss:$0x1], $0xffff  }
0x279: {  	v16 =	vld.idx.msk [tilespmem:v9+s28+$0x4030 ss:$0x1], $0xffff;
	v11 =	vsub.f32 $1.500000000e+00, v11  }
0x27a: {  	v17 =	vld.idx.msk [tilespmem:v9+s28+$0x4040 ss:$0x1], $0xffff  }
0x27b: {  	v13 =	vld.idx.msk [tilespmem:v9+s28+$0x4020 ss:$0x1], $0xffff;
	v10 =	vmul.f32 v11, v10  }
0x27c: {  	v19 =	vld.idx.msk [tilespmem:v9+s28+$0x4050 ss:$0x1], $0xffff  }
0x27d: {  	v22 =	vld.idx.msk [tilespmem:v9+s28+$0x4000 ss:$0x1], $0xffff;
	v11 =	vmul.f32 v10, v12;
	v12 =	vmul.f32 v14, v10  }
0x27e: {  	v21 =	vld.idx.msk [tilespmem:v9+s28+$0x4060 ss:$0x1], $0xffff  }
0x27f: {  	v26 =	vld [tilespmem:s29+$0xFFFFFFC0];
	v15 =	vmul.f32 v15, v10;
	v12 =	vsub.f32 v12, v11  }
0x280: {  	v14 =	vld [tilespmem:s29+$0xFFFFFFA0];
	v13 =	vmul.f32 v13, v10;
	v16 =	vmul.f32 v16, v10  }
0x281: {  	v27 =	vld [tilespmem:s29+$0xFFFFFFD0];
	v19 =	vmul.f32 v19, v10;
	v12 =	vmul.f32 v12, v18  }
0x282: {  	v28 =	vld [tilespmem:s29+$0xFFFFFFE0];
	v15 =	vsub.f32 v15, v11;
	v18 =	vmul.f32 v17, v10;
	v17 =	vmul.f32 v22, v10  }
0x283: {  	v21 =	vmul.f32 v21, v10;
	v13 =	vsub.f32 v13, v11;
	v16 =	vsub.f32 v16, v11;
	v22 =	vld [tilespmem:s29+$0x0]  }
0x284: {  	v29 =	vld [tilespmem:s29+$0x10];
	v32 =	vsub.f32 v19, v11;
	v30 =	vsub.f32 v17, v11  }
0x285: {  	v24 =	vmul.f32 v15, v24;
	v15 =	vmul.f32 v13, v14;
	v14 =	vsub.f32 v21, v11;
	v17 =	vld [tilespmem:s29+$0x20]  }
0x286: {  	v20 =	vadd.f32 v12, v20;
	v31 =	vsub.f32 v18, v11;
	v18 =	vld [tilespmem:s29+$0x30];
	v21 =	vmul.f32 v30, v23  }
0x287: {  	v19 =	vld [tilespmem:s29+$0x40];
	v13 =	vmul.f32 v32, v27  }
0x288: {  	v12 =	vmul.f32 v16, v25;
	[tilespmem:v9+s26+$0x4070 ss:$0x1] =	vst.idx.msk $0xffff, v20;
	v20 =	vld [tilespmem:s29+$0x50];
	v23 =	vadd.f32 v21, v22  }
0x289: {  	s30 =	simm.s32 $0x0;
	s28 =	sadd.s32 $0x400, s28;
	v14 =	vmul.f32 v14, v28;
	v16 =	vmul.f32 v31, v26;
	v22 =	vadd.f32 v24, v29;
	v21 =	vld [tilespmem:s29+$0x60]  }
.LBB2_23:
0x28a: {  	v24 =	vld.idx.msk [tilespmem:v9+s28+$0x4070 ss:$0x1], $0xffff;
	s30 =	sadd.s32 $0x8, s30;
	[tilespmem:v9+s26+$0x4000 ss:$0x1] =	vst.idx.msk $0xffff, v23;
	v15 =	vadd.f32 v15, v17  }
0x28b: {  	v17 =	vld.idx.msk [tilespmem:v9+s28+$0x4010 ss:$0x1], $0xffff;
	p0 =	slt.u32 s30, $0x38;
	[tilespmem:v9+s26+$0x4010 ss:$0x1] =	vst.idx.msk $0xffff, v22;
	v12 =	vadd.f32 v12, v18  }
0x28c: {  	v18 =	vld.idx.msk [tilespmem:v9+s28+$0x4020 ss:$0x1], $0xffff;
	[tilespmem:v9+s26+$0x4020 ss:$0x1] =	vst.idx.msk $0xffff, v15;
	v15 =	vadd.f32 v16, v19  }
0x28d: {  	v16 =	vld.idx.msk [tilespmem:v9+s28+$0x4030 ss:$0x1], $0xffff;
	[tilespmem:v9+s26+$0x4030 ss:$0x1] =	vst.idx.msk $0xffff, v12;
	v12 =	vadd.f32 v13, v20  }
0x28e: {  	s29 =	sadd.s32 $0x100, s29;
	v13 =	vld.idx.msk [tilespmem:v9+s28+$0x4040 ss:$0x1], $0xffff;
	[tilespmem:v9+s26+$0x4040 ss:$0x1] =	vst.idx.msk $0xffff, v15;
	v14 =	vadd.f32 v14, v21  }
0x28f: {  	v15 =	vld [tilespmem:s29+$0xFFFFFFF0];
	[tilespmem:v9+s26+$0x4050 ss:$0x1] =	vst.idx.msk $0xffff, v12  }
0x290: {  	v19 =	vmul.f32 v24, v10;
	v12 =	vld.idx.msk [tilespmem:v9+s28+$0x4050 ss:$0x1], $0xffff;
	[tilespmem:v9+s26+$0x4060 ss:$0x1] =	vst.idx.msk $0xffff, v14  }
0x291: {  	v14 =	vmul.f32 v17, v10;
	v17 =	vld [tilespmem:s29+$0x70]  }
0x292: {  	v18 =	vmul.f32 v18, v10;
	v19 =	vsub.f32 v19, v11;
	v20 =	vld.idx.msk [tilespmem:v9+s28+$0x4060 ss:$0x1], $0xffff  }
0x293: {  	v14 =	vsub.f32 v14, v11;
	v16 =	vmul.f32 v16, v10;
	v21 =	vld.idx.msk [tilespmem:v9+s28+$0x4000 ss:$0x1], $0xffff  }
0x294: {  	v18 =	vsub.f32 v18, v11;
	v13 =	vmul.f32 v13, v10;
	v22 =	vld [tilespmem:s29+$0xFFFFFF80];
	v15 =	vmul.f32 v19, v15  }
0x295: {  	v16 =	vsub.f32 v16, v11;
	v19 =	vld [tilespmem:s29+$0xFFFFFF90]  }
0x296: {  	v13 =	vsub.f32 v13, v11;
	v12 =	vmul.f32 v12, v10;
	v23 =	vld [tilespmem:s29+$0xFFFFFFA0];
	v15 =	vadd.f32 v15, v17  }
0x297: {  	s26 =	sadd.s32 $0x400, s26;
	v17 =	vld [tilespmem:s29+$0xFFFFFFB0]  }
0x298: {  	v25 =	vsub.f32 v12, v11;
	v12 =	vmul.f32 v20, v10;
	v24 =	vld [tilespmem:s29+$0xFFFFFFC0];
	[tilespmem:v9+s26+$0x4070 ss:$0x1] =	vst.idx.msk $0xffff, v15  }
0x299: {  	v15 =	vmul.f32 v21, v10;
	v20 =	vld [tilespmem:s29+$0xFFFFFFD0]  }
0x29a: {  	v21 =	vmul.f32 v14, v19;
	v14 =	vsub.f32 v12, v11;
	v26 =	vld [tilespmem:s29+$0xFFFFFFE0]  }
0x29b: {  	v19 =	vsub.f32 v15, v11;
	v27 =	vld [tilespmem:s29+$0x0];
	v15 =	vmul.f32 v18, v23  }
0x29c: {  	v28 =	vld [tilespmem:s29+$0x10];
	v12 =	vmul.f32 v16, v17  }
.Ltmp19:
0x29d: {  	v22 =	vmul.f32 v19, v22;
	v17 =	vld [tilespmem:s29+$0x20];
	v16 =	vmul.f32 v13, v24;
	(pc) =	sbr.rel @p0 .LBB2_23-.Ltmp19, $4  }
0x29e: {  	v18 =	vld [tilespmem:s29+$0x30];
	v13 =	vmul.f32 v25, v20  }
0x29f: {  	v19 =	vld [tilespmem:s29+$0x40];
	v14 =	vmul.f32 v14, v26  }
0x2a0: {  	v23 =	vadd.f32 v22, v27;
	v20 =	vld [tilespmem:s29+$0x50]  }
0x2a1: {  	s28 =	sadd.s32 $0x400, s28;
	v22 =	vadd.f32 v21, v28;
	v21 =	vld [tilespmem:s29+$0x60]  }
0x2a2: {  	_ =	sdelay $0x3  }
0x2a3: {  	[tilespmem:v9+s26+$0x4000 ss:$0x1] =	vst.idx.msk $0xffff, v23;
	v10 =	vadd.f32 v15, v17;
	s25 =	sadd.s32 $0x1, s25  }
0x2a4: {  	[tilespmem:v9+s26+$0x4010 ss:$0x1] =	vst.idx.msk $0xffff, v22;
	v11 =	vadd.f32 v12, v18;
	p0 =	sne.s32 s25, $0x10  }
.Ltmp20:
0x2a5: {  	[tilespmem:v9+s26+$0x4020 ss:$0x1] =	vst.idx.msk $0xffff, v10;
	v10 =	vadd.f32 v16, v19;
	(pc) =	sbr.rel @p0 .LBB2_20-.Ltmp20, $4  }
0x2a6: {  	[tilespmem:v9+s26+$0x4030 ss:$0x1] =	vst.idx.msk $0xffff, v11;
	v11 =	vadd.f32 v13, v20  }
0x2a7: {  	[tilespmem:v9+s26+$0x4040 ss:$0x1] =	vst.idx.msk $0xffff, v10;
	v10 =	vadd.f32 v14, v21  }
0x2a8: {  	[tilespmem:v9+s26+$0x4050 ss:$0x1] =	vst.idx.msk $0xffff, v11  }
0x2a9: {  	s23 =	sadd.s32 $0x1, s23;
	s22 =	sadd.s32 $0x400, s22;
	[tilespmem:v9+s26+$0x4060 ss:$0x1] =	vst.idx.msk $0xffff, v10  }
.LBB2_32:
.Ltmp21:
0x2aa: {  	(pc) =	sbr.rel @p1 .LBB2_34-.Ltmp21, $4  }
0x2ab: {  	_ = 	snop  }
0x2ac: {  	s0 =	sshll.u32 s20, $0xB  }
0x2ad: {  	s3 =	simm.s32 $0x16000;
	s0 =	sadd.s32 s0, s14  }
0x2ae: {  	[hbm4b:s0+s5] =	stream.linear.scatter [tilespmem:s3], [sflag:$0x6], $0x4000, $0x38;
	[tilespmem:$0x1B400] =	vst v63  }
0x2af: {  	v8 =	vld [tilespmem:s19+$0x180];
	_ =	sdelay $0x4  }
0x2b0: {  	v9 =	vshll.u32 v8, $0x3  }
0x2b1: {  	v8 =	vand.u32 $0x7, v8;
	v9 =	vand.u32 $0xFFFFFFC0, v9  }
0x2b2: {  	v8 =	vor.u32 v8, v9  }
0x2b3: {  	v9 =	vperm.xlane v8, v1;
	_ =	sdelay $0x1  }
0x2b4: {  	v9 =	vadd.s32 v2, v9;
	_ =	sdelay $0x3  }
0x2b5: {  	s0 =	simm.s32 $0x6000  }
0x2b6: {  	[tilespmem:s0], [sflag:$0x2] =	stream.indirect_vreg.gather [hbm4b:s2+s5], $0x80, v9, vm0, $0xb8;
	[tilespmem:$0x1B400] =	vst v63  }
0x2b7: {  	s31 =	simm.s32 $0x6800;
	v8 =	vperm.xlane v8, v3  }
0x2b8: {  	[tilespmem:s31], [sflag:$0x2] =	stream.indirect_vreg.gather [hbm4b:s8+s5], $0x80, v9, vm0, $0xb8;
	[tilespmem:$0x1B400] =	vst v63  }
0x2b9: {  	s3 =	simm.s32 $0x7000;
	v8 =	vadd.s32 v2, v8  }
0x2ba: {  	[tilespmem:s3], [sflag:$0x2] =	stream.indirect_vreg.gather [hbm4b:s9+s5], $0x80, v9, vm0, $0xb8;
	[tilespmem:$0x1B400] =	vst v63  }
0x2bb: {  	s4 =	simm.s32 $0x7800  }
0x2bc: {  	[tilespmem:s4], [sflag:$0x2] =	stream.indirect_vreg.gather [hbm4b:s10+s5], $0x80, v9, vm0, $0xb8;
	[tilespmem:$0x1B400] =	vst v63  }
0x2bd: {  	s7 =	simm.s32 $0x8000  }
0x2be: {  	[tilespmem:s7], [sflag:$0x2] =	stream.indirect_vreg.gather [hbm4b:s2+s5], $0x80, v8, vm0, $0xb8;
	[tilespmem:$0x1B400] =	vst v63  }
0x2bf: {  	s16 =	simm.s32 $0x8800  }
0x2c0: {  	[tilespmem:s16], [sflag:$0x2] =	stream.indirect_vreg.gather [hbm4b:s8+s5], $0x80, v8, vm0, $0xb8;
	[tilespmem:$0x1B400] =	vst v63  }
0x2c1: {  	s20 =	simm.s32 $0x9000  }
0x2c2: {  	[tilespmem:s20], [sflag:$0x2] =	stream.indirect_vreg.gather [hbm4b:s9+s5], $0x80, v8, vm0, $0xb8;
	[tilespmem:$0x1B400] =	vst v63  }
0x2c3: {  	s21 =	simm.s32 $0x9800  }
0x2c4: {  	[tilespmem:s21], [sflag:$0x2] =	stream.indirect_vreg.gather [hbm4b:s10+s5], $0x80, v8, vm0, $0xb8;
	[tilespmem:$0x1B400] =	vst v63  }
0x2c5: {  	v8 =	vld [tilespmem:s19+$0x980];
	_ =	sdelay $0x4  }
0x2c6: {  	v63 =	vshll.u32 v8, $0x3  }
0x2c7: {  	v8 =	vand.u32 $0x7, v8;
	v9 =	vand.u32 $0xFFFFFFC0, v63  }
0x2c8: {  	v8 =	vor.u32 v8, v9  }
0x2c9: {  	v9 =	vperm.xlane v8, v1;
	_ =	sdelay $0x1  }
0x2ca: {  	v9 =	vadd.s32 v2, v9;
	_ =	sdelay $0x3  }
0x2cb: {  	s22 =	simm.s32 $0xE000  }
0x2cc: {  	[tilespmem:s22], [sflag:$0x4] =	stream.indirect_vreg.gather [hbm4b:s6+s5], $0x80, v9, vm0, $0xb8;
	[tilespmem:$0x1B400] =	vst v63  }
0x2cd: {  	s23 =	simm.s32 $0xE800;
	v8 =	vperm.xlane v8, v3  }
0x2ce: {  	[tilespmem:s23], [sflag:$0x4] =	stream.indirect_vreg.gather [hbm4b:s11+s5], $0x80, v9, vm0, $0xb8;
	[tilespmem:$0x1B400] =	vst v63  }
0x2cf: {  	s25 =	simm.s32 $0xF000;
	v8 =	vadd.s32 v2, v8  }
0x2d0: {  	[tilespmem:s25], [sflag:$0x4] =	stream.indirect_vreg.gather [hbm4b:s12+s5], $0x80, v9, vm0, $0xb8;
	[tilespmem:$0x1B400] =	vst v63  }
0x2d1: {  	s26 =	simm.s32 $0xF800  }
0x2d2: {  	[tilespmem:s26], [sflag:$0x4] =	stream.indirect_vreg.gather [hbm4b:s13+s5], $0x80, v9, vm0, $0xb8;
	[tilespmem:$0x1B400] =	vst v63  }
0x2d3: {  	s28 =	simm.s32 $0x10000  }
0x2d4: {  	[tilespmem:s28], [sflag:$0x4] =	stream.indirect_vreg.gather [hbm4b:s6+s5], $0x80, v8, vm0, $0xb8;
	[tilespmem:$0x1B400] =	vst v63  }
0x2d5: {  	s29 =	simm.s32 $0x10800  }
0x2d6: {  	[tilespmem:s29], [sflag:$0x4] =	stream.indirect_vreg.gather [hbm4b:s11+s5], $0x80, v8, vm0, $0xb8;
	[tilespmem:$0x1B400] =	vst v63  }
.Ltmp22:
0x2d7: {  	_ = 	snop;
	(pc) =	sbr.rel .LBB2_4-.Ltmp22, $4  }
0x2d8: {  	s30 =	simm.s32 $0x11000  }
0x2d9: {  	[tilespmem:s30], [sflag:$0x4] =	stream.indirect_vreg.gather [hbm4b:s12+s5], $0x80, v8, vm0, $0xb8;
	[tilespmem:$0x1B400] =	vst v63  }
0x2da: {  	s17 =	sadd.s32 $0x1, s17;
	s31 =	simm.s32 $0x11800  }
0x2db: {  	[tilespmem:s31], [sflag:$0x4] =	stream.indirect_vreg.gather [hbm4b:s13+s5], $0x80, v8, vm0, $0xb8;
	[tilespmem:$0x1B400] =	vst v63  }
.LBB2_35:
0x2dc: {  	_ =	sfence.sel $0x180000  }
0x2dd: {  	[bflag:$0x0] =	sbarrier.arrive $0xFFFF  }
0x2de: {  	_ =	strace $0x90000047  }
0x2df: {  	s0 =	stileid.u32;
	[bflag:$0x2] =	sbarrier.arrive $0xFFFF  }
0x2e0: {  	p0 =	sne.s32 s0, $0x0;
	s0 =	rddreg [dreg:$0x4]  }
0x2e1: {  	s0 =	sadd.s32 @!p0 $0x100000, s0  }
0x2e2: {  	[sflag:s0] =	ssyncadd.tile.s32 @!p0 $0x1;
	_ =	shalt  }
.Lfunc_end2:
_tile_overlayer_lowered:
.L_overlay_start_2:
0x2e3: {  	(tag) =	ssettag $0x2  }
0x2e4: {  	s0 =	rddreg [dreg:$0x0];
	s2 =	stileid.u32  }
0x2e5: {  	s1 =	rddreg [dreg:$0x1];
	p0 =	sne.s32 s2, $0x0  }
0x2e6: {  	s3 =	rddreg [dreg:$0x2];
	[bflag:$0x3] =	sbarrier.arrive $0xFFFF;
	s2 =	simm.s32 @!p0 $0x1C07  }
0x2e7: {  	[timem:s3], [sflag:s2] =	dma.local @!p0 [hbm:s0], s1  }
0x2e8: {  	s0 =	simm.s32 @!p0 $0x7  }
0x2e9: {  	_ =	swait.ge @!p0 [sflag:s0], s1  }
0x2ea: {  	s1 =	ssub.s32 @!p0 $0x0, s1;
	[sflag:s0] =	ssyncset.done @!p0 $0x0  }
0x2eb: {  	[sflag:s0] =	ssyncadd.s32 @!p0 s1  }
0x2ec: {  	[bflag:$0x3] =	sbarrier.arrive $0xFFFF  }
0x2ed: {  	_ =	shalt  }

</sc_bundles>
